<compile_context>
chip_gen: v7x
topology: tpu7x:2x2x1
jax: 0.10.2.dev20260603
libtpu: 0.0.44.dev20260713+nightly
codegen_flags: <defaults>
</compile_context>

<pallas_src>
import functools

import jax
import jax.numpy as jnp
from jax import lax
from jax.experimental import pallas as pl
from jax.experimental.pallas import tpu as pltpu
from jax.experimental.pallas import tpu_sc as plsc

N = 10000
NPAD = 10240
E = 320000
D = 128
H = 128
NC = 2
NS = 16
HN = NPAD // NC
HNP = HN + 8
EPS = E // NS
RPT = HN // NS
RPTN = NPAD // NS

CHC = 80
NCH_C = EPS // CHC

_MESH = dict(core_axis_name="c", subcore_axis_name="s", num_cores=NC,
             num_subcores=NS)


def _fill(ref, nrows, ncols, val):
    v = jnp.full((16,), val, jnp.float32)

    @pl.loop(0, nrows)
    def _(i):
        for j in range(ncols // 16):
            ref[i, pl.ds(j * 16, 16)] = v


def _remap_all(idx_v, c, n):
    base = c * HN

    @pl.loop(0, n // 16)
    def _(v):
        iv = idx_v[pl.ds(v * 16, 16)]
        rel = iv - base
        ok = (rel >= 0) & (rel < HN)
        idx_v[pl.ds(v * 16, 16)] = jnp.where(ok, rel, HN)


CHD = 200
NCH_D = EPS // CHD


def _sc_degree(dst):
    @functools.partial(
        pl.kernel,
        out_type=jax.ShapeDtypeStruct((NPAD, 16), jnp.float32),
        mesh=plsc.VectorSubcoreMesh(**_MESH),
        scratch_types=[
            pltpu.VMEM_SHARED((HNP, 16), jnp.float32),
            pltpu.VMEM((EPS,), jnp.int32),
            pltpu.VMEM((CHD, 16), jnp.float32),
        ],
    )
    def k(dst_hbm, out_hbm, acc_sh, idx_v, ones_v):
        c = lax.axis_index("c")
        s = lax.axis_index("s")
        _fill(ones_v, CHD, 16, 0.0)
        pltpu.sync_copy(ones_v, acc_sh.at[pl.ds(s * RPT, CHD)])
        pltpu.sync_copy(ones_v.at[pl.ds(0, RPT - CHD)],
                        acc_sh.at[pl.ds(s * RPT + CHD, RPT - CHD)])
        _fill(ones_v, CHD, 16, 1.0)
        pltpu.sync_copy(dst_hbm.at[pl.ds(s * EPS, EPS)], idx_v)
        _remap_all(idx_v, c, EPS)
        plsc.subcore_barrier()

        @pl.loop(0, NCH_D)
        def _(g):
            pltpu.sync_copy(ones_v, acc_sh.at[idx_v.at[pl.ds(g * CHD, CHD)]],
                            add=True)

        plsc.subcore_barrier()
        pltpu.sync_copy(acc_sh.at[pl.ds(s * RPT, RPT)],
                        out_hbm.at[pl.ds(c * HN + s * RPT, RPT)])

    return k(dst)


@functools.cache
def _sc_conv_kernel():
    @functools.partial(
        pl.kernel,
        out_type=jax.ShapeDtypeStruct((NPAD, H), jnp.float32),
        mesh=plsc.VectorSubcoreMesh(**_MESH),
        scratch_types=[
            pltpu.VMEM_SHARED((HNP, H), jnp.float32),
            pltpu.VMEM((EPS,), jnp.int32),
            pltpu.VMEM((EPS,), jnp.int32),
            pltpu.VMEM((CHC, H), jnp.float32),
            pltpu.VMEM((CHC, H), jnp.float32),
            pltpu.SemaphoreType.DMA,
            pltpu.SemaphoreType.DMA,
        ],
    )
    def k(hs_hbm, src_hbm, dst_hbm, out_hbm, acc_sh, src_v, dst_v,
          r0, r1, s0, s1):
        c = lax.axis_index("c")
        s = lax.axis_index("s")
        rows = (r0, r1)
        sems = (s0, s1)
        _fill(r0, CHC, H, 0.0)
        for t in range(RPT // CHC):
            pltpu.sync_copy(r0, acc_sh.at[pl.ds(s * RPT + t * CHC, CHC)])
        pltpu.sync_copy(src_hbm.at[pl.ds(s * EPS, EPS)], src_v)
        pltpu.sync_copy(dst_hbm.at[pl.ds(s * EPS, EPS)], dst_v)
        _remap_all(dst_v, c, EPS)
        plsc.subcore_barrier()

        for b in range(2):
            pltpu.async_copy(hs_hbm.at[src_v.at[pl.ds(b * CHC, CHC)]],
                             rows[b], sems[b])

        @pl.loop(0, NCH_C // 2)
        def _(p):
            for b in range(2):
                cur = p * 2 + b
                pltpu.make_async_copy(
                    hs_hbm.at[src_v.at[pl.ds(cur * CHC, CHC)]],
                    rows[b], sems[b]).wait()
                pltpu.sync_copy(
                    rows[b], acc_sh.at[dst_v.at[pl.ds(cur * CHC, CHC)]],
                    add=True)
                nxt = cur + 2

                @pl.when(nxt < NCH_C)
                def _():
                    pltpu.async_copy(
                        hs_hbm.at[src_v.at[pl.ds(nxt * CHC, CHC)]],
                        rows[b], sems[b])

        plsc.subcore_barrier()
        pltpu.sync_copy(acc_sh.at[pl.ds(s * RPT, RPT)],
                        out_hbm.at[pl.ds(c * HN + s * RPT, RPT)])

    return k


def _sc_conv(hs, src, dst):
    return _sc_conv_kernel()(hs, src, dst)


NW = NC * NS
EPW = E // NW
CHE = 40
NCHE = EPW // CHE


def _sc_edge(a, b, src, dst, w2):
    @functools.partial(
        pl.kernel,
        out_type=jax.ShapeDtypeStruct((E, 16), jnp.float32),
        mesh=plsc.VectorSubcoreMesh(**_MESH),
        scratch_types=[
            pltpu.VMEM((EPW,), jnp.int32),
            pltpu.VMEM((EPW,), jnp.int32),
            pltpu.VMEM((CHE, H), jnp.float32),
            pltpu.VMEM((CHE, H), jnp.float32),
            pltpu.VMEM((CHE, H), jnp.float32),
            pltpu.VMEM((CHE, H), jnp.float32),
            pltpu.VMEM((2 * CHE, 16), jnp.float32),
            pltpu.VMEM((H,), jnp.float32),
            pltpu.SemaphoreType.DMA,
            pltpu.SemaphoreType.DMA,
        ],
    )
    def k(a_hbm, b_hbm, src_hbm, dst_hbm, w_hbm, out_hbm, src_v, dst_v,
          a0, a1, b0, b1, part_v, w_v, s0, s1):
        c = lax.axis_index("c")
        s = lax.axis_index("s")
        wid = s * NC + c
        abufs = (a0, a1)
        bbufs = (b0, b1)
        sems = (s0, s1)
        pltpu.sync_copy(w_hbm, w_v)
        pltpu.sync_copy(src_hbm.at[pl.ds(wid * EPW, EPW)], src_v)
        pltpu.sync_copy(dst_hbm.at[pl.ds(wid * EPW, EPW)], dst_v)
        wvecs = [w_v[pl.ds(j * 16, 16)] for j in range(H // 16)]

        for q in range(2):
            pltpu.async_copy(a_hbm.at[src_v.at[pl.ds(q * CHE, CHE)]],
                             abufs[q], sems[q])
            pltpu.async_copy(b_hbm.at[dst_v.at[pl.ds(q * CHE, CHE)]],
                             bbufs[q], sems[q])

        @pl.loop(0, NCHE // 2)
        def _(p):
            for q in range(2):
                cur = p * 2 + q
                pltpu.make_async_copy(
                    a_hbm.at[src_v.at[pl.ds(cur * CHE, CHE)]],
                    abufs[q], sems[q]).wait()
                pltpu.make_async_copy(
                    b_hbm.at[dst_v.at[pl.ds(cur * CHE, CHE)]],
                    bbufs[q], sems[q]).wait()

                @pl.loop(0, CHE)
                def _(e):
                    acc = jnp.zeros((16,), jnp.float32)
                    for j in range(H // 16):
                        av = abufs[q][e, pl.ds(j * 16, 16)]
                        bv = bbufs[q][e, pl.ds(j * 16, 16)]
                        acc = acc + jnp.maximum(av + bv, 0.0) * wvecs[j]
                    part_v[e + q * CHE, :] = acc

                nxt = cur + 2

                @pl.when(nxt < NCHE)
                def _():
                    pltpu.async_copy(
                        a_hbm.at[src_v.at[pl.ds(nxt * CHE, CHE)]],
                        abufs[q], sems[q])
                    pltpu.async_copy(
                        b_hbm.at[dst_v.at[pl.ds(nxt * CHE, CHE)]],
                        bbufs[q], sems[q])

            pltpu.sync_copy(part_v,
                            out_hbm.at[pl.ds(wid * EPW + p * 2 * CHE,
                                             2 * CHE)])

    return k(a, b, src, dst, w2)


_BN = 1024
_NB = NPAD // _BN


def _tc_linear(x, w, bias=None, scale=None, relu=False):
    in_specs = [
        pl.BlockSpec((_BN, x.shape[1]), lambda i: (i, 0)),
        pl.BlockSpec(w.shape, lambda i: (0, 0)),
    ]
    args = [x, w]
    if bias is not None:
        in_specs.append(pl.BlockSpec((1, H), lambda i: (0, 0)))
        args.append(bias)
    if scale is not None:
        in_specs.append(pl.BlockSpec((_BN, 1), lambda i: (i, 0)))
        args.append(scale)

    def body(*refs):
        x_ref, w_ref, rest = refs[0], refs[1], list(refs[2:-1])
        o_ref = refs[-1]
        y = jnp.dot(x_ref[...], w_ref[...], preferred_element_type=jnp.float32)
        if bias is not None:
            y = y + rest.pop(0)[...]
        if scale is not None:
            y = y * rest.pop(0)[...]
        if relu:
            y = jnp.maximum(y, 0.0)
        o_ref[...] = y

    return pl.pallas_call(
        body,
        grid=(_NB,),
        in_specs=in_specs,
        out_specs=pl.BlockSpec((_BN, H), lambda i: (i, 0)),
        out_shape=jax.ShapeDtypeStruct((NPAD, H), jnp.float32),
    )(*args)


def _tc_dinv(deg):
    def body(d_ref, o_ref):
        o_ref[...] = lax.rsqrt(1.0 + d_ref[:, :1])

    return pl.pallas_call(
        body,
        grid=(_NB,),
        in_specs=[pl.BlockSpec((_BN, 16), lambda i: (i, 0))],
        out_specs=pl.BlockSpec((_BN, 1), lambda i: (i, 0)),
        out_shape=jax.ShapeDtypeStruct((NPAD, 1), jnp.float32),
    )(deg)


def _tc_merge(acc, hs, dinv, bias):
    def body(a_ref, hs_ref, s_ref, b_ref, o_ref):
        y = s_ref[...] * (a_ref[...] + hs_ref[...]) + b_ref[...]
        o_ref[...] = jnp.maximum(y, 0.0)

    blk = lambda i: (i, 0)
    return pl.pallas_call(
        body,
        grid=(_NB,),
        in_specs=[pl.BlockSpec((_BN, H), blk), pl.BlockSpec((_BN, H), blk),
                  pl.BlockSpec((_BN, 1), blk),
                  pl.BlockSpec((1, H), lambda i: (0, 0))],
        out_specs=pl.BlockSpec((_BN, H), blk),
        out_shape=jax.ShapeDtypeStruct((NPAD, H), jnp.float32),
    )(acc, hs, dinv, bias)


_BE = 4000


def _tc_finish(part, b2):
    def body(p_ref, b_ref, o_ref):
        o_ref[...] = jnp.sum(p_ref[...], axis=-1, keepdims=True) + b_ref[...]

    return pl.pallas_call(
        body,
        grid=(E // _BE,),
        in_specs=[pl.BlockSpec((_BE, 16), lambda i: (i, 0)),
                  pl.BlockSpec((1, 1), lambda i: (0, 0))],
        out_specs=pl.BlockSpec((_BE, 1), lambda i: (i, 0)),
        out_shape=jax.ShapeDtypeStruct((E, 1), jnp.float32),
    )(part, b2)


def kernel(x, edge_index, fc_in_W, fc_in_b, conv1_W, conv1_b, conv2_W,
           conv2_b, mlp1_W, mlp1_b, mlp2_W, mlp2_b):
    src = edge_index[0]
    dst = edge_index[1]
    xp = jnp.pad(x, ((0, NPAD - N), (0, 0)))

    h0 = _tc_linear(xp, fc_in_W, bias=fc_in_b.reshape(1, H), relu=True)

    deg = _sc_degree(dst)
    dinv = _tc_dinv(deg)

    hs1 = _tc_linear(h0, conv1_W, scale=dinv)
    acc1 = _sc_conv(hs1, src, dst)
    h1 = _tc_merge(acc1, hs1, dinv, conv1_b.reshape(1, H))

    hs2 = _tc_linear(h1, conv2_W, scale=dinv)
    acc2 = _sc_conv(hs2, src, dst)
    h2 = _tc_merge(acc2, hs2, dinv, conv2_b.reshape(1, H))

    a = _tc_linear(h2, mlp1_W[:H], bias=mlp1_b.reshape(1, H))
    b = _tc_linear(h2, mlp1_W[H:])

    part = _sc_edge(a, b, src, dst, mlp2_W[:, 0])
    logits = _tc_finish(part, mlp2_b.reshape(1, 1))
    return logits[:, 0]

# --- scband reference (transcript-rebuilt; emitter-appended) ---
"""Pipeline reference for scband-static-edge-gnn-85744727097867 (READ-ONLY COPY).

The authoritative reference and input builder live on the scoring server;
editing this copy changes nothing except your own understanding.
"""

import jax, jax.numpy as jnp
import numpy as np

N = 10000
E = 320000
D = 128
H = 128


def _lin_init(k, fan_in, fan_out):
    return jax.random.normal(k, (fan_in, fan_out), dtype=jnp.float32) * (1.0 / np.sqrt(fan_in))


def setup_inputs(seed: int = 0) -> dict:
    key = jax.random.key(seed)
    ks = jax.random.split(key, 12)
    x = jax.random.normal(ks[0], (N, D), dtype=jnp.float32)
    edge_index = jax.random.randint(ks[1], (2, E), 0, N, dtype=jnp.int32)
    return {
        "x": x,
        "edge_index": edge_index,
        "fc_in_W": _lin_init(ks[2], D, H),
        "fc_in_b": jnp.zeros((H,), dtype=jnp.float32),
        "conv1_W": _lin_init(ks[3], H, H),
        "conv1_b": jnp.zeros((H,), dtype=jnp.float32),
        "conv2_W": _lin_init(ks[4], H, H),
        "conv2_b": jnp.zeros((H,), dtype=jnp.float32),
        "mlp1_W": _lin_init(ks[5], 2 * H, H),
        "mlp1_b": jnp.zeros((H,), dtype=jnp.float32),
        "mlp2_W": _lin_init(ks[6], H, 1),
        "mlp2_b": jnp.zeros((1,), dtype=jnp.float32),
    }


def _gcn_conv(h, src, dst, W, b, n_nodes):
    # PyG GCNConv: add self-loops, symmetric normalization D^-1/2 (A+I) D^-1/2, then linear
    h = h @ W
    loop = jnp.arange(n_nodes, dtype=src.dtype)
    src2 = jnp.concatenate([src, loop])
    dst2 = jnp.concatenate([dst, loop])
    deg = jax.ops.segment_sum(jnp.ones_like(src2, dtype=h.dtype), dst2, num_segments=n_nodes)
    dinv = jnp.where(deg > 0, deg ** -0.5, 0.0)
    norm = dinv[src2] * dinv[dst2]
    msg = h[src2] * norm[:, None]
    out = jax.ops.segment_sum(msg, dst2, num_segments=n_nodes)
    return out + b


def reference(x, edge_index, fc_in_W, fc_in_b, conv1_W, conv1_b, conv2_W, conv2_b, mlp1_W, mlp1_b, mlp2_W, mlp2_b):
    src, dst = edge_index[0], edge_index[1]
    h = jax.nn.relu(x @ fc_in_W + fc_in_b)
    # dropout is identity in eval mode
    h = jax.nn.relu(_gcn_conv(h, src, dst, conv1_W, conv1_b, N))
    h = jax.nn.relu(_gcn_conv(h, src, dst, conv2_W, conv2_b, N))
    edge_features = jnp.concatenate([h[src], h[dst]], axis=1)
    m = jax.nn.relu(edge_features @ mlp1_W + mlp1_b)
    logits = (m @ mlp2_W + mlp2_b).squeeze(-1)
    return logits

if __name__ == "__main__":
    import jax
    _d = setup_inputs()
    print(jax.jit(kernel)(*tuple(_d.values())))

</pallas_src>

<mosaic_0001>
#map = affine_map<(d0, d1) -> (0, 0)>
#map1 = affine_map<(d0, d1) -> (0)>
module attributes {stable_mosaic.version = 14 : i64} {
  func.func @k(%arg0: i32, %arg1: i32, %arg2: memref<10240x128xf32, #tpu.memory_space<hbm>>, %arg3: memref<320000xi32, #tpu.memory_space<hbm>>, %arg4: memref<320000xi32, #tpu.memory_space<hbm>>, %arg5: memref<10240x128xf32, #tpu.memory_space<hbm>>, %arg6: memref<5128x128xf32, #tpu.memory_space<vmem_shared>>, %arg7: memref<20000xi32, #tpu.memory_space<vmem>>, %arg8: memref<20000xi32, #tpu.memory_space<vmem>>, %arg9: memref<80x128xf32, #tpu.memory_space<vmem>>, %arg10: memref<80x128xf32, #tpu.memory_space<vmem>>, %arg11: memref<!tpu.dma_semaphore, #tpu.memory_space<semaphore_mem>>, %arg12: memref<!tpu.dma_semaphore, #tpu.memory_space<semaphore_mem>>) attributes {dimension_semantics = [#tpu.dimension_semantics<core_parallel>, #tpu.dimension_semantics<subcore_parallel>], iteration_bounds = array<i64: 2, 16>, scalar_prefetch = 0 : i64, scratch_operands = 7 : i64, tpu.core_type = #tpu.core_type<sc_vector_subcore>, window_params = [{transform_indices = #map}, {transform_indices = #map1}, {transform_indices = #map1}, {transform_indices = #map}]} {
    %broadcast_in_dim3A = arith.constant 0.000000e+00 : f32
    %broadcast_in_dim3A_0 = vector.broadcast %broadcast_in_dim3A : f32 to vector<16xf32>
    %scan3A = arith.constant 0 : i32
    %scan3A_1 = arith.constant 80 : i32
    %scan3A_2 = arith.addi %scan3A, %scan3A_1 : i32
    %scan3A_3 = arith.constant 1 : i32
    scf.for %scan3A_52 = %scan3A to %scan3A_2 step %scan3A_3  : i32 {
      %mul3A_53 = arith.constant 1 : i32
      %mul3A_54 = arith.muli %scan3A_52, %mul3A_53 : i32
      %add3A_55 = arith.constant 0 : i32
      %add3A_56 = arith.addi %add3A_55, %mul3A_54 : i32
      %swap3A = arith.index_cast %add3A_56 : i32 to index
      %swap3A_57 = arith.constant 0 : index
      %swap3A_58 = tpu.vector_load %arg9[%swap3A, %swap3A_57] {strides = array<i32>} : memref<80x128xf32, #tpu.memory_space<vmem>>, vector<1x16xf32>,
      %swap3A_59 = vector.shape_cast %swap3A_58 : vector<1x16xf32> to vector<16xf32>
      %swap3A_60 = vector.shape_cast %broadcast_in_dim3A_0 : vector<16xf32> to vector<1x16xf32>
      tpu.vector_store %arg9[%swap3A, %swap3A_57], %swap3A_60 {strides = array<i32>} : memref<80x128xf32, #tpu.memory_space<vmem>>, vector<1x16xf32>,
      %swap3A_61 = arith.index_cast %add3A_56 : i32 to index
      %swap3A_62 = arith.constant 16 : index
      %swap3A_63 = tpu.vector_load %arg9[%swap3A_61, %swap3A_62] {strides = array<i32>} : memref<80x128xf32, #tpu.memory_space<vmem>>, vector<1x16xf32>,
      %swap3A_64 = vector.shape_cast %swap3A_63 : vector<1x16xf32> to vector<16xf32>
      %swap3A_65 = vector.shape_cast %broadcast_in_dim3A_0 : vector<16xf32> to vector<1x16xf32>
      tpu.vector_store %arg9[%swap3A_61, %swap3A_62], %swap3A_65 {strides = array<i32>} : memref<80x128xf32, #tpu.memory_space<vmem>>, vector<1x16xf32>,
      %swap3A_66 = arith.index_cast %add3A_56 : i32 to index
      %swap3A_67 = arith.constant 32 : index
      %swap3A_68 = tpu.vector_load %arg9[%swap3A_66, %swap3A_67] {strides = array<i32>} : memref<80x128xf32, #tpu.memory_space<vmem>>, vector<1x16xf32>,
      %swap3A_69 = vector.shape_cast %swap3A_68 : vector<1x16xf32> to vector<16xf32>
      %swap3A_70 = vector.shape_cast %broadcast_in_dim3A_0 : vector<16xf32> to vector<1x16xf32>
      tpu.vector_store %arg9[%swap3A_66, %swap3A_67], %swap3A_70 {strides = array<i32>} : memref<80x128xf32, #tpu.memory_space<vmem>>, vector<1x16xf32>,
      %swap3A_71 = arith.index_cast %add3A_56 : i32 to index
      %swap3A_72 = arith.constant 48 : index
      %swap3A_73 = tpu.vector_load %arg9[%swap3A_71, %swap3A_72] {strides = array<i32>} : memref<80x128xf32, #tpu.memory_space<vmem>>, vector<1x16xf32>,
      %swap3A_74 = vector.shape_cast %swap3A_73 : vector<1x16xf32> to vector<16xf32>
      %swap3A_75 = vector.shape_cast %broadcast_in_dim3A_0 : vector<16xf32> to vector<1x16xf32>
      tpu.vector_store %arg9[%swap3A_71, %swap3A_72], %swap3A_75 {strides = array<i32>} : memref<80x128xf32, #tpu.memory_space<vmem>>, vector<1x16xf32>,
      %swap3A_76 = arith.index_cast %add3A_56 : i32 to index
      %swap3A_77 = arith.constant 64 : index
      %swap3A_78 = tpu.vector_load %arg9[%swap3A_76, %swap3A_77] {strides = array<i32>} : memref<80x128xf32, #tpu.memory_space<vmem>>, vector<1x16xf32>,
      %swap3A_79 = vector.shape_cast %swap3A_78 : vector<1x16xf32> to vector<16xf32>
      %swap3A_80 = vector.shape_cast %broadcast_in_dim3A_0 : vector<16xf32> to vector<1x16xf32>
      tpu.vector_store %arg9[%swap3A_76, %swap3A_77], %swap3A_80 {strides = array<i32>} : memref<80x128xf32, #tpu.memory_space<vmem>>, vector<1x16xf32>,
      %swap3A_81 = arith.index_cast %add3A_56 : i32 to index
      %swap3A_82 = arith.constant 80 : index
      %swap3A_83 = tpu.vector_load %arg9[%swap3A_81, %swap3A_82] {strides = array<i32>} : memref<80x128xf32, #tpu.memory_space<vmem>>, vector<1x16xf32>,
      %swap3A_84 = vector.shape_cast %swap3A_83 : vector<1x16xf32> to vector<16xf32>
      %swap3A_85 = vector.shape_cast %broadcast_in_dim3A_0 : vector<16xf32> to vector<1x16xf32>
      tpu.vector_store %arg9[%swap3A_81, %swap3A_82], %swap3A_85 {strides = array<i32>} : memref<80x128xf32, #tpu.memory_space<vmem>>, vector<1x16xf32>,
      %swap3A_86 = arith.index_cast %add3A_56 : i32 to index
      %swap3A_87 = arith.constant 96 : index
      %swap3A_88 = tpu.vector_load %arg9[%swap3A_86, %swap3A_87] {strides = array<i32>} : memref<80x128xf32, #tpu.memory_space<vmem>>, vector<1x16xf32>,
      %swap3A_89 = vector.shape_cast %swap3A_88 : vector<1x16xf32> to vector<16xf32>
      %swap3A_90 = vector.shape_cast %broadcast_in_dim3A_0 : vector<16xf32> to vector<1x16xf32>
      tpu.vector_store %arg9[%swap3A_86, %swap3A_87], %swap3A_90 {strides = array<i32>} : memref<80x128xf32, #tpu.memory_space<vmem>>, vector<1x16xf32>,
      %swap3A_91 = arith.index_cast %add3A_56 : i32 to index
      %swap3A_92 = arith.constant 112 : index
      %swap3A_93 = tpu.vector_load %arg9[%swap3A_91, %swap3A_92] {strides = array<i32>} : memref<80x128xf32, #tpu.memory_space<vmem>>, vector<1x16xf32>,
      %swap3A_94 = vector.shape_cast %swap3A_93 : vector<1x16xf32> to vector<16xf32>
      %swap3A_95 = vector.shape_cast %broadcast_in_dim3A_0 : vector<16xf32> to vector<1x16xf32>
      tpu.vector_store %arg9[%swap3A_91, %swap3A_92], %swap3A_95 {strides = array<i32>} : memref<80x128xf32, #tpu.memory_space<vmem>>, vector<1x16xf32>,
    }
    %scan3A_4 = arith.constant 80 : i32
    %mul3A = arith.constant 320 : i32
    %mul3A_5 = arith.muli %arg1, %mul3A : i32
    %add3A = arith.constant 0 : i32
    %add3A_6 = arith.addi %mul3A_5, %add3A : i32
    "tpu.region"() ({
      %run_scoped3A = tpu.sem_alloc : memref<!tpu.dma_semaphore, #tpu.memory_space<semaphore_mem>>
      %dma_start3A_52 = arith.constant 0 : i32
      %dma_start3A_53 = tpu.memref_slice %arg6[%add3A_6, %dma_start3A_52] : memref<5128x128xf32, #tpu.memory_space<vmem_shared>> -> memref<80x128xf32, #tpu.memory_space<vmem_shared>>
      %dma_start3A_54 = arith.constant 0 : i32
      %dma_start3A_55 = tpu.memref_slice %arg6[%add3A_6, %dma_start3A_54] : memref<5128x128xf32, #tpu.memory_space<vmem_shared>> -> memref<80x128xf32, #tpu.memory_space<vmem_shared>>
      tpu.enqueue_dma source(%arg9 : memref<80x128xf32, #tpu.memory_space<vmem>>) target(%dma_start3A_55 : memref<80x128xf32, #tpu.memory_space<vmem_shared>>) target_semaphore(%run_scoped3A : memref<!tpu.dma_semaphore, #tpu.memory_space<semaphore_mem>>)
      %dma_wait3A = arith.constant 0 : i32
      %dma_wait3A_56 = tpu.memref_slice %arg6[%add3A_6, %dma_wait3A] : memref<5128x128xf32, #tpu.memory_space<vmem_shared>> -> memref<80x128xf32, #tpu.memory_space<vmem_shared>>
      %dma_wait3A_57 = arith.constant 0 : i32
      %dma_wait3A_58 = tpu.memref_slice %arg6[%add3A_6, %dma_wait3A_57] : memref<5128x128xf32, #tpu.memory_space<vmem_shared>> -> memref<80x128xf32, #tpu.memory_space<vmem_shared>>
      tpu.wait_dma2 semaphore(%run_scoped3A : memref<!tpu.dma_semaphore, #tpu.memory_space<semaphore_mem>>) src(%arg9 : memref<80x128xf32, #tpu.memory_space<vmem>>) dst(%dma_wait3A_58 : memref<80x128xf32, #tpu.memory_space<vmem_shared>>)
      tpu.yield
    }) : () -> ()
    %mul3A_7 = arith.constant 320 : i32
    %mul3A_8 = arith.muli %arg1, %mul3A_7 : i32
    %add3A_9 = arith.constant 80 : i32
    %add3A_10 = arith.addi %mul3A_8, %add3A_9 : i32
    "tpu.region"() ({
      %run_scoped3A = tpu.sem_alloc : memref<!tpu.dma_semaphore, #tpu.memory_space<semaphore_mem>>
      %dma_start3A_52 = arith.constant 0 : i32
      %dma_start3A_53 = tpu.memref_slice %arg6[%add3A_10, %dma_start3A_52] : memref<5128x128xf32, #tpu.memory_space<vmem_shared>> -> memref<80x128xf32, #tpu.memory_space<vmem_shared>>
      %dma_start3A_54 = arith.constant 0 : i32
      %dma_start3A_55 = tpu.memref_slice %arg6[%add3A_10, %dma_start3A_54] : memref<5128x128xf32, #tpu.memory_space<vmem_shared>> -> memref<80x128xf32, #tpu.memory_space<vmem_shared>>
      tpu.enqueue_dma source(%arg9 : memref<80x128xf32, #tpu.memory_space<vmem>>) target(%dma_start3A_55 : memref<80x128xf32, #tpu.memory_space<vmem_shared>>) target_semaphore(%run_scoped3A : memref<!tpu.dma_semaphore, #tpu.memory_space<semaphore_mem>>)
      %dma_wait3A = arith.constant 0 : i32
      %dma_wait3A_56 = tpu.memref_slice %arg6[%add3A_10, %dma_wait3A] : memref<5128x128xf32, #tpu.memory_space<vmem_shared>> -> memref<80x128xf32, #tpu.memory_space<vmem_shared>>
      %dma_wait3A_57 = arith.constant 0 : i32
      %dma_wait3A_58 = tpu.memref_slice %arg6[%add3A_10, %dma_wait3A_57] : memref<5128x128xf32, #tpu.memory_space<vmem_shared>> -> memref<80x128xf32, #tpu.memory_space<vmem_shared>>
      tpu.wait_dma2 semaphore(%run_scoped3A : memref<!tpu.dma_semaphore, #tpu.memory_space<semaphore_mem>>) src(%arg9 : memref<80x128xf32, #tpu.memory_space<vmem>>) dst(%dma_wait3A_58 : memref<80x128xf32, #tpu.memory_space<vmem_shared>>)
      tpu.yield
    }) : () -> ()
    %mul3A_11 = arith.constant 320 : i32
    %mul3A_12 = arith.muli %arg1, %mul3A_11 : i32
    %add3A_13 = arith.constant 160 : i32
    %add3A_14 = arith.addi %mul3A_12, %add3A_13 : i32
    "tpu.region"() ({
      %run_scoped3A = tpu.sem_alloc : memref<!tpu.dma_semaphore, #tpu.memory_space<semaphore_mem>>
      %dma_start3A_52 = arith.constant 0 : i32
      %dma_start3A_53 = tpu.memref_slice %arg6[%add3A_14, %dma_start3A_52] : memref<5128x128xf32, #tpu.memory_space<vmem_shared>> -> memref<80x128xf32, #tpu.memory_space<vmem_shared>>
      %dma_start3A_54 = arith.constant 0 : i32
      %dma_start3A_55 = tpu.memref_slice %arg6[%add3A_14, %dma_start3A_54] : memref<5128x128xf32, #tpu.memory_space<vmem_shared>> -> memref<80x128xf32, #tpu.memory_space<vmem_shared>>
      tpu.enqueue_dma source(%arg9 : memref<80x128xf32, #tpu.memory_space<vmem>>) target(%dma_start3A_55 : memref<80x128xf32, #tpu.memory_space<vmem_shared>>) target_semaphore(%run_scoped3A : memref<!tpu.dma_semaphore, #tpu.memory_space<semaphore_mem>>)
      %dma_wait3A = arith.constant 0 : i32
      %dma_wait3A_56 = tpu.memref_slice %arg6[%add3A_14, %dma_wait3A] : memref<5128x128xf32, #tpu.memory_space<vmem_shared>> -> memref<80x128xf32, #tpu.memory_space<vmem_shared>>
      %dma_wait3A_57 = arith.constant 0 : i32
      %dma_wait3A_58 = tpu.memref_slice %arg6[%add3A_14, %dma_wait3A_57] : memref<5128x128xf32, #tpu.memory_space<vmem_shared>> -> memref<80x128xf32, #tpu.memory_space<vmem_shared>>
      tpu.wait_dma2 semaphore(%run_scoped3A : memref<!tpu.dma_semaphore, #tpu.memory_space<semaphore_mem>>) src(%arg9 : memref<80x128xf32, #tpu.memory_space<vmem>>) dst(%dma_wait3A_58 : memref<80x128xf32, #tpu.memory_space<vmem_shared>>)
      tpu.yield
    }) : () -> ()
    %mul3A_15 = arith.constant 320 : i32
    %mul3A_16 = arith.muli %arg1, %mul3A_15 : i32
    %add3A_17 = arith.constant 240 : i32
    %add3A_18 = arith.addi %mul3A_16, %add3A_17 : i32
    "tpu.region"() ({
      %run_scoped3A = tpu.sem_alloc : memref<!tpu.dma_semaphore, #tpu.memory_space<semaphore_mem>>
      %dma_start3A_52 = arith.constant 0 : i32
      %dma_start3A_53 = tpu.memref_slice %arg6[%add3A_18, %dma_start3A_52] : memref<5128x128xf32, #tpu.memory_space<vmem_shared>> -> memref<80x128xf32, #tpu.memory_space<vmem_shared>>
      %dma_start3A_54 = arith.constant 0 : i32
      %dma_start3A_55 = tpu.memref_slice %arg6[%add3A_18, %dma_start3A_54] : memref<5128x128xf32, #tpu.memory_space<vmem_shared>> -> memref<80x128xf32, #tpu.memory_space<vmem_shared>>
      tpu.enqueue_dma source(%arg9 : memref<80x128xf32, #tpu.memory_space<vmem>>) target(%dma_start3A_55 : memref<80x128xf32, #tpu.memory_space<vmem_shared>>) target_semaphore(%run_scoped3A : memref<!tpu.dma_semaphore, #tpu.memory_space<semaphore_mem>>)
      %dma_wait3A = arith.constant 0 : i32
      %dma_wait3A_56 = tpu.memref_slice %arg6[%add3A_18, %dma_wait3A] : memref<5128x128xf32, #tpu.memory_space<vmem_shared>> -> memref<80x128xf32, #tpu.memory_space<vmem_shared>>
      %dma_wait3A_57 = arith.constant 0 : i32
      %dma_wait3A_58 = tpu.memref_slice %arg6[%add3A_18, %dma_wait3A_57] : memref<5128x128xf32, #tpu.memory_space<vmem_shared>> -> memref<80x128xf32, #tpu.memory_space<vmem_shared>>
      tpu.wait_dma2 semaphore(%run_scoped3A : memref<!tpu.dma_semaphore, #tpu.memory_space<semaphore_mem>>) src(%arg9 : memref<80x128xf32, #tpu.memory_space<vmem>>) dst(%dma_wait3A_58 : memref<80x128xf32, #tpu.memory_space<vmem_shared>>)
      tpu.yield
    }) : () -> ()
    %mul3A_19 = arith.constant 20000 : i32
    %mul3A_20 = arith.muli %arg1, %mul3A_19 : i32
    "tpu.region"() ({
      %run_scoped3A = tpu.sem_alloc : memref<!tpu.dma_semaphore, #tpu.memory_space<semaphore_mem>>
      %dma_start3A_52 = tpu.memref_slice %arg3[%mul3A_20] : memref<320000xi32, #tpu.memory_space<hbm>> -> memref<20000xi32, #tpu.memory_space<hbm>>
      %dma_start3A_53 = tpu.memref_slice %arg3[%mul3A_20] : memref<320000xi32, #tpu.memory_space<hbm>> -> memref<20000xi32, #tpu.memory_space<hbm>>
      tpu.enqueue_dma source(%dma_start3A_53 : memref<20000xi32, #tpu.memory_space<hbm>>) target(%arg7 : memref<20000xi32, #tpu.memory_space<vmem>>) target_semaphore(%run_scoped3A : memref<!tpu.dma_semaphore, #tpu.memory_space<semaphore_mem>>)
      %dma_wait3A = tpu.memref_slice %arg3[%mul3A_20] : memref<320000xi32, #tpu.memory_space<hbm>> -> memref<20000xi32, #tpu.memory_space<hbm>>
      %dma_wait3A_54 = tpu.memref_slice %arg3[%mul3A_20] : memref<320000xi32, #tpu.memory_space<hbm>> -> memref<20000xi32, #tpu.memory_space<hbm>>
      tpu.wait_dma2 semaphore(%run_scoped3A : memref<!tpu.dma_semaphore, #tpu.memory_space<semaphore_mem>>) src(%dma_wait3A_54 : memref<20000xi32, #tpu.memory_space<hbm>>) dst(%arg7 : memref<20000xi32, #tpu.memory_space<vmem>>)
      tpu.yield
    }) : () -> ()
    %mul3A_21 = arith.constant 20000 : i32
    %mul3A_22 = arith.muli %arg1, %mul3A_21 : i32
    "tpu.region"() ({
      %run_scoped3A = tpu.sem_alloc : memref<!tpu.dma_semaphore, #tpu.memory_space<semaphore_mem>>
      %dma_start3A_52 = tpu.memref_slice %arg4[%mul3A_22] : memref<320000xi32, #tpu.memory_space<hbm>> -> memref<20000xi32, #tpu.memory_space<hbm>>
      %dma_start3A_53 = tpu.memref_slice %arg4[%mul3A_22] : memref<320000xi32, #tpu.memory_space<hbm>> -> memref<20000xi32, #tpu.memory_space<hbm>>
      tpu.enqueue_dma source(%dma_start3A_53 : memref<20000xi32, #tpu.memory_space<hbm>>) target(%arg8 : memref<20000xi32, #tpu.memory_space<vmem>>) target_semaphore(%run_scoped3A : memref<!tpu.dma_semaphore, #tpu.memory_space<semaphore_mem>>)
      %dma_wait3A = tpu.memref_slice %arg4[%mul3A_22] : memref<320000xi32, #tpu.memory_space<hbm>> -> memref<20000xi32, #tpu.memory_space<hbm>>
      %dma_wait3A_54 = tpu.memref_slice %arg4[%mul3A_22] : memref<320000xi32, #tpu.memory_space<hbm>> -> memref<20000xi32, #tpu.memory_space<hbm>>
      tpu.wait_dma2 semaphore(%run_scoped3A : memref<!tpu.dma_semaphore, #tpu.memory_space<semaphore_mem>>) src(%dma_wait3A_54 : memref<20000xi32, #tpu.memory_space<hbm>>) dst(%arg8 : memref<20000xi32, #tpu.memory_space<vmem>>)
      tpu.yield
    }) : () -> ()
    %mul3A_23 = arith.constant 5120 : i32
    %mul3A_24 = arith.muli %arg0, %mul3A_23 : i32
    %scan3A_25 = arith.constant 0 : i32
    %scan3A_26 = arith.constant 1250 : i32
    %scan3A_27 = arith.addi %scan3A_25, %scan3A_26 : i32
    %scan3A_28 = arith.constant 1 : i32
    scf.for %scan3A_52 = %scan3A_25 to %scan3A_27 step %scan3A_28  : i32 {
      %mul3A_53 = arith.constant 1 : i32
      %mul3A_54 = arith.muli %scan3A_52, %mul3A_53 : i32
      %add3A_55 = arith.constant 0 : i32
      %add3A_56 = arith.addi %add3A_55, %mul3A_54 : i32
      %mul3A_57 = arith.constant 16 : i32
      %mul3A_58 = arith.muli %add3A_56, %mul3A_57 : i32
      %get3A = arith.index_cast %mul3A_58 : i32 to index
      %get3A_59 = tpu.vector_load %arg8[%get3A] {strides = array<i32>} : memref<20000xi32, #tpu.memory_space<vmem>>, vector<16xi32>,
      %get3A_60 = vector.shape_cast %get3A_59 : vector<16xi32> to vector<16xi32>
      %sub3A = vector.broadcast %mul3A_24 : i32 to vector<16xi32>
      %sub3A_61 = arith.subi %get3A_60, %sub3A : vector<16xi32>
      %ge3A = arith.constant 0 : i32
      %ge3A_62 = vector.broadcast %ge3A : i32 to vector<16xi32>
      %ge3A_63 = arith.cmpi sge, %sub3A_61, %ge3A_62 : vector<16xi32>
      %lt3A = arith.constant 5120 : i32
      %lt3A_64 = vector.broadcast %lt3A : i32 to vector<16xi32>
      %lt3A_65 = arith.cmpi slt, %sub3A_61, %lt3A_64 : vector<16xi32>
      %and3A = arith.andi %ge3A_63, %lt3A_65 : vector<16xi1>
      %jit3A = arith.constant 5120 : i32
      %broadcast_in_dim3A_66 = vector.broadcast %jit3A : i32 to vector<16xi32>
      %select_n3A = arith.select %and3A, %sub3A_61, %broadcast_in_dim3A_66 : vector<16xi1>, vector<16xi32>
      %mul3A_67 = arith.constant 16 : i32
      %mul3A_68 = arith.muli %add3A_56, %mul3A_67 : i32
      %swap3A = arith.index_cast %mul3A_68 : i32 to index
      %swap3A_69 = tpu.vector_load %arg8[%swap3A] {strides = array<i32>} : memref<20000xi32, #tpu.memory_space<vmem>>, vector<16xi32>,
      %swap3A_70 = vector.shape_cast %swap3A_69 : vector<16xi32> to vector<16xi32>
      %swap3A_71 = vector.shape_cast %select_n3A : vector<16xi32> to vector<16xi32>
      tpu.vector_store %arg8[%swap3A], %swap3A_71 {strides = array<i32>} : memref<20000xi32, #tpu.memory_space<vmem>>, vector<16xi32>,
    }
    %scan3A_29 = arith.constant 1250 : i32
    %barrier3A = arith.constant 0 : index
    tpu.barrier barrier_id(%barrier3A)
    %dma_start3A = arith.constant 0 : i32
    %dma_start3A_30 = tpu.memref_slice %arg7[%dma_start3A] : memref<20000xi32, #tpu.memory_space<vmem>> -> memref<80xi32, #tpu.memory_space<vmem>>
    %dma_start3A_31 = arith.constant 0 : i32
    %dma_start3A_32 = arith.constant 0 : i32
    %dma_start3A_33 = tpu.memref_slice %arg2[%dma_start3A_31, %dma_start3A_32] : memref<10240x128xf32, #tpu.memory_space<hbm>> -> memref<10240x128xf32, #tpu.memory_space<hbm>>
    tpu.enqueue_indirect_dma source(%dma_start3A_33 : memref<10240x128xf32, #tpu.memory_space<hbm>>) target(%arg9 : memref<80x128xf32, #tpu.memory_space<vmem>>) offsets(%dma_start3A_30 : memref<80xi32, #tpu.memory_space<vmem>>) semaphore(%arg11 : memref<!tpu.dma_semaphore, #tpu.memory_space<semaphore_mem>>)
    %dma_start3A_34 = arith.constant 80 : i32
    %dma_start3A_35 = tpu.memref_slice %arg7[%dma_start3A_34] : memref<20000xi32, #tpu.memory_space<vmem>> -> memref<80xi32, #tpu.memory_space<vmem>>
    %dma_start3A_36 = arith.constant 0 : i32
    %dma_start3A_37 = arith.constant 0 : i32
    %dma_start3A_38 = tpu.memref_slice %arg2[%dma_start3A_36, %dma_start3A_37] : memref<10240x128xf32, #tpu.memory_space<hbm>> -> memref<10240x128xf32, #tpu.memory_space<hbm>>
    tpu.enqueue_indirect_dma source(%dma_start3A_38 : memref<10240x128xf32, #tpu.memory_space<hbm>>) target(%arg10 : memref<80x128xf32, #tpu.memory_space<vmem>>) offsets(%dma_start3A_35 : memref<80xi32, #tpu.memory_space<vmem>>) semaphore(%arg12 : memref<!tpu.dma_semaphore, #tpu.memory_space<semaphore_mem>>)
    %scan3A_39 = arith.constant 0 : i32
    %scan3A_40 = arith.constant 125 : i32
    %scan3A_41 = arith.addi %scan3A_39, %scan3A_40 : i32
    %scan3A_42 = arith.constant 1 : i32
    scf.for %scan3A_52 = %scan3A_39 to %scan3A_41 step %scan3A_42  : i32 {
      %mul3A_53 = arith.constant 1 : i32
      %mul3A_54 = arith.muli %scan3A_52, %mul3A_53 : i32
      %add3A_55 = arith.constant 0 : i32
      %add3A_56 = arith.addi %add3A_55, %mul3A_54 : i32
      %mul3A_57 = arith.constant 2 : i32
      %mul3A_58 = arith.muli %add3A_56, %mul3A_57 : i32
      %add3A_59 = arith.constant 0 : i32
      %add3A_60 = arith.addi %mul3A_58, %add3A_59 : i32
      %mul3A_61 = arith.constant 80 : i32
      %mul3A_62 = arith.muli %add3A_60, %mul3A_61 : i32
      %dma_wait3A = tpu.memref_slice %arg7[%mul3A_62] : memref<20000xi32, #tpu.memory_space<vmem>> -> memref<80xi32, #tpu.memory_space<vmem>>
      %dma_wait3A_63 = arith.constant 0 : i32
      %dma_wait3A_64 = arith.constant 0 : i32
      %dma_wait3A_65 = tpu.memref_slice %arg2[%dma_wait3A_63, %dma_wait3A_64] : memref<10240x128xf32, #tpu.memory_space<hbm>> -> memref<10240x128xf32, #tpu.memory_space<hbm>>
      tpu.wait_indirect_dma semaphore(%arg11 : memref<!tpu.dma_semaphore, #tpu.memory_space<semaphore_mem>>) src(%dma_wait3A_65 : memref<10240x128xf32, #tpu.memory_space<hbm>>) dst(%arg9 : memref<80x128xf32, #tpu.memory_space<vmem>>)
      %mul3A_66 = arith.constant 80 : i32
      %mul3A_67 = arith.muli %add3A_60, %mul3A_66 : i32
      "tpu.region"() ({
        %run_scoped3A = tpu.sem_alloc : memref<!tpu.dma_semaphore, #tpu.memory_space<semaphore_mem>>
        %dma_start3A_91 = tpu.memref_slice %arg8[%mul3A_67] : memref<20000xi32, #tpu.memory_space<vmem>> -> memref<80xi32, #tpu.memory_space<vmem>>
        %dma_start3A_92 = arith.constant 0 : i32
        %dma_start3A_93 = arith.constant 0 : i32
        %dma_start3A_94 = tpu.memref_slice %arg6[%dma_start3A_92, %dma_start3A_93] : memref<5128x128xf32, #tpu.memory_space<vmem_shared>> -> memref<5128x128xf32, #tpu.memory_space<vmem_shared>>
        tpu.enqueue_indirect_dma source(%arg9 : memref<80x128xf32, #tpu.memory_space<vmem>>) target(%dma_start3A_94 : memref<5128x128xf32, #tpu.memory_space<vmem_shared>>) offsets(%dma_start3A_91 : memref<80xi32, #tpu.memory_space<vmem>>) semaphore(%run_scoped3A : memref<!tpu.dma_semaphore, #tpu.memory_space<semaphore_mem>>) {add = true}
        %dma_wait3A_95 = tpu.memref_slice %arg8[%mul3A_67] : memref<20000xi32, #tpu.memory_space<vmem>> -> memref<80xi32, #tpu.memory_space<vmem>>
        %dma_wait3A_96 = arith.constant 0 : i32
        %dma_wait3A_97 = arith.constant 0 : i32
        %dma_wait3A_98 = tpu.memref_slice %arg6[%dma_wait3A_96, %dma_wait3A_97] : memref<5128x128xf32, #tpu.memory_space<vmem_shared>> -> memref<5128x128xf32, #tpu.memory_space<vmem_shared>>
        tpu.wait_indirect_dma semaphore(%run_scoped3A : memref<!tpu.dma_semaphore, #tpu.memory_space<semaphore_mem>>) src(%arg9 : memref<80x128xf32, #tpu.memory_space<vmem>>) dst(%dma_wait3A_98 : memref<5128x128xf32, #tpu.memory_space<vmem_shared>>)
        tpu.yield
      }) : () -> ()
      %add3A_68 = arith.constant 2 : i32
      %add3A_69 = arith.addi %add3A_60, %add3A_68 : i32
      %lt3A = arith.constant 250 : i32
      %lt3A_70 = arith.cmpi slt, %add3A_69, %lt3A : i32
      %convert_element_type3A = arith.extui %lt3A_70 : i1 to i32
      %cond3A = arith.constant 0 : i32
      %cond3A_71 = arith.cmpi ne, %convert_element_type3A, %cond3A : i32
      scf.if %cond3A_71 {
        %mul3A_91 = arith.constant 80 : i32
        %mul3A_92 = arith.muli %add3A_69, %mul3A_91 : i32
        %dma_start3A_93 = tpu.memref_slice %arg7[%mul3A_92] : memref<20000xi32, #tpu.memory_space<vmem>> -> memref<80xi32, #tpu.memory_space<vmem>>
        %dma_start3A_94 = arith.constant 0 : i32
        %dma_start3A_95 = arith.constant 0 : i32
        %dma_start3A_96 = tpu.memref_slice %arg2[%dma_start3A_94, %dma_start3A_95] : memref<10240x128xf32, #tpu.memory_space<hbm>> -> memref<10240x128xf32, #tpu.memory_space<hbm>>
        tpu.enqueue_indirect_dma source(%dma_start3A_96 : memref<10240x128xf32, #tpu.memory_space<hbm>>) target(%arg9 : memref<80x128xf32, #tpu.memory_space<vmem>>) offsets(%dma_start3A_93 : memref<80xi32, #tpu.memory_space<vmem>>) semaphore(%arg11 : memref<!tpu.dma_semaphore, #tpu.memory_space<semaphore_mem>>)
      } else {
      }
      %mul3A_72 = arith.constant 2 : i32
      %mul3A_73 = arith.muli %add3A_56, %mul3A_72 : i32
      %add3A_74 = arith.constant 1 : i32
      %add3A_75 = arith.addi %mul3A_73, %add3A_74 : i32
      %mul3A_76 = arith.constant 80 : i32
      %mul3A_77 = arith.muli %add3A_75, %mul3A_76 : i32
      %dma_wait3A_78 = tpu.memref_slice %arg7[%mul3A_77] : memref<20000xi32, #tpu.memory_space<vmem>> -> memref<80xi32, #tpu.memory_space<vmem>>
      %dma_wait3A_79 = arith.constant 0 : i32
      %dma_wait3A_80 = arith.constant 0 : i32
      %dma_wait3A_81 = tpu.memref_slice %arg2[%dma_wait3A_79, %dma_wait3A_80] : memref<10240x128xf32, #tpu.memory_space<hbm>> -> memref<10240x128xf32, #tpu.memory_space<hbm>>
      tpu.wait_indirect_dma semaphore(%arg12 : memref<!tpu.dma_semaphore, #tpu.memory_space<semaphore_mem>>) src(%dma_wait3A_81 : memref<10240x128xf32, #tpu.memory_space<hbm>>) dst(%arg10 : memref<80x128xf32, #tpu.memory_space<vmem>>)
      %mul3A_82 = arith.constant 80 : i32
      %mul3A_83 = arith.muli %add3A_75, %mul3A_82 : i32
      "tpu.region"() ({
        %run_scoped3A = tpu.sem_alloc : memref<!tpu.dma_semaphore, #tpu.memory_space<semaphore_mem>>
        %dma_start3A_91 = tpu.memref_slice %arg8[%mul3A_83] : memref<20000xi32, #tpu.memory_space<vmem>> -> memref<80xi32, #tpu.memory_space<vmem>>
        %dma_start3A_92 = arith.constant 0 : i32
        %dma_start3A_93 = arith.constant 0 : i32
        %dma_start3A_94 = tpu.memref_slice %arg6[%dma_start3A_92, %dma_start3A_93] : memref<5128x128xf32, #tpu.memory_space<vmem_shared>> -> memref<5128x128xf32, #tpu.memory_space<vmem_shared>>
        tpu.enqueue_indirect_dma source(%arg10 : memref<80x128xf32, #tpu.memory_space<vmem>>) target(%dma_start3A_94 : memref<5128x128xf32, #tpu.memory_space<vmem_shared>>) offsets(%dma_start3A_91 : memref<80xi32, #tpu.memory_space<vmem>>) semaphore(%run_scoped3A : memref<!tpu.dma_semaphore, #tpu.memory_space<semaphore_mem>>) {add = true}
        %dma_wait3A_95 = tpu.memref_slice %arg8[%mul3A_83] : memref<20000xi32, #tpu.memory_space<vmem>> -> memref<80xi32, #tpu.memory_space<vmem>>
        %dma_wait3A_96 = arith.constant 0 : i32
        %dma_wait3A_97 = arith.constant 0 : i32
        %dma_wait3A_98 = tpu.memref_slice %arg6[%dma_wait3A_96, %dma_wait3A_97] : memref<5128x128xf32, #tpu.memory_space<vmem_shared>> -> memref<5128x128xf32, #tpu.memory_space<vmem_shared>>
        tpu.wait_indirect_dma semaphore(%run_scoped3A : memref<!tpu.dma_semaphore, #tpu.memory_space<semaphore_mem>>) src(%arg10 : memref<80x128xf32, #tpu.memory_space<vmem>>) dst(%dma_wait3A_98 : memref<5128x128xf32, #tpu.memory_space<vmem_shared>>)
        tpu.yield
      }) : () -> ()
      %add3A_84 = arith.constant 2 : i32
      %add3A_85 = arith.addi %add3A_75, %add3A_84 : i32
      %lt3A_86 = arith.constant 250 : i32
      %lt3A_87 = arith.cmpi slt, %add3A_85, %lt3A_86 : i32
      %convert_element_type3A_88 = arith.extui %lt3A_87 : i1 to i32
      %cond3A_89 = arith.constant 0 : i32
      %cond3A_90 = arith.cmpi ne, %convert_element_type3A_88, %cond3A_89 : i32
      scf.if %cond3A_90 {
        %mul3A_91 = arith.constant 80 : i32
        %mul3A_92 = arith.muli %add3A_85, %mul3A_91 : i32
        %dma_start3A_93 = tpu.memref_slice %arg7[%mul3A_92] : memref<20000xi32, #tpu.memory_space<vmem>> -> memref<80xi32, #tpu.memory_space<vmem>>
        %dma_start3A_94 = arith.constant 0 : i32
        %dma_start3A_95 = arith.constant 0 : i32
        %dma_start3A_96 = tpu.memref_slice %arg2[%dma_start3A_94, %dma_start3A_95] : memref<10240x128xf32, #tpu.memory_space<hbm>> -> memref<10240x128xf32, #tpu.memory_space<hbm>>
        tpu.enqueue_indirect_dma source(%dma_start3A_96 : memref<10240x128xf32, #tpu.memory_space<hbm>>) target(%arg10 : memref<80x128xf32, #tpu.memory_space<vmem>>) offsets(%dma_start3A_93 : memref<80xi32, #tpu.memory_space<vmem>>) semaphore(%arg12 : memref<!tpu.dma_semaphore, #tpu.memory_space<semaphore_mem>>)
      } else {
      }
    }
    %scan3A_43 = arith.constant 125 : i32
    %barrier3A_44 = arith.constant 0 : index
    tpu.barrier barrier_id(%barrier3A_44)
    %mul3A_45 = arith.constant 320 : i32
    %mul3A_46 = arith.muli %arg1, %mul3A_45 : i32
    %mul3A_47 = arith.constant 5120 : i32
    %mul3A_48 = arith.muli %arg0, %mul3A_47 : i32
    %mul3A_49 = arith.constant 320 : i32
    %mul3A_50 = arith.muli %arg1, %mul3A_49 : i32
    %add3A_51 = arith.addi %mul3A_48, %mul3A_50 : i32
    "tpu.region"() ({
      %run_scoped3A = tpu.sem_alloc : memref<!tpu.dma_semaphore, #tpu.memory_space<semaphore_mem>>
      %dma_start3A_52 = arith.constant 0 : i32
      %dma_start3A_53 = tpu.memref_slice %arg5[%add3A_51, %dma_start3A_52] : memref<10240x128xf32, #tpu.memory_space<hbm>> -> memref<320x128xf32, #tpu.memory_space<hbm>>
      %dma_start3A_54 = arith.constant 0 : i32
      %dma_start3A_55 = tpu.memref_slice %arg6[%mul3A_46, %dma_start3A_54] : memref<5128x128xf32, #tpu.memory_space<vmem_shared>> -> memref<320x128xf32, #tpu.memory_space<vmem_shared>>
      tpu.enqueue_dma source(%dma_start3A_55 : memref<320x128xf32, #tpu.memory_space<vmem_shared>>) target(%dma_start3A_53 : memref<320x128xf32, #tpu.memory_space<hbm>>) target_semaphore(%run_scoped3A : memref<!tpu.dma_semaphore, #tpu.memory_space<semaphore_mem>>)
      %dma_wait3A = arith.constant 0 : i32
      %dma_wait3A_56 = tpu.memref_slice %arg5[%add3A_51, %dma_wait3A] : memref<10240x128xf32, #tpu.memory_space<hbm>> -> memref<320x128xf32, #tpu.memory_space<hbm>>
      %dma_wait3A_57 = arith.constant 0 : i32
      %dma_wait3A_58 = tpu.memref_slice %arg6[%mul3A_46, %dma_wait3A_57] : memref<5128x128xf32, #tpu.memory_space<vmem_shared>> -> memref<320x128xf32, #tpu.memory_space<vmem_shared>>
      tpu.wait_dma2 semaphore(%run_scoped3A : memref<!tpu.dma_semaphore, #tpu.memory_space<semaphore_mem>>) src(%dma_wait3A_58 : memref<320x128xf32, #tpu.memory_space<vmem_shared>>) dst(%dma_wait3A_56 : memref<320x128xf32, #tpu.memory_space<hbm>>)
      tpu.yield
    }) : () -> ()
    return
  }
}

#map = affine_map<(d0, d1) -> (0, 0)>
#map1 = affine_map<(d0, d1) -> (0)>
module attributes {stable_mosaic.version = 14 : i64} {
  func.func @k(%arg0: i32, %arg1: i32, %arg2: memref<10240x128xf32, #tpu.memory_space<hbm>>, %arg3: memref<10240x128xf32, #tpu.memory_space<hbm>>, %arg4: memref<320000xi32, #tpu.memory_space<hbm>>, %arg5: memref<320000xi32, #tpu.memory_space<hbm>>, %arg6: memref<128xf32, #tpu.memory_space<hbm>>, %arg7: memref<320000x16xf32, #tpu.memory_space<hbm>>, %arg8: memref<10000xi32, #tpu.memory_space<vmem>>, %arg9: memref<10000xi32, #tpu.memory_space<vmem>>, %arg10: memref<40x128xf32, #tpu.memory_space<vmem>>, %arg11: memref<40x128xf32, #tpu.memory_space<vmem>>, %arg12: memref<40x128xf32, #tpu.memory_space<vmem>>, %arg13: memref<40x128xf32, #tpu.memory_space<vmem>>, %arg14: memref<80x16xf32, #tpu.memory_space<vmem>>, %arg15: memref<128xf32, #tpu.memory_space<vmem>>, %arg16: memref<!tpu.dma_semaphore, #tpu.memory_space<semaphore_mem>>, %arg17: memref<!tpu.dma_semaphore, #tpu.memory_space<semaphore_mem>>) attributes {dimension_semantics = [#tpu.dimension_semantics<core_parallel>, #tpu.dimension_semantics<subcore_parallel>], iteration_bounds = array<i64: 2, 16>, scalar_prefetch = 0 : i64, scratch_operands = 10 : i64, tpu.core_type = #tpu.core_type<sc_vector_subcore>, window_params = [{transform_indices = #map}, {transform_indices = #map}, {transform_indices = #map1}, {transform_indices = #map1}, {transform_indices = #map1}, {transform_indices = #map}]} {
    %mul3A = arith.constant 2 : i32
    %mul3A_0 = arith.muli %arg1, %mul3A : i32
    %add3A = arith.addi %mul3A_0, %arg0 : i32
    "tpu.region"() ({
      %run_scoped3A = tpu.sem_alloc : memref<!tpu.dma_semaphore, #tpu.memory_space<semaphore_mem>>
      tpu.enqueue_dma source(%arg6 : memref<128xf32, #tpu.memory_space<hbm>>) target(%arg15 : memref<128xf32, #tpu.memory_space<vmem>>) target_semaphore(%run_scoped3A : memref<!tpu.dma_semaphore, #tpu.memory_space<semaphore_mem>>)
      tpu.wait_dma2 semaphore(%run_scoped3A : memref<!tpu.dma_semaphore, #tpu.memory_space<semaphore_mem>>) src(%arg6 : memref<128xf32, #tpu.memory_space<hbm>>) dst(%arg15 : memref<128xf32, #tpu.memory_space<vmem>>)
      tpu.yield
    }) : () -> ()
    %mul3A_1 = arith.constant 10000 : i32
    %mul3A_2 = arith.muli %add3A, %mul3A_1 : i32
    "tpu.region"() ({
      %run_scoped3A = tpu.sem_alloc : memref<!tpu.dma_semaphore, #tpu.memory_space<semaphore_mem>>
      %dma_start3A_51 = tpu.memref_slice %arg4[%mul3A_2] : memref<320000xi32, #tpu.memory_space<hbm>> -> memref<10000xi32, #tpu.memory_space<hbm>>
      %dma_start3A_52 = tpu.memref_slice %arg4[%mul3A_2] : memref<320000xi32, #tpu.memory_space<hbm>> -> memref<10000xi32, #tpu.memory_space<hbm>>
      tpu.enqueue_dma source(%dma_start3A_52 : memref<10000xi32, #tpu.memory_space<hbm>>) target(%arg8 : memref<10000xi32, #tpu.memory_space<vmem>>) target_semaphore(%run_scoped3A : memref<!tpu.dma_semaphore, #tpu.memory_space<semaphore_mem>>)
      %dma_wait3A = tpu.memref_slice %arg4[%mul3A_2] : memref<320000xi32, #tpu.memory_space<hbm>> -> memref<10000xi32, #tpu.memory_space<hbm>>
      %dma_wait3A_53 = tpu.memref_slice %arg4[%mul3A_2] : memref<320000xi32, #tpu.memory_space<hbm>> -> memref<10000xi32, #tpu.memory_space<hbm>>
      tpu.wait_dma2 semaphore(%run_scoped3A : memref<!tpu.dma_semaphore, #tpu.memory_space<semaphore_mem>>) src(%dma_wait3A_53 : memref<10000xi32, #tpu.memory_space<hbm>>) dst(%arg8 : memref<10000xi32, #tpu.memory_space<vmem>>)
      tpu.yield
    }) : () -> ()
    %mul3A_3 = arith.constant 10000 : i32
    %mul3A_4 = arith.muli %add3A, %mul3A_3 : i32
    "tpu.region"() ({
      %run_scoped3A = tpu.sem_alloc : memref<!tpu.dma_semaphore, #tpu.memory_space<semaphore_mem>>
      %dma_start3A_51 = tpu.memref_slice %arg5[%mul3A_4] : memref<320000xi32, #tpu.memory_space<hbm>> -> memref<10000xi32, #tpu.memory_space<hbm>>
      %dma_start3A_52 = tpu.memref_slice %arg5[%mul3A_4] : memref<320000xi32, #tpu.memory_space<hbm>> -> memref<10000xi32, #tpu.memory_space<hbm>>
      tpu.enqueue_dma source(%dma_start3A_52 : memref<10000xi32, #tpu.memory_space<hbm>>) target(%arg9 : memref<10000xi32, #tpu.memory_space<vmem>>) target_semaphore(%run_scoped3A : memref<!tpu.dma_semaphore, #tpu.memory_space<semaphore_mem>>)
      %dma_wait3A = tpu.memref_slice %arg5[%mul3A_4] : memref<320000xi32, #tpu.memory_space<hbm>> -> memref<10000xi32, #tpu.memory_space<hbm>>
      %dma_wait3A_53 = tpu.memref_slice %arg5[%mul3A_4] : memref<320000xi32, #tpu.memory_space<hbm>> -> memref<10000xi32, #tpu.memory_space<hbm>>
      tpu.wait_dma2 semaphore(%run_scoped3A : memref<!tpu.dma_semaphore, #tpu.memory_space<semaphore_mem>>) src(%dma_wait3A_53 : memref<10000xi32, #tpu.memory_space<hbm>>) dst(%arg9 : memref<10000xi32, #tpu.memory_space<vmem>>)
      tpu.yield
    }) : () -> ()
    %get3A = arith.constant 0 : index
    %get3A_5 = tpu.vector_load %arg15[%get3A] {strides = array<i32>} : memref<128xf32, #tpu.memory_space<vmem>>, vector<16xf32>,
    %get3A_6 = vector.shape_cast %get3A_5 : vector<16xf32> to vector<16xf32>
    %get3A_7 = arith.constant 16 : index
    %get3A_8 = tpu.vector_load %arg15[%get3A_7] {strides = array<i32>} : memref<128xf32, #tpu.memory_space<vmem>>, vector<16xf32>,
    %get3A_9 = vector.shape_cast %get3A_8 : vector<16xf32> to vector<16xf32>
    %get3A_10 = arith.constant 32 : index
    %get3A_11 = tpu.vector_load %arg15[%get3A_10] {strides = array<i32>} : memref<128xf32, #tpu.memory_space<vmem>>, vector<16xf32>,
    %get3A_12 = vector.shape_cast %get3A_11 : vector<16xf32> to vector<16xf32>
    %get3A_13 = arith.constant 48 : index
    %get3A_14 = tpu.vector_load %arg15[%get3A_13] {strides = array<i32>} : memref<128xf32, #tpu.memory_space<vmem>>, vector<16xf32>,
    %get3A_15 = vector.shape_cast %get3A_14 : vector<16xf32> to vector<16xf32>
    %get3A_16 = arith.constant 64 : index
    %get3A_17 = tpu.vector_load %arg15[%get3A_16] {strides = array<i32>} : memref<128xf32, #tpu.memory_space<vmem>>, vector<16xf32>,
    %get3A_18 = vector.shape_cast %get3A_17 : vector<16xf32> to vector<16xf32>
    %get3A_19 = arith.constant 80 : index
    %get3A_20 = tpu.vector_load %arg15[%get3A_19] {strides = array<i32>} : memref<128xf32, #tpu.memory_space<vmem>>, vector<16xf32>,
    %get3A_21 = vector.shape_cast %get3A_20 : vector<16xf32> to vector<16xf32>
    %get3A_22 = arith.constant 96 : index
    %get3A_23 = tpu.vector_load %arg15[%get3A_22] {strides = array<i32>} : memref<128xf32, #tpu.memory_space<vmem>>, vector<16xf32>,
    %get3A_24 = vector.shape_cast %get3A_23 : vector<16xf32> to vector<16xf32>
    %get3A_25 = arith.constant 112 : index
    %get3A_26 = tpu.vector_load %arg15[%get3A_25] {strides = array<i32>} : memref<128xf32, #tpu.memory_space<vmem>>, vector<16xf32>,
    %get3A_27 = vector.shape_cast %get3A_26 : vector<16xf32> to vector<16xf32>
    %dma_start3A = arith.constant 0 : i32
    %dma_start3A_28 = tpu.memref_slice %arg8[%dma_start3A] : memref<10000xi32, #tpu.memory_space<vmem>> -> memref<40xi32, #tpu.memory_space<vmem>>
    %dma_start3A_29 = arith.constant 0 : i32
    %dma_start3A_30 = arith.constant 0 : i32
    %dma_start3A_31 = tpu.memref_slice %arg2[%dma_start3A_29, %dma_start3A_30] : memref<10240x128xf32, #tpu.memory_space<hbm>> -> memref<10240x128xf32, #tpu.memory_space<hbm>>
    tpu.enqueue_indirect_dma source(%dma_start3A_31 : memref<10240x128xf32, #tpu.memory_space<hbm>>) target(%arg10 : memref<40x128xf32, #tpu.memory_space<vmem>>) offsets(%dma_start3A_28 : memref<40xi32, #tpu.memory_space<vmem>>) semaphore(%arg16 : memref<!tpu.dma_semaphore, #tpu.memory_space<semaphore_mem>>)
    %dma_start3A_32 = arith.constant 0 : i32
    %dma_start3A_33 = tpu.memref_slice %arg9[%dma_start3A_32] : memref<10000xi32, #tpu.memory_space<vmem>> -> memref<40xi32, #tpu.memory_space<vmem>>
    %dma_start3A_34 = arith.constant 0 : i32
    %dma_start3A_35 = arith.constant 0 : i32
    %dma_start3A_36 = tpu.memref_slice %arg3[%dma_start3A_34, %dma_start3A_35] : memref<10240x128xf32, #tpu.memory_space<hbm>> -> memref<10240x128xf32, #tpu.memory_space<hbm>>
    tpu.enqueue_indirect_dma source(%dma_start3A_36 : memref<10240x128xf32, #tpu.memory_space<hbm>>) target(%arg12 : memref<40x128xf32, #tpu.memory_space<vmem>>) offsets(%dma_start3A_33 : memref<40xi32, #tpu.memory_space<vmem>>) semaphore(%arg16 : memref<!tpu.dma_semaphore, #tpu.memory_space<semaphore_mem>>)
    %dma_start3A_37 = arith.constant 40 : i32
    %dma_start3A_38 = tpu.memref_slice %arg8[%dma_start3A_37] : memref<10000xi32, #tpu.memory_space<vmem>> -> memref<40xi32, #tpu.memory_space<vmem>>
    %dma_start3A_39 = arith.constant 0 : i32
    %dma_start3A_40 = arith.constant 0 : i32
    %dma_start3A_41 = tpu.memref_slice %arg2[%dma_start3A_39, %dma_start3A_40] : memref<10240x128xf32, #tpu.memory_space<hbm>> -> memref<10240x128xf32, #tpu.memory_space<hbm>>
    tpu.enqueue_indirect_dma source(%dma_start3A_41 : memref<10240x128xf32, #tpu.memory_space<hbm>>) target(%arg11 : memref<40x128xf32, #tpu.memory_space<vmem>>) offsets(%dma_start3A_38 : memref<40xi32, #tpu.memory_space<vmem>>) semaphore(%arg17 : memref<!tpu.dma_semaphore, #tpu.memory_space<semaphore_mem>>)
    %dma_start3A_42 = arith.constant 40 : i32
    %dma_start3A_43 = tpu.memref_slice %arg9[%dma_start3A_42] : memref<10000xi32, #tpu.memory_space<vmem>> -> memref<40xi32, #tpu.memory_space<vmem>>
    %dma_start3A_44 = arith.constant 0 : i32
    %dma_start3A_45 = arith.constant 0 : i32
    %dma_start3A_46 = tpu.memref_slice %arg3[%dma_start3A_44, %dma_start3A_45] : memref<10240x128xf32, #tpu.memory_space<hbm>> -> memref<10240x128xf32, #tpu.memory_space<hbm>>
    tpu.enqueue_indirect_dma source(%dma_start3A_46 : memref<10240x128xf32, #tpu.memory_space<hbm>>) target(%arg13 : memref<40x128xf32, #tpu.memory_space<vmem>>) offsets(%dma_start3A_43 : memref<40xi32, #tpu.memory_space<vmem>>) semaphore(%arg17 : memref<!tpu.dma_semaphore, #tpu.memory_space<semaphore_mem>>)
    %scan3A = arith.constant 0 : i32
    %scan3A_47 = arith.constant 125 : i32
    %scan3A_48 = arith.addi %scan3A, %scan3A_47 : i32
    %scan3A_49 = arith.constant 1 : i32
    scf.for %scan3A_51 = %scan3A to %scan3A_48 step %scan3A_49  : i32 {
      %mul3A_52 = arith.constant 1 : i32
      %mul3A_53 = arith.muli %scan3A_51, %mul3A_52 : i32
      %add3A_54 = arith.constant 0 : i32
      %add3A_55 = arith.addi %add3A_54, %mul3A_53 : i32
      %mul3A_56 = arith.constant 2 : i32
      %mul3A_57 = arith.muli %add3A_55, %mul3A_56 : i32
      %add3A_58 = arith.constant 0 : i32
      %add3A_59 = arith.addi %mul3A_57, %add3A_58 : i32
      %mul3A_60 = arith.constant 40 : i32
      %mul3A_61 = arith.muli %add3A_59, %mul3A_60 : i32
      %dma_wait3A = tpu.memref_slice %arg8[%mul3A_61] : memref<10000xi32, #tpu.memory_space<vmem>> -> memref<40xi32, #tpu.memory_space<vmem>>
      %dma_wait3A_62 = arith.constant 0 : i32
      %dma_wait3A_63 = arith.constant 0 : i32
      %dma_wait3A_64 = tpu.memref_slice %arg2[%dma_wait3A_62, %dma_wait3A_63] : memref<10240x128xf32, #tpu.memory_space<hbm>> -> memref<10240x128xf32, #tpu.memory_space<hbm>>
      tpu.wait_indirect_dma semaphore(%arg16 : memref<!tpu.dma_semaphore, #tpu.memory_space<semaphore_mem>>) src(%dma_wait3A_64 : memref<10240x128xf32, #tpu.memory_space<hbm>>) dst(%arg10 : memref<40x128xf32, #tpu.memory_space<vmem>>)
      %mul3A_65 = arith.constant 40 : i32
      %mul3A_66 = arith.muli %add3A_59, %mul3A_65 : i32
      %dma_wait3A_67 = tpu.memref_slice %arg9[%mul3A_66] : memref<10000xi32, #tpu.memory_space<vmem>> -> memref<40xi32, #tpu.memory_space<vmem>>
      %dma_wait3A_68 = arith.constant 0 : i32
      %dma_wait3A_69 = arith.constant 0 : i32
      %dma_wait3A_70 = tpu.memref_slice %arg3[%dma_wait3A_68, %dma_wait3A_69] : memref<10240x128xf32, #tpu.memory_space<hbm>> -> memref<10240x128xf32, #tpu.memory_space<hbm>>
      tpu.wait_indirect_dma semaphore(%arg16 : memref<!tpu.dma_semaphore, #tpu.memory_space<semaphore_mem>>) src(%dma_wait3A_70 : memref<10240x128xf32, #tpu.memory_space<hbm>>) dst(%arg12 : memref<40x128xf32, #tpu.memory_space<vmem>>)
      %scan3A_71 = arith.constant 0 : i32
      %scan3A_72 = arith.constant 40 : i32
      %scan3A_73 = arith.addi %scan3A_71, %scan3A_72 : i32
      %scan3A_74 = arith.constant 1 : i32
      scf.for %scan3A_115 = %scan3A_71 to %scan3A_73 step %scan3A_74  : i32 {
        %mul3A_116 = arith.constant 1 : i32
        %mul3A_117 = arith.muli %scan3A_115, %mul3A_116 : i32
        %add3A_118 = arith.constant 0 : i32
        %add3A_119 = arith.addi %add3A_118, %mul3A_117 : i32
        %broadcast_in_dim3A = arith.constant 0.000000e+00 : f32
        %broadcast_in_dim3A_120 = vector.broadcast %broadcast_in_dim3A : f32 to vector<16xf32>
        %get3A_121 = arith.index_cast %add3A_119 : i32 to index
        %get3A_122 = arith.constant 0 : index
        %get3A_123 = tpu.vector_load %arg10[%get3A_121, %get3A_122] {strides = array<i32>} : memref<40x128xf32, #tpu.memory_space<vmem>>, vector<1x16xf32>,
        %get3A_124 = vector.shape_cast %get3A_123 : vector<1x16xf32> to vector<16xf32>
        %get3A_125 = arith.index_cast %add3A_119 : i32 to index
        %get3A_126 = arith.constant 0 : index
        %get3A_127 = tpu.vector_load %arg12[%get3A_125, %get3A_126] {strides = array<i32>} : memref<40x128xf32, #tpu.memory_space<vmem>>, vector<1x16xf32>,
        %get3A_128 = vector.shape_cast %get3A_127 : vector<1x16xf32> to vector<16xf32>
        %add3A_129 = arith.addf %get3A_124, %get3A_128 : vector<16xf32>
        %max3A = arith.constant 0.000000e+00 : f32
        %max3A_130 = vector.broadcast %max3A : f32 to vector<16xf32>
        %max3A_131 = arith.maximumf %add3A_129, %max3A_130 : vector<16xf32>
        %mul3A_132 = arith.mulf %max3A_131, %get3A_6 : vector<16xf32>
        %add3A_133 = arith.addf %broadcast_in_dim3A_120, %mul3A_132 : vector<16xf32>
        %get3A_134 = arith.index_cast %add3A_119 : i32 to index
        %get3A_135 = arith.constant 16 : index
        %get3A_136 = tpu.vector_load %arg10[%get3A_134, %get3A_135] {strides = array<i32>} : memref<40x128xf32, #tpu.memory_space<vmem>>, vector<1x16xf32>,
        %get3A_137 = vector.shape_cast %get3A_136 : vector<1x16xf32> to vector<16xf32>
        %get3A_138 = arith.index_cast %add3A_119 : i32 to index
        %get3A_139 = arith.constant 16 : index
        %get3A_140 = tpu.vector_load %arg12[%get3A_138, %get3A_139] {strides = array<i32>} : memref<40x128xf32, #tpu.memory_space<vmem>>, vector<1x16xf32>,
        %get3A_141 = vector.shape_cast %get3A_140 : vector<1x16xf32> to vector<16xf32>
        %add3A_142 = arith.addf %get3A_137, %get3A_141 : vector<16xf32>
        %max3A_143 = arith.constant 0.000000e+00 : f32
        %max3A_144 = vector.broadcast %max3A_143 : f32 to vector<16xf32>
        %max3A_145 = arith.maximumf %add3A_142, %max3A_144 : vector<16xf32>
        %mul3A_146 = arith.mulf %max3A_145, %get3A_9 : vector<16xf32>
        %add3A_147 = arith.addf %add3A_133, %mul3A_146 : vector<16xf32>
        %get3A_148 = arith.index_cast %add3A_119 : i32 to index
        %get3A_149 = arith.constant 32 : index
        %get3A_150 = tpu.vector_load %arg10[%get3A_148, %get3A_149] {strides = array<i32>} : memref<40x128xf32, #tpu.memory_space<vmem>>, vector<1x16xf32>,
        %get3A_151 = vector.shape_cast %get3A_150 : vector<1x16xf32> to vector<16xf32>
        %get3A_152 = arith.index_cast %add3A_119 : i32 to index
        %get3A_153 = arith.constant 32 : index
        %get3A_154 = tpu.vector_load %arg12[%get3A_152, %get3A_153] {strides = array<i32>} : memref<40x128xf32, #tpu.memory_space<vmem>>, vector<1x16xf32>,
        %get3A_155 = vector.shape_cast %get3A_154 : vector<1x16xf32> to vector<16xf32>
        %add3A_156 = arith.addf %get3A_151, %get3A_155 : vector<16xf32>
        %max3A_157 = arith.constant 0.000000e+00 : f32
        %max3A_158 = vector.broadcast %max3A_157 : f32 to vector<16xf32>
        %max3A_159 = arith.maximumf %add3A_156, %max3A_158 : vector<16xf32>
        %mul3A_160 = arith.mulf %max3A_159, %get3A_12 : vector<16xf32>
        %add3A_161 = arith.addf %add3A_147, %mul3A_160 : vector<16xf32>
        %get3A_162 = arith.index_cast %add3A_119 : i32 to index
        %get3A_163 = arith.constant 48 : index
        %get3A_164 = tpu.vector_load %arg10[%get3A_162, %get3A_163] {strides = array<i32>} : memref<40x128xf32, #tpu.memory_space<vmem>>, vector<1x16xf32>,
        %get3A_165 = vector.shape_cast %get3A_164 : vector<1x16xf32> to vector<16xf32>
        %get3A_166 = arith.index_cast %add3A_119 : i32 to index
        %get3A_167 = arith.constant 48 : index
        %get3A_168 = tpu.vector_load %arg12[%get3A_166, %get3A_167] {strides = array<i32>} : memref<40x128xf32, #tpu.memory_space<vmem>>, vector<1x16xf32>,
        %get3A_169 = vector.shape_cast %get3A_168 : vector<1x16xf32> to vector<16xf32>
        %add3A_170 = arith.addf %get3A_165, %get3A_169 : vector<16xf32>
        %max3A_171 = arith.constant 0.000000e+00 : f32
        %max3A_172 = vector.broadcast %max3A_171 : f32 to vector<16xf32>
        %max3A_173 = arith.maximumf %add3A_170, %max3A_172 : vector<16xf32>
        %mul3A_174 = arith.mulf %max3A_173, %get3A_15 : vector<16xf32>
        %add3A_175 = arith.addf %add3A_161, %mul3A_174 : vector<16xf32>
        %get3A_176 = arith.index_cast %add3A_119 : i32 to index
        %get3A_177 = arith.constant 64 : index
        %get3A_178 = tpu.vector_load %arg10[%get3A_176, %get3A_177] {strides = array<i32>} : memref<40x128xf32, #tpu.memory_space<vmem>>, vector<1x16xf32>,
        %get3A_179 = vector.shape_cast %get3A_178 : vector<1x16xf32> to vector<16xf32>
        %get3A_180 = arith.index_cast %add3A_119 : i32 to index
        %get3A_181 = arith.constant 64 : index
        %get3A_182 = tpu.vector_load %arg12[%get3A_180, %get3A_181] {strides = array<i32>} : memref<40x128xf32, #tpu.memory_space<vmem>>, vector<1x16xf32>,
        %get3A_183 = vector.shape_cast %get3A_182 : vector<1x16xf32> to vector<16xf32>
        %add3A_184 = arith.addf %get3A_179, %get3A_183 : vector<16xf32>
        %max3A_185 = arith.constant 0.000000e+00 : f32
        %max3A_186 = vector.broadcast %max3A_185 : f32 to vector<16xf32>
        %max3A_187 = arith.maximumf %add3A_184, %max3A_186 : vector<16xf32>
        %mul3A_188 = arith.mulf %max3A_187, %get3A_18 : vector<16xf32>
        %add3A_189 = arith.addf %add3A_175, %mul3A_188 : vector<16xf32>
        %get3A_190 = arith.index_cast %add3A_119 : i32 to index
        %get3A_191 = arith.constant 80 : index
        %get3A_192 = tpu.vector_load %arg10[%get3A_190, %get3A_191] {strides = array<i32>} : memref<40x128xf32, #tpu.memory_space<vmem>>, vector<1x16xf32>,
        %get3A_193 = vector.shape_cast %get3A_192 : vector<1x16xf32> to vector<16xf32>
        %get3A_194 = arith.index_cast %add3A_119 : i32 to index
        %get3A_195 = arith.constant 80 : index
        %get3A_196 = tpu.vector_load %arg12[%get3A_194, %get3A_195] {strides = array<i32>} : memref<40x128xf32, #tpu.memory_space<vmem>>, vector<1x16xf32>,
        %get3A_197 = vector.shape_cast %get3A_196 : vector<1x16xf32> to vector<16xf32>
        %add3A_198 = arith.addf %get3A_193, %get3A_197 : vector<16xf32>
        %max3A_199 = arith.constant 0.000000e+00 : f32
        %max3A_200 = vector.broadcast %max3A_199 : f32 to vector<16xf32>
        %max3A_201 = arith.maximumf %add3A_198, %max3A_200 : vector<16xf32>
        %mul3A_202 = arith.mulf %max3A_201, %get3A_21 : vector<16xf32>
        %add3A_203 = arith.addf %add3A_189, %mul3A_202 : vector<16xf32>
        %get3A_204 = arith.index_cast %add3A_119 : i32 to index
        %get3A_205 = arith.constant 96 : index
        %get3A_206 = tpu.vector_load %arg10[%get3A_204, %get3A_205] {strides = array<i32>} : memref<40x128xf32, #tpu.memory_space<vmem>>, vector<1x16xf32>,
        %get3A_207 = vector.shape_cast %get3A_206 : vector<1x16xf32> to vector<16xf32>
        %get3A_208 = arith.index_cast %add3A_119 : i32 to index
        %get3A_209 = arith.constant 96 : index
        %get3A_210 = tpu.vector_load %arg12[%get3A_208, %get3A_209] {strides = array<i32>} : memref<40x128xf32, #tpu.memory_space<vmem>>, vector<1x16xf32>,
        %get3A_211 = vector.shape_cast %get3A_210 : vector<1x16xf32> to vector<16xf32>
        %add3A_212 = arith.addf %get3A_207, %get3A_211 : vector<16xf32>
        %max3A_213 = arith.constant 0.000000e+00 : f32
        %max3A_214 = vector.broadcast %max3A_213 : f32 to vector<16xf32>
        %max3A_215 = arith.maximumf %add3A_212, %max3A_214 : vector<16xf32>
        %mul3A_216 = arith.mulf %max3A_215, %get3A_24 : vector<16xf32>
        %add3A_217 = arith.addf %add3A_203, %mul3A_216 : vector<16xf32>
        %get3A_218 = arith.index_cast %add3A_119 : i32 to index
        %get3A_219 = arith.constant 112 : index
        %get3A_220 = tpu.vector_load %arg10[%get3A_218, %get3A_219] {strides = array<i32>} : memref<40x128xf32, #tpu.memory_space<vmem>>, vector<1x16xf32>,
        %get3A_221 = vector.shape_cast %get3A_220 : vector<1x16xf32> to vector<16xf32>
        %get3A_222 = arith.index_cast %add3A_119 : i32 to index
        %get3A_223 = arith.constant 112 : index
        %get3A_224 = tpu.vector_load %arg12[%get3A_222, %get3A_223] {strides = array<i32>} : memref<40x128xf32, #tpu.memory_space<vmem>>, vector<1x16xf32>,
        %get3A_225 = vector.shape_cast %get3A_224 : vector<1x16xf32> to vector<16xf32>
        %add3A_226 = arith.addf %get3A_221, %get3A_225 : vector<16xf32>
        %max3A_227 = arith.constant 0.000000e+00 : f32
        %max3A_228 = vector.broadcast %max3A_227 : f32 to vector<16xf32>
        %max3A_229 = arith.maximumf %add3A_226, %max3A_228 : vector<16xf32>
        %mul3A_230 = arith.mulf %max3A_229, %get3A_27 : vector<16xf32>
        %add3A_231 = arith.addf %add3A_217, %mul3A_230 : vector<16xf32>
        %add3A_232 = arith.constant 0 : i32
        %add3A_233 = arith.addi %add3A_119, %add3A_232 : i32
        %swap3A = arith.index_cast %add3A_233 : i32 to index
        %swap3A_234 = arith.constant 0 : index
        %swap3A_235 = tpu.vector_load %arg14[%swap3A, %swap3A_234] {strides = array<i32>} : memref<80x16xf32, #tpu.memory_space<vmem>>, vector<1x16xf32>,
        %swap3A_236 = vector.shape_cast %swap3A_235 : vector<1x16xf32> to vector<16xf32>
        %swap3A_237 = vector.shape_cast %add3A_231 : vector<16xf32> to vector<1x16xf32>
        tpu.vector_store %arg14[%swap3A, %swap3A_234], %swap3A_237 {strides = array<i32>} : memref<80x16xf32, #tpu.memory_space<vmem>>, vector<1x16xf32>,
      }
      %scan3A_75 = arith.constant 40 : i32
      %add3A_76 = arith.constant 2 : i32
      %add3A_77 = arith.addi %add3A_59, %add3A_76 : i32
      %lt3A = arith.constant 250 : i32
      %lt3A_78 = arith.cmpi slt, %add3A_77, %lt3A : i32
      %convert_element_type3A = arith.extui %lt3A_78 : i1 to i32
      %cond3A = arith.constant 0 : i32
      %cond3A_79 = arith.cmpi ne, %convert_element_type3A, %cond3A : i32
      scf.if %cond3A_79 {
        %mul3A_115 = arith.constant 40 : i32
        %mul3A_116 = arith.muli %add3A_77, %mul3A_115 : i32
        %dma_start3A_117 = tpu.memref_slice %arg8[%mul3A_116] : memref<10000xi32, #tpu.memory_space<vmem>> -> memref<40xi32, #tpu.memory_space<vmem>>
        %dma_start3A_118 = arith.constant 0 : i32
        %dma_start3A_119 = arith.constant 0 : i32
        %dma_start3A_120 = tpu.memref_slice %arg2[%dma_start3A_118, %dma_start3A_119] : memref<10240x128xf32, #tpu.memory_space<hbm>> -> memref<10240x128xf32, #tpu.memory_space<hbm>>
        tpu.enqueue_indirect_dma source(%dma_start3A_120 : memref<10240x128xf32, #tpu.memory_space<hbm>>) target(%arg10 : memref<40x128xf32, #tpu.memory_space<vmem>>) offsets(%dma_start3A_117 : memref<40xi32, #tpu.memory_space<vmem>>) semaphore(%arg16 : memref<!tpu.dma_semaphore, #tpu.memory_space<semaphore_mem>>)
        %mul3A_121 = arith.constant 40 : i32
        %mul3A_122 = arith.muli %add3A_77, %mul3A_121 : i32
        %dma_start3A_123 = tpu.memref_slice %arg9[%mul3A_122] : memref<10000xi32, #tpu.memory_space<vmem>> -> memref<40xi32, #tpu.memory_space<vmem>>
        %dma_start3A_124 = arith.constant 0 : i32
        %dma_start3A_125 = arith.constant 0 : i32
        %dma_start3A_126 = tpu.memref_slice %arg3[%dma_start3A_124, %dma_start3A_125] : memref<10240x128xf32, #tpu.memory_space<hbm>> -> memref<10240x128xf32, #tpu.memory_space<hbm>>
        tpu.enqueue_indirect_dma source(%dma_start3A_126 : memref<10240x128xf32, #tpu.memory_space<hbm>>) target(%arg12 : memref<40x128xf32, #tpu.memory_space<vmem>>) offsets(%dma_start3A_123 : memref<40xi32, #tpu.memory_space<vmem>>) semaphore(%arg16 : memref<!tpu.dma_semaphore, #tpu.memory_space<semaphore_mem>>)
      } else {
      }
      %mul3A_80 = arith.constant 2 : i32
      %mul3A_81 = arith.muli %add3A_55, %mul3A_80 : i32
      %add3A_82 = arith.constant 1 : i32
      %add3A_83 = arith.addi %mul3A_81, %add3A_82 : i32
      %mul3A_84 = arith.constant 40 : i32
      %mul3A_85 = arith.muli %add3A_83, %mul3A_84 : i32
      %dma_wait3A_86 = tpu.memref_slice %arg8[%mul3A_85] : memref<10000xi32, #tpu.memory_space<vmem>> -> memref<40xi32, #tpu.memory_space<vmem>>
      %dma_wait3A_87 = arith.constant 0 : i32
      %dma_wait3A_88 = arith.constant 0 : i32
      %dma_wait3A_89 = tpu.memref_slice %arg2[%dma_wait3A_87, %dma_wait3A_88] : memref<10240x128xf32, #tpu.memory_space<hbm>> -> memref<10240x128xf32, #tpu.memory_space<hbm>>
      tpu.wait_indirect_dma semaphore(%arg17 : memref<!tpu.dma_semaphore, #tpu.memory_space<semaphore_mem>>) src(%dma_wait3A_89 : memref<10240x128xf32, #tpu.memory_space<hbm>>) dst(%arg11 : memref<40x128xf32, #tpu.memory_space<vmem>>)
      %mul3A_90 = arith.constant 40 : i32
      %mul3A_91 = arith.muli %add3A_83, %mul3A_90 : i32
      %dma_wait3A_92 = tpu.memref_slice %arg9[%mul3A_91] : memref<10000xi32, #tpu.memory_space<vmem>> -> memref<40xi32, #tpu.memory_space<vmem>>
      %dma_wait3A_93 = arith.constant 0 : i32
      %dma_wait3A_94 = arith.constant 0 : i32
      %dma_wait3A_95 = tpu.memref_slice %arg3[%dma_wait3A_93, %dma_wait3A_94] : memref<10240x128xf32, #tpu.memory_space<hbm>> -> memref<10240x128xf32, #tpu.memory_space<hbm>>
      tpu.wait_indirect_dma semaphore(%arg17 : memref<!tpu.dma_semaphore, #tpu.memory_space<semaphore_mem>>) src(%dma_wait3A_95 : memref<10240x128xf32, #tpu.memory_space<hbm>>) dst(%arg13 : memref<40x128xf32, #tpu.memory_space<vmem>>)
      %scan3A_96 = arith.constant 0 : i32
      %scan3A_97 = arith.constant 40 : i32
      %scan3A_98 = arith.addi %scan3A_96, %scan3A_97 : i32
      %scan3A_99 = arith.constant 1 : i32
      scf.for %scan3A_115 = %scan3A_96 to %scan3A_98 step %scan3A_99  : i32 {
        %mul3A_116 = arith.constant 1 : i32
        %mul3A_117 = arith.muli %scan3A_115, %mul3A_116 : i32
        %add3A_118 = arith.constant 0 : i32
        %add3A_119 = arith.addi %add3A_118, %mul3A_117 : i32
        %broadcast_in_dim3A = arith.constant 0.000000e+00 : f32
        %broadcast_in_dim3A_120 = vector.broadcast %broadcast_in_dim3A : f32 to vector<16xf32>
        %get3A_121 = arith.index_cast %add3A_119 : i32 to index
        %get3A_122 = arith.constant 0 : index
        %get3A_123 = tpu.vector_load %arg11[%get3A_121, %get3A_122] {strides = array<i32>} : memref<40x128xf32, #tpu.memory_space<vmem>>, vector<1x16xf32>,
        %get3A_124 = vector.shape_cast %get3A_123 : vector<1x16xf32> to vector<16xf32>
        %get3A_125 = arith.index_cast %add3A_119 : i32 to index
        %get3A_126 = arith.constant 0 : index
        %get3A_127 = tpu.vector_load %arg13[%get3A_125, %get3A_126] {strides = array<i32>} : memref<40x128xf32, #tpu.memory_space<vmem>>, vector<1x16xf32>,
        %get3A_128 = vector.shape_cast %get3A_127 : vector<1x16xf32> to vector<16xf32>
        %add3A_129 = arith.addf %get3A_124, %get3A_128 : vector<16xf32>
        %max3A = arith.constant 0.000000e+00 : f32
        %max3A_130 = vector.broadcast %max3A : f32 to vector<16xf32>
        %max3A_131 = arith.maximumf %add3A_129, %max3A_130 : vector<16xf32>
        %mul3A_132 = arith.mulf %max3A_131, %get3A_6 : vector<16xf32>
        %add3A_133 = arith.addf %broadcast_in_dim3A_120, %mul3A_132 : vector<16xf32>
        %get3A_134 = arith.index_cast %add3A_119 : i32 to index
        %get3A_135 = arith.constant 16 : index
        %get3A_136 = tpu.vector_load %arg11[%get3A_134, %get3A_135] {strides = array<i32>} : memref<40x128xf32, #tpu.memory_space<vmem>>, vector<1x16xf32>,
        %get3A_137 = vector.shape_cast %get3A_136 : vector<1x16xf32> to vector<16xf32>
        %get3A_138 = arith.index_cast %add3A_119 : i32 to index
        %get3A_139 = arith.constant 16 : index
        %get3A_140 = tpu.vector_load %arg13[%get3A_138, %get3A_139] {strides = array<i32>} : memref<40x128xf32, #tpu.memory_space<vmem>>, vector<1x16xf32>,
        %get3A_141 = vector.shape_cast %get3A_140 : vector<1x16xf32> to vector<16xf32>
        %add3A_142 = arith.addf %get3A_137, %get3A_141 : vector<16xf32>
        %max3A_143 = arith.constant 0.000000e+00 : f32
        %max3A_144 = vector.broadcast %max3A_143 : f32 to vector<16xf32>
        %max3A_145 = arith.maximumf %add3A_142, %max3A_144 : vector<16xf32>
        %mul3A_146 = arith.mulf %max3A_145, %get3A_9 : vector<16xf32>
        %add3A_147 = arith.addf %add3A_133, %mul3A_146 : vector<16xf32>
        %get3A_148 = arith.index_cast %add3A_119 : i32 to index
        %get3A_149 = arith.constant 32 : index
        %get3A_150 = tpu.vector_load %arg11[%get3A_148, %get3A_149] {strides = array<i32>} : memref<40x128xf32, #tpu.memory_space<vmem>>, vector<1x16xf32>,
        %get3A_151 = vector.shape_cast %get3A_150 : vector<1x16xf32> to vector<16xf32>
        %get3A_152 = arith.index_cast %add3A_119 : i32 to index
        %get3A_153 = arith.constant 32 : index
        %get3A_154 = tpu.vector_load %arg13[%get3A_152, %get3A_153] {strides = array<i32>} : memref<40x128xf32, #tpu.memory_space<vmem>>, vector<1x16xf32>,
        %get3A_155 = vector.shape_cast %get3A_154 : vector<1x16xf32> to vector<16xf32>
        %add3A_156 = arith.addf %get3A_151, %get3A_155 : vector<16xf32>
        %max3A_157 = arith.constant 0.000000e+00 : f32
        %max3A_158 = vector.broadcast %max3A_157 : f32 to vector<16xf32>
        %max3A_159 = arith.maximumf %add3A_156, %max3A_158 : vector<16xf32>
        %mul3A_160 = arith.mulf %max3A_159, %get3A_12 : vector<16xf32>
        %add3A_161 = arith.addf %add3A_147, %mul3A_160 : vector<16xf32>
        %get3A_162 = arith.index_cast %add3A_119 : i32 to index
        %get3A_163 = arith.constant 48 : index
        %get3A_164 = tpu.vector_load %arg11[%get3A_162, %get3A_163] {strides = array<i32>} : memref<40x128xf32, #tpu.memory_space<vmem>>, vector<1x16xf32>,
        %get3A_165 = vector.shape_cast %get3A_164 : vector<1x16xf32> to vector<16xf32>
        %get3A_166 = arith.index_cast %add3A_119 : i32 to index
        %get3A_167 = arith.constant 48 : index
        %get3A_168 = tpu.vector_load %arg13[%get3A_166, %get3A_167] {strides = array<i32>} : memref<40x128xf32, #tpu.memory_space<vmem>>, vector<1x16xf32>,
        %get3A_169 = vector.shape_cast %get3A_168 : vector<1x16xf32> to vector<16xf32>
        %add3A_170 = arith.addf %get3A_165, %get3A_169 : vector<16xf32>
        %max3A_171 = arith.constant 0.000000e+00 : f32
        %max3A_172 = vector.broadcast %max3A_171 : f32 to vector<16xf32>
        %max3A_173 = arith.maximumf %add3A_170, %max3A_172 : vector<16xf32>
        %mul3A_174 = arith.mulf %max3A_173, %get3A_15 : vector<16xf32>
        %add3A_175 = arith.addf %add3A_161, %mul3A_174 : vector<16xf32>
        %get3A_176 = arith.index_cast %add3A_119 : i32 to index
        %get3A_177 = arith.constant 64 : index
        %get3A_178 = tpu.vector_load %arg11[%get3A_176, %get3A_177] {strides = array<i32>} : memref<40x128xf32, #tpu.memory_space<vmem>>, vector<1x16xf32>,
        %get3A_179 = vector.shape_cast %get3A_178 : vector<1x16xf32> to vector<16xf32>
        %get3A_180 = arith.index_cast %add3A_119 : i32 to index
        %get3A_181 = arith.constant 64 : index
        %get3A_182 = tpu.vector_load %arg13[%get3A_180, %get3A_181] {strides = array<i32>} : memref<40x128xf32, #tpu.memory_space<vmem>>, vector<1x16xf32>,
        %get3A_183 = vector.shape_cast %get3A_182 : vector<1x16xf32> to vector<16xf32>
        %add3A_184 = arith.addf %get3A_179, %get3A_183 : vector<16xf32>
        %max3A_185 = arith.constant 0.000000e+00 : f32
        %max3A_186 = vector.broadcast %max3A_185 : f32 to vector<16xf32>
        %max3A_187 = arith.maximumf %add3A_184, %max3A_186 : vector<16xf32>
        %mul3A_188 = arith.mulf %max3A_187, %get3A_18 : vector<16xf32>
        %add3A_189 = arith.addf %add3A_175, %mul3A_188 : vector<16xf32>
        %get3A_190 = arith.index_cast %add3A_119 : i32 to index
        %get3A_191 = arith.constant 80 : index
        %get3A_192 = tpu.vector_load %arg11[%get3A_190, %get3A_191] {strides = array<i32>} : memref<40x128xf32, #tpu.memory_space<vmem>>, vector<1x16xf32>,
        %get3A_193 = vector.shape_cast %get3A_192 : vector<1x16xf32> to vector<16xf32>
        %get3A_194 = arith.index_cast %add3A_119 : i32 to index
        %get3A_195 = arith.constant 80 : index
        %get3A_196 = tpu.vector_load %arg13[%get3A_194, %get3A_195] {strides = array<i32>} : memref<40x128xf32, #tpu.memory_space<vmem>>, vector<1x16xf32>,
        %get3A_197 = vector.shape_cast %get3A_196 : vector<1x16xf32> to vector<16xf32>
        %add3A_198 = arith.addf %get3A_193, %get3A_197 : vector<16xf32>
        %max3A_199 = arith.constant 0.000000e+00 : f32
        %max3A_200 = vector.broadcast %max3A_199 : f32 to vector<16xf32>
        %max3A_201 = arith.maximumf %add3A_198, %max3A_200 : vector<16xf32>
        %mul3A_202 = arith.mulf %max3A_201, %get3A_21 : vector<16xf32>
        %add3A_203 = arith.addf %add3A_189, %mul3A_202 : vector<16xf32>
        %get3A_204 = arith.index_cast %add3A_119 : i32 to index
        %get3A_205 = arith.constant 96 : index
        %get3A_206 = tpu.vector_load %arg11[%get3A_204, %get3A_205] {strides = array<i32>} : memref<40x128xf32, #tpu.memory_space<vmem>>, vector<1x16xf32>,
        %get3A_207 = vector.shape_cast %get3A_206 : vector<1x16xf32> to vector<16xf32>
        %get3A_208 = arith.index_cast %add3A_119 : i32 to index
        %get3A_209 = arith.constant 96 : index
        %get3A_210 = tpu.vector_load %arg13[%get3A_208, %get3A_209] {strides = array<i32>} : memref<40x128xf32, #tpu.memory_space<vmem>>, vector<1x16xf32>,
        %get3A_211 = vector.shape_cast %get3A_210 : vector<1x16xf32> to vector<16xf32>
        %add3A_212 = arith.addf %get3A_207, %get3A_211 : vector<16xf32>
        %max3A_213 = arith.constant 0.000000e+00 : f32
        %max3A_214 = vector.broadcast %max3A_213 : f32 to vector<16xf32>
        %max3A_215 = arith.maximumf %add3A_212, %max3A_214 : vector<16xf32>
        %mul3A_216 = arith.mulf %max3A_215, %get3A_24 : vector<16xf32>
        %add3A_217 = arith.addf %add3A_203, %mul3A_216 : vector<16xf32>
        %get3A_218 = arith.index_cast %add3A_119 : i32 to index
        %get3A_219 = arith.constant 112 : index
        %get3A_220 = tpu.vector_load %arg11[%get3A_218, %get3A_219] {strides = array<i32>} : memref<40x128xf32, #tpu.memory_space<vmem>>, vector<1x16xf32>,
        %get3A_221 = vector.shape_cast %get3A_220 : vector<1x16xf32> to vector<16xf32>
        %get3A_222 = arith.index_cast %add3A_119 : i32 to index
        %get3A_223 = arith.constant 112 : index
        %get3A_224 = tpu.vector_load %arg13[%get3A_222, %get3A_223] {strides = array<i32>} : memref<40x128xf32, #tpu.memory_space<vmem>>, vector<1x16xf32>,
        %get3A_225 = vector.shape_cast %get3A_224 : vector<1x16xf32> to vector<16xf32>
        %add3A_226 = arith.addf %get3A_221, %get3A_225 : vector<16xf32>
        %max3A_227 = arith.constant 0.000000e+00 : f32
        %max3A_228 = vector.broadcast %max3A_227 : f32 to vector<16xf32>
        %max3A_229 = arith.maximumf %add3A_226, %max3A_228 : vector<16xf32>
        %mul3A_230 = arith.mulf %max3A_229, %get3A_27 : vector<16xf32>
        %add3A_231 = arith.addf %add3A_217, %mul3A_230 : vector<16xf32>
        %add3A_232 = arith.constant 40 : i32
        %add3A_233 = arith.addi %add3A_119, %add3A_232 : i32
        %swap3A = arith.index_cast %add3A_233 : i32 to index
        %swap3A_234 = arith.constant 0 : index
        %swap3A_235 = tpu.vector_load %arg14[%swap3A, %swap3A_234] {strides = array<i32>} : memref<80x16xf32, #tpu.memory_space<vmem>>, vector<1x16xf32>,
        %swap3A_236 = vector.shape_cast %swap3A_235 : vector<1x16xf32> to vector<16xf32>
        %swap3A_237 = vector.shape_cast %add3A_231 : vector<16xf32> to vector<1x16xf32>
        tpu.vector_store %arg14[%swap3A, %swap3A_234], %swap3A_237 {strides = array<i32>} : memref<80x16xf32, #tpu.memory_space<vmem>>, vector<1x16xf32>,
      }
      %scan3A_100 = arith.constant 40 : i32
      %add3A_101 = arith.constant 2 : i32
      %add3A_102 = arith.addi %add3A_83, %add3A_101 : i32
      %lt3A_103 = arith.constant 250 : i32
      %lt3A_104 = arith.cmpi slt, %add3A_102, %lt3A_103 : i32
      %convert_element_type3A_105 = arith.extui %lt3A_104 : i1 to i32
      %cond3A_106 = arith.constant 0 : i32
      %cond3A_107 = arith.cmpi ne, %convert_element_type3A_105, %cond3A_106 : i32
      scf.if %cond3A_107 {
        %mul3A_115 = arith.constant 40 : i32
        %mul3A_116 = arith.muli %add3A_102, %mul3A_115 : i32
        %dma_start3A_117 = tpu.memref_slice %arg8[%mul3A_116] : memref<10000xi32, #tpu.memory_space<vmem>> -> memref<40xi32, #tpu.memory_space<vmem>>
        %dma_start3A_118 = arith.constant 0 : i32
        %dma_start3A_119 = arith.constant 0 : i32
        %dma_start3A_120 = tpu.memref_slice %arg2[%dma_start3A_118, %dma_start3A_119] : memref<10240x128xf32, #tpu.memory_space<hbm>> -> memref<10240x128xf32, #tpu.memory_space<hbm>>
        tpu.enqueue_indirect_dma source(%dma_start3A_120 : memref<10240x128xf32, #tpu.memory_space<hbm>>) target(%arg11 : memref<40x128xf32, #tpu.memory_space<vmem>>) offsets(%dma_start3A_117 : memref<40xi32, #tpu.memory_space<vmem>>) semaphore(%arg17 : memref<!tpu.dma_semaphore, #tpu.memory_space<semaphore_mem>>)
        %mul3A_121 = arith.constant 40 : i32
        %mul3A_122 = arith.muli %add3A_102, %mul3A_121 : i32
        %dma_start3A_123 = tpu.memref_slice %arg9[%mul3A_122] : memref<10000xi32, #tpu.memory_space<vmem>> -> memref<40xi32, #tpu.memory_space<vmem>>
        %dma_start3A_124 = arith.constant 0 : i32
        %dma_start3A_125 = arith.constant 0 : i32
        %dma_start3A_126 = tpu.memref_slice %arg3[%dma_start3A_124, %dma_start3A_125] : memref<10240x128xf32, #tpu.memory_space<hbm>> -> memref<10240x128xf32, #tpu.memory_space<hbm>>
        tpu.enqueue_indirect_dma source(%dma_start3A_126 : memref<10240x128xf32, #tpu.memory_space<hbm>>) target(%arg13 : memref<40x128xf32, #tpu.memory_space<vmem>>) offsets(%dma_start3A_123 : memref<40xi32, #tpu.memory_space<vmem>>) semaphore(%arg17 : memref<!tpu.dma_semaphore, #tpu.memory_space<semaphore_mem>>)
      } else {
      }
      %mul3A_108 = arith.constant 10000 : i32
      %mul3A_109 = arith.muli %add3A, %mul3A_108 : i32
      %mul3A_110 = arith.constant 2 : i32
      %mul3A_111 = arith.muli %add3A_55, %mul3A_110 : i32
      %mul3A_112 = arith.constant 40 : i32
      %mul3A_113 = arith.muli %mul3A_111, %mul3A_112 : i32
      %add3A_114 = arith.addi %mul3A_109, %mul3A_113 : i32
      "tpu.region"() ({
        %run_scoped3A = tpu.sem_alloc : memref<!tpu.dma_semaphore, #tpu.memory_space<semaphore_mem>>
        %dma_start3A_115 = arith.constant 0 : i32
        %dma_start3A_116 = tpu.memref_slice %arg7[%add3A_114, %dma_start3A_115] : memref<320000x16xf32, #tpu.memory_space<hbm>> -> memref<80x16xf32, #tpu.memory_space<hbm>>
        %dma_start3A_117 = arith.constant 0 : i32
        %dma_start3A_118 = tpu.memref_slice %arg7[%add3A_114, %dma_start3A_117] : memref<320000x16xf32, #tpu.memory_space<hbm>> -> memref<80x16xf32, #tpu.memory_space<hbm>>
        tpu.enqueue_dma source(%arg14 : memref<80x16xf32, #tpu.memory_space<vmem>>) target(%dma_start3A_118 : memref<80x16xf32, #tpu.memory_space<hbm>>) target_semaphore(%run_scoped3A : memref<!tpu.dma_semaphore, #tpu.memory_space<semaphore_mem>>)
        %dma_wait3A_119 = arith.constant 0 : i32
        %dma_wait3A_120 = tpu.memref_slice %arg7[%add3A_114, %dma_wait3A_119] : memref<320000x16xf32, #tpu.memory_space<hbm>> -> memref<80x16xf32, #tpu.memory_space<hbm>>
        %dma_wait3A_121 = arith.constant 0 : i32
        %dma_wait3A_122 = tpu.memref_slice %arg7[%add3A_114, %dma_wait3A_121] : memref<320000x16xf32, #tpu.memory_space<hbm>> -> memref<80x16xf32, #tpu.memory_space<hbm>>
        tpu.wait_dma2 semaphore(%run_scoped3A : memref<!tpu.dma_semaphore, #tpu.memory_space<semaphore_mem>>) src(%arg14 : memref<80x16xf32, #tpu.memory_space<vmem>>) dst(%dma_wait3A_122 : memref<80x16xf32, #tpu.memory_space<hbm>>)
        tpu.yield
      }) : () -> ()
    }
    %scan3A_50 = arith.constant 125 : i32
    return
  }
}

#map = affine_map<(d0, d1) -> (0)>
#map1 = affine_map<(d0, d1) -> (0, 0)>
module attributes {stable_mosaic.version = 14 : i64} {
  func.func @k(%arg0: i32, %arg1: i32, %arg2: memref<320000xi32, #tpu.memory_space<hbm>>, %arg3: memref<10240x16xf32, #tpu.memory_space<hbm>>, %arg4: memref<5128x16xf32, #tpu.memory_space<vmem_shared>>, %arg5: memref<20000xi32, #tpu.memory_space<vmem>>, %arg6: memref<200x16xf32, #tpu.memory_space<vmem>>) attributes {dimension_semantics = [#tpu.dimension_semantics<core_parallel>, #tpu.dimension_semantics<subcore_parallel>], iteration_bounds = array<i64: 2, 16>, scalar_prefetch = 0 : i64, scratch_operands = 3 : i64, tpu.core_type = #tpu.core_type<sc_vector_subcore>, window_params = [{transform_indices = #map}, {transform_indices = #map1}]} {
    %broadcast_in_dim3A = arith.constant 0.000000e+00 : f32
    %broadcast_in_dim3A_0 = vector.broadcast %broadcast_in_dim3A : f32 to vector<16xf32>
    %scan3A = arith.constant 0 : i32
    %scan3A_1 = arith.constant 200 : i32
    %scan3A_2 = arith.addi %scan3A, %scan3A_1 : i32
    %scan3A_3 = arith.constant 1 : i32
    scf.for %scan3A_38 = %scan3A to %scan3A_2 step %scan3A_3  : i32 {
      %mul3A_39 = arith.constant 1 : i32
      %mul3A_40 = arith.muli %scan3A_38, %mul3A_39 : i32
      %add3A_41 = arith.constant 0 : i32
      %add3A_42 = arith.addi %add3A_41, %mul3A_40 : i32
      %swap3A = arith.index_cast %add3A_42 : i32 to index
      %swap3A_43 = arith.constant 0 : index
      %swap3A_44 = tpu.vector_load %arg6[%swap3A, %swap3A_43] {strides = array<i32>} : memref<200x16xf32, #tpu.memory_space<vmem>>, vector<1x16xf32>,
      %swap3A_45 = vector.shape_cast %swap3A_44 : vector<1x16xf32> to vector<16xf32>
      %swap3A_46 = vector.shape_cast %broadcast_in_dim3A_0 : vector<16xf32> to vector<1x16xf32>
      tpu.vector_store %arg6[%swap3A, %swap3A_43], %swap3A_46 {strides = array<i32>} : memref<200x16xf32, #tpu.memory_space<vmem>>, vector<1x16xf32>,
    }
    %scan3A_4 = arith.constant 200 : i32
    %mul3A = arith.constant 320 : i32
    %mul3A_5 = arith.muli %arg1, %mul3A : i32
    "tpu.region"() ({
      %run_scoped3A = tpu.sem_alloc : memref<!tpu.dma_semaphore, #tpu.memory_space<semaphore_mem>>
      %dma_start3A = arith.constant 0 : i32
      %dma_start3A_38 = tpu.memref_slice %arg4[%mul3A_5, %dma_start3A] : memref<5128x16xf32, #tpu.memory_space<vmem_shared>> -> memref<200x16xf32, #tpu.memory_space<vmem_shared>>
      %dma_start3A_39 = arith.constant 0 : i32
      %dma_start3A_40 = tpu.memref_slice %arg4[%mul3A_5, %dma_start3A_39] : memref<5128x16xf32, #tpu.memory_space<vmem_shared>> -> memref<200x16xf32, #tpu.memory_space<vmem_shared>>
      tpu.enqueue_dma source(%arg6 : memref<200x16xf32, #tpu.memory_space<vmem>>) target(%dma_start3A_40 : memref<200x16xf32, #tpu.memory_space<vmem_shared>>) target_semaphore(%run_scoped3A : memref<!tpu.dma_semaphore, #tpu.memory_space<semaphore_mem>>)
      %dma_wait3A = arith.constant 0 : i32
      %dma_wait3A_41 = tpu.memref_slice %arg4[%mul3A_5, %dma_wait3A] : memref<5128x16xf32, #tpu.memory_space<vmem_shared>> -> memref<200x16xf32, #tpu.memory_space<vmem_shared>>
      %dma_wait3A_42 = arith.constant 0 : i32
      %dma_wait3A_43 = tpu.memref_slice %arg4[%mul3A_5, %dma_wait3A_42] : memref<5128x16xf32, #tpu.memory_space<vmem_shared>> -> memref<200x16xf32, #tpu.memory_space<vmem_shared>>
      tpu.wait_dma2 semaphore(%run_scoped3A : memref<!tpu.dma_semaphore, #tpu.memory_space<semaphore_mem>>) src(%arg6 : memref<200x16xf32, #tpu.memory_space<vmem>>) dst(%dma_wait3A_43 : memref<200x16xf32, #tpu.memory_space<vmem_shared>>)
      tpu.yield
    }) : () -> ()
    %mul3A_6 = arith.constant 320 : i32
    %mul3A_7 = arith.muli %arg1, %mul3A_6 : i32
    %add3A = arith.constant 200 : i32
    %add3A_8 = arith.addi %mul3A_7, %add3A : i32
    "tpu.region"() ({
      %run_scoped3A = tpu.sem_alloc : memref<!tpu.dma_semaphore, #tpu.memory_space<semaphore_mem>>
      %dma_start3A = arith.constant 0 : i32
      %dma_start3A_38 = arith.constant 0 : i32
      %dma_start3A_39 = tpu.memref_slice %arg6[%dma_start3A, %dma_start3A_38] : memref<200x16xf32, #tpu.memory_space<vmem>> -> memref<120x16xf32, #tpu.memory_space<vmem>>
      %dma_start3A_40 = arith.constant 0 : i32
      %dma_start3A_41 = tpu.memref_slice %arg4[%add3A_8, %dma_start3A_40] : memref<5128x16xf32, #tpu.memory_space<vmem_shared>> -> memref<120x16xf32, #tpu.memory_space<vmem_shared>>
      %dma_start3A_42 = arith.constant 0 : i32
      %dma_start3A_43 = tpu.memref_slice %arg4[%add3A_8, %dma_start3A_42] : memref<5128x16xf32, #tpu.memory_space<vmem_shared>> -> memref<120x16xf32, #tpu.memory_space<vmem_shared>>
      %dma_start3A_44 = arith.constant 0 : i32
      %dma_start3A_45 = arith.constant 0 : i32
      %dma_start3A_46 = tpu.memref_slice %arg6[%dma_start3A_44, %dma_start3A_45] : memref<200x16xf32, #tpu.memory_space<vmem>> -> memref<120x16xf32, #tpu.memory_space<vmem>>
      tpu.enqueue_dma source(%dma_start3A_46 : memref<120x16xf32, #tpu.memory_space<vmem>>) target(%dma_start3A_43 : memref<120x16xf32, #tpu.memory_space<vmem_shared>>) target_semaphore(%run_scoped3A : memref<!tpu.dma_semaphore, #tpu.memory_space<semaphore_mem>>)
      %dma_wait3A = arith.constant 0 : i32
      %dma_wait3A_47 = arith.constant 0 : i32
      %dma_wait3A_48 = tpu.memref_slice %arg6[%dma_wait3A, %dma_wait3A_47] : memref<200x16xf32, #tpu.memory_space<vmem>> -> memref<120x16xf32, #tpu.memory_space<vmem>>
      %dma_wait3A_49 = arith.constant 0 : i32
      %dma_wait3A_50 = tpu.memref_slice %arg4[%add3A_8, %dma_wait3A_49] : memref<5128x16xf32, #tpu.memory_space<vmem_shared>> -> memref<120x16xf32, #tpu.memory_space<vmem_shared>>
      %dma_wait3A_51 = arith.constant 0 : i32
      %dma_wait3A_52 = tpu.memref_slice %arg4[%add3A_8, %dma_wait3A_51] : memref<5128x16xf32, #tpu.memory_space<vmem_shared>> -> memref<120x16xf32, #tpu.memory_space<vmem_shared>>
      %dma_wait3A_53 = arith.constant 0 : i32
      %dma_wait3A_54 = arith.constant 0 : i32
      %dma_wait3A_55 = tpu.memref_slice %arg6[%dma_wait3A_53, %dma_wait3A_54] : memref<200x16xf32, #tpu.memory_space<vmem>> -> memref<120x16xf32, #tpu.memory_space<vmem>>
      tpu.wait_dma2 semaphore(%run_scoped3A : memref<!tpu.dma_semaphore, #tpu.memory_space<semaphore_mem>>) src(%dma_wait3A_55 : memref<120x16xf32, #tpu.memory_space<vmem>>) dst(%dma_wait3A_52 : memref<120x16xf32, #tpu.memory_space<vmem_shared>>)
      tpu.yield
    }) : () -> ()
    %broadcast_in_dim3A_9 = arith.constant 1.000000e+00 : f32
    %broadcast_in_dim3A_10 = vector.broadcast %broadcast_in_dim3A_9 : f32 to vector<16xf32>
    %scan3A_11 = arith.constant 0 : i32
    %scan3A_12 = arith.constant 200 : i32
    %scan3A_13 = arith.addi %scan3A_11, %scan3A_12 : i32
    %scan3A_14 = arith.constant 1 : i32
    scf.for %scan3A_38 = %scan3A_11 to %scan3A_13 step %scan3A_14  : i32 {
      %mul3A_39 = arith.constant 1 : i32
      %mul3A_40 = arith.muli %scan3A_38, %mul3A_39 : i32
      %add3A_41 = arith.constant 0 : i32
      %add3A_42 = arith.addi %add3A_41, %mul3A_40 : i32
      %swap3A = arith.index_cast %add3A_42 : i32 to index
      %swap3A_43 = arith.constant 0 : index
      %swap3A_44 = tpu.vector_load %arg6[%swap3A, %swap3A_43] {strides = array<i32>} : memref<200x16xf32, #tpu.memory_space<vmem>>, vector<1x16xf32>,
      %swap3A_45 = vector.shape_cast %swap3A_44 : vector<1x16xf32> to vector<16xf32>
      %swap3A_46 = vector.shape_cast %broadcast_in_dim3A_10 : vector<16xf32> to vector<1x16xf32>
      tpu.vector_store %arg6[%swap3A, %swap3A_43], %swap3A_46 {strides = array<i32>} : memref<200x16xf32, #tpu.memory_space<vmem>>, vector<1x16xf32>,
    }
    %scan3A_15 = arith.constant 200 : i32
    %mul3A_16 = arith.constant 20000 : i32
    %mul3A_17 = arith.muli %arg1, %mul3A_16 : i32
    "tpu.region"() ({
      %run_scoped3A = tpu.sem_alloc : memref<!tpu.dma_semaphore, #tpu.memory_space<semaphore_mem>>
      %dma_start3A = tpu.memref_slice %arg2[%mul3A_17] : memref<320000xi32, #tpu.memory_space<hbm>> -> memref<20000xi32, #tpu.memory_space<hbm>>
      %dma_start3A_38 = tpu.memref_slice %arg2[%mul3A_17] : memref<320000xi32, #tpu.memory_space<hbm>> -> memref<20000xi32, #tpu.memory_space<hbm>>
      tpu.enqueue_dma source(%dma_start3A_38 : memref<20000xi32, #tpu.memory_space<hbm>>) target(%arg5 : memref<20000xi32, #tpu.memory_space<vmem>>) target_semaphore(%run_scoped3A : memref<!tpu.dma_semaphore, #tpu.memory_space<semaphore_mem>>)
      %dma_wait3A = tpu.memref_slice %arg2[%mul3A_17] : memref<320000xi32, #tpu.memory_space<hbm>> -> memref<20000xi32, #tpu.memory_space<hbm>>
      %dma_wait3A_39 = tpu.memref_slice %arg2[%mul3A_17] : memref<320000xi32, #tpu.memory_space<hbm>> -> memref<20000xi32, #tpu.memory_space<hbm>>
      tpu.wait_dma2 semaphore(%run_scoped3A : memref<!tpu.dma_semaphore, #tpu.memory_space<semaphore_mem>>) src(%dma_wait3A_39 : memref<20000xi32, #tpu.memory_space<hbm>>) dst(%arg5 : memref<20000xi32, #tpu.memory_space<vmem>>)
      tpu.yield
    }) : () -> ()
    %mul3A_18 = arith.constant 5120 : i32
    %mul3A_19 = arith.muli %arg0, %mul3A_18 : i32
    %scan3A_20 = arith.constant 0 : i32
    %scan3A_21 = arith.constant 1250 : i32
    %scan3A_22 = arith.addi %scan3A_20, %scan3A_21 : i32
    %scan3A_23 = arith.constant 1 : i32
    scf.for %scan3A_38 = %scan3A_20 to %scan3A_22 step %scan3A_23  : i32 {
      %mul3A_39 = arith.constant 1 : i32
      %mul3A_40 = arith.muli %scan3A_38, %mul3A_39 : i32
      %add3A_41 = arith.constant 0 : i32
      %add3A_42 = arith.addi %add3A_41, %mul3A_40 : i32
      %mul3A_43 = arith.constant 16 : i32
      %mul3A_44 = arith.muli %add3A_42, %mul3A_43 : i32
      %get3A = arith.index_cast %mul3A_44 : i32 to index
      %get3A_45 = tpu.vector_load %arg5[%get3A] {strides = array<i32>} : memref<20000xi32, #tpu.memory_space<vmem>>, vector<16xi32>,
      %get3A_46 = vector.shape_cast %get3A_45 : vector<16xi32> to vector<16xi32>
      %sub3A = vector.broadcast %mul3A_19 : i32 to vector<16xi32>
      %sub3A_47 = arith.subi %get3A_46, %sub3A : vector<16xi32>
      %ge3A = arith.constant 0 : i32
      %ge3A_48 = vector.broadcast %ge3A : i32 to vector<16xi32>
      %ge3A_49 = arith.cmpi sge, %sub3A_47, %ge3A_48 : vector<16xi32>
      %lt3A = arith.constant 5120 : i32
      %lt3A_50 = vector.broadcast %lt3A : i32 to vector<16xi32>
      %lt3A_51 = arith.cmpi slt, %sub3A_47, %lt3A_50 : vector<16xi32>
      %and3A = arith.andi %ge3A_49, %lt3A_51 : vector<16xi1>
      %jit3A = arith.constant 5120 : i32
      %broadcast_in_dim3A_52 = vector.broadcast %jit3A : i32 to vector<16xi32>
      %select_n3A = arith.select %and3A, %sub3A_47, %broadcast_in_dim3A_52 : vector<16xi1>, vector<16xi32>
      %mul3A_53 = arith.constant 16 : i32
      %mul3A_54 = arith.muli %add3A_42, %mul3A_53 : i32
      %swap3A = arith.index_cast %mul3A_54 : i32 to index
      %swap3A_55 = tpu.vector_load %arg5[%swap3A] {strides = array<i32>} : memref<20000xi32, #tpu.memory_space<vmem>>, vector<16xi32>,
      %swap3A_56 = vector.shape_cast %swap3A_55 : vector<16xi32> to vector<16xi32>
      %swap3A_57 = vector.shape_cast %select_n3A : vector<16xi32> to vector<16xi32>
      tpu.vector_store %arg5[%swap3A], %swap3A_57 {strides = array<i32>} : memref<20000xi32, #tpu.memory_space<vmem>>, vector<16xi32>,
    }
    %scan3A_24 = arith.constant 1250 : i32
    %barrier3A = arith.constant 0 : index
    tpu.barrier barrier_id(%barrier3A)
    %scan3A_25 = arith.constant 0 : i32
    %scan3A_26 = arith.constant 100 : i32
    %scan3A_27 = arith.addi %scan3A_25, %scan3A_26 : i32
    %scan3A_28 = arith.constant 1 : i32
    scf.for %scan3A_38 = %scan3A_25 to %scan3A_27 step %scan3A_28  : i32 {
      %mul3A_39 = arith.constant 1 : i32
      %mul3A_40 = arith.muli %scan3A_38, %mul3A_39 : i32
      %add3A_41 = arith.constant 0 : i32
      %add3A_42 = arith.addi %add3A_41, %mul3A_40 : i32
      %mul3A_43 = arith.constant 200 : i32
      %mul3A_44 = arith.muli %add3A_42, %mul3A_43 : i32
      "tpu.region"() ({
        %run_scoped3A = tpu.sem_alloc : memref<!tpu.dma_semaphore, #tpu.memory_space<semaphore_mem>>
        %dma_start3A = tpu.memref_slice %arg5[%mul3A_44] : memref<20000xi32, #tpu.memory_space<vmem>> -> memref<200xi32, #tpu.memory_space<vmem>>
        %dma_start3A_45 = arith.constant 0 : i32
        %dma_start3A_46 = arith.constant 0 : i32
        %dma_start3A_47 = tpu.memref_slice %arg4[%dma_start3A_45, %dma_start3A_46] : memref<5128x16xf32, #tpu.memory_space<vmem_shared>> -> memref<5128x16xf32, #tpu.memory_space<vmem_shared>>
        tpu.enqueue_indirect_dma source(%arg6 : memref<200x16xf32, #tpu.memory_space<vmem>>) target(%dma_start3A_47 : memref<5128x16xf32, #tpu.memory_space<vmem_shared>>) offsets(%dma_start3A : memref<200xi32, #tpu.memory_space<vmem>>) semaphore(%run_scoped3A : memref<!tpu.dma_semaphore, #tpu.memory_space<semaphore_mem>>) {add = true}
        %dma_wait3A = tpu.memref_slice %arg5[%mul3A_44] : memref<20000xi32, #tpu.memory_space<vmem>> -> memref<200xi32, #tpu.memory_space<vmem>>
        %dma_wait3A_48 = arith.constant 0 : i32
        %dma_wait3A_49 = arith.constant 0 : i32
        %dma_wait3A_50 = tpu.memref_slice %arg4[%dma_wait3A_48, %dma_wait3A_49] : memref<5128x16xf32, #tpu.memory_space<vmem_shared>> -> memref<5128x16xf32, #tpu.memory_space<vmem_shared>>
        tpu.wait_indirect_dma semaphore(%run_scoped3A : memref<!tpu.dma_semaphore, #tpu.memory_space<semaphore_mem>>) src(%arg6 : memref<200x16xf32, #tpu.memory_space<vmem>>) dst(%dma_wait3A_50 : memref<5128x16xf32, #tpu.memory_space<vmem_shared>>)
        tpu.yield
      }) : () -> ()
    }
    %scan3A_29 = arith.constant 100 : i32
    %barrier3A_30 = arith.constant 0 : index
    tpu.barrier barrier_id(%barrier3A_30)
    %mul3A_31 = arith.constant 320 : i32
    %mul3A_32 = arith.muli %arg1, %mul3A_31 : i32
    %mul3A_33 = arith.constant 5120 : i32
    %mul3A_34 = arith.muli %arg0, %mul3A_33 : i32
    %mul3A_35 = arith.constant 320 : i32
    %mul3A_36 = arith.muli %arg1, %mul3A_35 : i32
    %add3A_37 = arith.addi %mul3A_34, %mul3A_36 : i32
    "tpu.region"() ({
      %run_scoped3A = tpu.sem_alloc : memref<!tpu.dma_semaphore, #tpu.memory_space<semaphore_mem>>
      %dma_start3A = arith.constant 0 : i32
      %dma_start3A_38 = tpu.memref_slice %arg3[%add3A_37, %dma_start3A] : memref<10240x16xf32, #tpu.memory_space<hbm>> -> memref<320x16xf32, #tpu.memory_space<hbm>>
      %dma_start3A_39 = arith.constant 0 : i32
      %dma_start3A_40 = tpu.memref_slice %arg4[%mul3A_32, %dma_start3A_39] : memref<5128x16xf32, #tpu.memory_space<vmem_shared>> -> memref<320x16xf32, #tpu.memory_space<vmem_shared>>
      tpu.enqueue_dma source(%dma_start3A_40 : memref<320x16xf32, #tpu.memory_space<vmem_shared>>) target(%dma_start3A_38 : memref<320x16xf32, #tpu.memory_space<hbm>>) target_semaphore(%run_scoped3A : memref<!tpu.dma_semaphore, #tpu.memory_space<semaphore_mem>>)
      %dma_wait3A = arith.constant 0 : i32
      %dma_wait3A_41 = tpu.memref_slice %arg3[%add3A_37, %dma_wait3A] : memref<10240x16xf32, #tpu.memory_space<hbm>> -> memref<320x16xf32, #tpu.memory_space<hbm>>
      %dma_wait3A_42 = arith.constant 0 : i32
      %dma_wait3A_43 = tpu.memref_slice %arg4[%mul3A_32, %dma_wait3A_42] : memref<5128x16xf32, #tpu.memory_space<vmem_shared>> -> memref<320x16xf32, #tpu.memory_space<vmem_shared>>
      tpu.wait_dma2 semaphore(%run_scoped3A : memref<!tpu.dma_semaphore, #tpu.memory_space<semaphore_mem>>) src(%dma_wait3A_43 : memref<320x16xf32, #tpu.memory_space<vmem_shared>>) dst(%dma_wait3A_41 : memref<320x16xf32, #tpu.memory_space<hbm>>)
      tpu.yield
    }) : () -> ()
    return
  }
}

#map = affine_map<(d0, d1) -> (0, 0)>
#map1 = affine_map<(d0, d1) -> (0)>
module attributes {stable_mosaic.version = 14 : i64} {
  func.func @k(%arg0: i32, %arg1: i32, %arg2: memref<10240x128xf32, #tpu.memory_space<hbm>>, %arg3: memref<320000xi32, #tpu.memory_space<hbm>>, %arg4: memref<320000xi32, #tpu.memory_space<hbm>>, %arg5: memref<10240x128xf32, #tpu.memory_space<hbm>>, %arg6: memref<5128x128xf32, #tpu.memory_space<vmem_shared>>, %arg7: memref<20000xi32, #tpu.memory_space<vmem>>, %arg8: memref<20000xi32, #tpu.memory_space<vmem>>, %arg9: memref<80x128xf32, #tpu.memory_space<vmem>>, %arg10: memref<80x128xf32, #tpu.memory_space<vmem>>, %arg11: memref<!tpu.dma_semaphore, #tpu.memory_space<semaphore_mem>>, %arg12: memref<!tpu.dma_semaphore, #tpu.memory_space<semaphore_mem>>) attributes {dimension_semantics = [#tpu.dimension_semantics<core_parallel>, #tpu.dimension_semantics<subcore_parallel>], iteration_bounds = array<i64: 2, 16>, scalar_prefetch = 0 : i64, scratch_operands = 7 : i64, tpu.core_type = #tpu.core_type<sc_vector_subcore>, window_params = [{transform_indices = #map}, {transform_indices = #map1}, {transform_indices = #map1}, {transform_indices = #map}]} {
    %broadcast_in_dim3A = arith.constant 0.000000e+00 : f32
    %broadcast_in_dim3A_0 = vector.broadcast %broadcast_in_dim3A : f32 to vector<16xf32>
    %scan3A = arith.constant 0 : i32
    %scan3A_1 = arith.constant 80 : i32
    %scan3A_2 = arith.addi %scan3A, %scan3A_1 : i32
    %scan3A_3 = arith.constant 1 : i32
    scf.for %scan3A_52 = %scan3A to %scan3A_2 step %scan3A_3  : i32 {
      %mul3A_53 = arith.constant 1 : i32
      %mul3A_54 = arith.muli %scan3A_52, %mul3A_53 : i32
      %add3A_55 = arith.constant 0 : i32
      %add3A_56 = arith.addi %add3A_55, %mul3A_54 : i32
      %swap3A = arith.index_cast %add3A_56 : i32 to index
      %swap3A_57 = arith.constant 0 : index
      %swap3A_58 = tpu.vector_load %arg9[%swap3A, %swap3A_57] {strides = array<i32>} : memref<80x128xf32, #tpu.memory_space<vmem>>, vector<1x16xf32>,
      %swap3A_59 = vector.shape_cast %swap3A_58 : vector<1x16xf32> to vector<16xf32>
      %swap3A_60 = vector.shape_cast %broadcast_in_dim3A_0 : vector<16xf32> to vector<1x16xf32>
      tpu.vector_store %arg9[%swap3A, %swap3A_57], %swap3A_60 {strides = array<i32>} : memref<80x128xf32, #tpu.memory_space<vmem>>, vector<1x16xf32>,
      %swap3A_61 = arith.index_cast %add3A_56 : i32 to index
      %swap3A_62 = arith.constant 16 : index
      %swap3A_63 = tpu.vector_load %arg9[%swap3A_61, %swap3A_62] {strides = array<i32>} : memref<80x128xf32, #tpu.memory_space<vmem>>, vector<1x16xf32>,
      %swap3A_64 = vector.shape_cast %swap3A_63 : vector<1x16xf32> to vector<16xf32>
      %swap3A_65 = vector.shape_cast %broadcast_in_dim3A_0 : vector<16xf32> to vector<1x16xf32>
      tpu.vector_store %arg9[%swap3A_61, %swap3A_62], %swap3A_65 {strides = array<i32>} : memref<80x128xf32, #tpu.memory_space<vmem>>, vector<1x16xf32>,
      %swap3A_66 = arith.index_cast %add3A_56 : i32 to index
      %swap3A_67 = arith.constant 32 : index
      %swap3A_68 = tpu.vector_load %arg9[%swap3A_66, %swap3A_67] {strides = array<i32>} : memref<80x128xf32, #tpu.memory_space<vmem>>, vector<1x16xf32>,
      %swap3A_69 = vector.shape_cast %swap3A_68 : vector<1x16xf32> to vector<16xf32>
      %swap3A_70 = vector.shape_cast %broadcast_in_dim3A_0 : vector<16xf32> to vector<1x16xf32>
      tpu.vector_store %arg9[%swap3A_66, %swap3A_67], %swap3A_70 {strides = array<i32>} : memref<80x128xf32, #tpu.memory_space<vmem>>, vector<1x16xf32>,
      %swap3A_71 = arith.index_cast %add3A_56 : i32 to index
      %swap3A_72 = arith.constant 48 : index
      %swap3A_73 = tpu.vector_load %arg9[%swap3A_71, %swap3A_72] {strides = array<i32>} : memref<80x128xf32, #tpu.memory_space<vmem>>, vector<1x16xf32>,
      %swap3A_74 = vector.shape_cast %swap3A_73 : vector<1x16xf32> to vector<16xf32>
      %swap3A_75 = vector.shape_cast %broadcast_in_dim3A_0 : vector<16xf32> to vector<1x16xf32>
      tpu.vector_store %arg9[%swap3A_71, %swap3A_72], %swap3A_75 {strides = array<i32>} : memref<80x128xf32, #tpu.memory_space<vmem>>, vector<1x16xf32>,
      %swap3A_76 = arith.index_cast %add3A_56 : i32 to index
      %swap3A_77 = arith.constant 64 : index
      %swap3A_78 = tpu.vector_load %arg9[%swap3A_76, %swap3A_77] {strides = array<i32>} : memref<80x128xf32, #tpu.memory_space<vmem>>, vector<1x16xf32>,
      %swap3A_79 = vector.shape_cast %swap3A_78 : vector<1x16xf32> to vector<16xf32>
      %swap3A_80 = vector.shape_cast %broadcast_in_dim3A_0 : vector<16xf32> to vector<1x16xf32>
      tpu.vector_store %arg9[%swap3A_76, %swap3A_77], %swap3A_80 {strides = array<i32>} : memref<80x128xf32, #tpu.memory_space<vmem>>, vector<1x16xf32>,
      %swap3A_81 = arith.index_cast %add3A_56 : i32 to index
      %swap3A_82 = arith.constant 80 : index
      %swap3A_83 = tpu.vector_load %arg9[%swap3A_81, %swap3A_82] {strides = array<i32>} : memref<80x128xf32, #tpu.memory_space<vmem>>, vector<1x16xf32>,
      %swap3A_84 = vector.shape_cast %swap3A_83 : vector<1x16xf32> to vector<16xf32>
      %swap3A_85 = vector.shape_cast %broadcast_in_dim3A_0 : vector<16xf32> to vector<1x16xf32>
      tpu.vector_store %arg9[%swap3A_81, %swap3A_82], %swap3A_85 {strides = array<i32>} : memref<80x128xf32, #tpu.memory_space<vmem>>, vector<1x16xf32>,
      %swap3A_86 = arith.index_cast %add3A_56 : i32 to index
      %swap3A_87 = arith.constant 96 : index
      %swap3A_88 = tpu.vector_load %arg9[%swap3A_86, %swap3A_87] {strides = array<i32>} : memref<80x128xf32, #tpu.memory_space<vmem>>, vector<1x16xf32>,
      %swap3A_89 = vector.shape_cast %swap3A_88 : vector<1x16xf32> to vector<16xf32>
      %swap3A_90 = vector.shape_cast %broadcast_in_dim3A_0 : vector<16xf32> to vector<1x16xf32>
      tpu.vector_store %arg9[%swap3A_86, %swap3A_87], %swap3A_90 {strides = array<i32>} : memref<80x128xf32, #tpu.memory_space<vmem>>, vector<1x16xf32>,
      %swap3A_91 = arith.index_cast %add3A_56 : i32 to index
      %swap3A_92 = arith.constant 112 : index
      %swap3A_93 = tpu.vector_load %arg9[%swap3A_91, %swap3A_92] {strides = array<i32>} : memref<80x128xf32, #tpu.memory_space<vmem>>, vector<1x16xf32>,
      %swap3A_94 = vector.shape_cast %swap3A_93 : vector<1x16xf32> to vector<16xf32>
      %swap3A_95 = vector.shape_cast %broadcast_in_dim3A_0 : vector<16xf32> to vector<1x16xf32>
      tpu.vector_store %arg9[%swap3A_91, %swap3A_92], %swap3A_95 {strides = array<i32>} : memref<80x128xf32, #tpu.memory_space<vmem>>, vector<1x16xf32>,
    }
    %scan3A_4 = arith.constant 80 : i32
    %mul3A = arith.constant 320 : i32
    %mul3A_5 = arith.muli %arg1, %mul3A : i32
    %add3A = arith.constant 0 : i32
    %add3A_6 = arith.addi %mul3A_5, %add3A : i32
    "tpu.region"() ({
      %run_scoped3A = tpu.sem_alloc : memref<!tpu.dma_semaphore, #tpu.memory_space<semaphore_mem>>
      %dma_start3A_52 = arith.constant 0 : i32
      %dma_start3A_53 = tpu.memref_slice %arg6[%add3A_6, %dma_start3A_52] : memref<5128x128xf32, #tpu.memory_space<vmem_shared>> -> memref<80x128xf32, #tpu.memory_space<vmem_shared>>
      %dma_start3A_54 = arith.constant 0 : i32
      %dma_start3A_55 = tpu.memref_slice %arg6[%add3A_6, %dma_start3A_54] : memref<5128x128xf32, #tpu.memory_space<vmem_shared>> -> memref<80x128xf32, #tpu.memory_space<vmem_shared>>
      tpu.enqueue_dma source(%arg9 : memref<80x128xf32, #tpu.memory_space<vmem>>) target(%dma_start3A_55 : memref<80x128xf32, #tpu.memory_space<vmem_shared>>) target_semaphore(%run_scoped3A : memref<!tpu.dma_semaphore, #tpu.memory_space<semaphore_mem>>)
      %dma_wait3A = arith.constant 0 : i32
      %dma_wait3A_56 = tpu.memref_slice %arg6[%add3A_6, %dma_wait3A] : memref<5128x128xf32, #tpu.memory_space<vmem_shared>> -> memref<80x128xf32, #tpu.memory_space<vmem_shared>>
      %dma_wait3A_57 = arith.constant 0 : i32
      %dma_wait3A_58 = tpu.memref_slice %arg6[%add3A_6, %dma_wait3A_57] : memref<5128x128xf32, #tpu.memory_space<vmem_shared>> -> memref<80x128xf32, #tpu.memory_space<vmem_shared>>
      tpu.wait_dma2 semaphore(%run_scoped3A : memref<!tpu.dma_semaphore, #tpu.memory_space<semaphore_mem>>) src(%arg9 : memref<80x128xf32, #tpu.memory_space<vmem>>) dst(%dma_wait3A_58 : memref<80x128xf32, #tpu.memory_space<vmem_shared>>)
      tpu.yield
    }) : () -> ()
    %mul3A_7 = arith.constant 320 : i32
    %mul3A_8 = arith.muli %arg1, %mul3A_7 : i32
    %add3A_9 = arith.constant 80 : i32
    %add3A_10 = arith.addi %mul3A_8, %add3A_9 : i32
    "tpu.region"() ({
      %run_scoped3A = tpu.sem_alloc : memref<!tpu.dma_semaphore, #tpu.memory_space<semaphore_mem>>
      %dma_start3A_52 = arith.constant 0 : i32
      %dma_start3A_53 = tpu.memref_slice %arg6[%add3A_10, %dma_start3A_52] : memref<5128x128xf32, #tpu.memory_space<vmem_shared>> -> memref<80x128xf32, #tpu.memory_space<vmem_shared>>
      %dma_start3A_54 = arith.constant 0 : i32
      %dma_start3A_55 = tpu.memref_slice %arg6[%add3A_10, %dma_start3A_54] : memref<5128x128xf32, #tpu.memory_space<vmem_shared>> -> memref<80x128xf32, #tpu.memory_space<vmem_shared>>
      tpu.enqueue_dma source(%arg9 : memref<80x128xf32, #tpu.memory_space<vmem>>) target(%dma_start3A_55 : memref<80x128xf32, #tpu.memory_space<vmem_shared>>) target_semaphore(%run_scoped3A : memref<!tpu.dma_semaphore, #tpu.memory_space<semaphore_mem>>)
      %dma_wait3A = arith.constant 0 : i32
      %dma_wait3A_56 = tpu.memref_slice %arg6[%add3A_10, %dma_wait3A] : memref<5128x128xf32, #tpu.memory_space<vmem_shared>> -> memref<80x128xf32, #tpu.memory_space<vmem_shared>>
      %dma_wait3A_57 = arith.constant 0 : i32
      %dma_wait3A_58 = tpu.memref_slice %arg6[%add3A_10, %dma_wait3A_57] : memref<5128x128xf32, #tpu.memory_space<vmem_shared>> -> memref<80x128xf32, #tpu.memory_space<vmem_shared>>
      tpu.wait_dma2 semaphore(%run_scoped3A : memref<!tpu.dma_semaphore, #tpu.memory_space<semaphore_mem>>) src(%arg9 : memref<80x128xf32, #tpu.memory_space<vmem>>) dst(%dma_wait3A_58 : memref<80x128xf32, #tpu.memory_space<vmem_shared>>)
      tpu.yield
    }) : () -> ()
    %mul3A_11 = arith.constant 320 : i32
    %mul3A_12 = arith.muli %arg1, %mul3A_11 : i32
    %add3A_13 = arith.constant 160 : i32
    %add3A_14 = arith.addi %mul3A_12, %add3A_13 : i32
    "tpu.region"() ({
      %run_scoped3A = tpu.sem_alloc : memref<!tpu.dma_semaphore, #tpu.memory_space<semaphore_mem>>
      %dma_start3A_52 = arith.constant 0 : i32
      %dma_start3A_53 = tpu.memref_slice %arg6[%add3A_14, %dma_start3A_52] : memref<5128x128xf32, #tpu.memory_space<vmem_shared>> -> memref<80x128xf32, #tpu.memory_space<vmem_shared>>
      %dma_start3A_54 = arith.constant 0 : i32
      %dma_start3A_55 = tpu.memref_slice %arg6[%add3A_14, %dma_start3A_54] : memref<5128x128xf32, #tpu.memory_space<vmem_shared>> -> memref<80x128xf32, #tpu.memory_space<vmem_shared>>
      tpu.enqueue_dma source(%arg9 : memref<80x128xf32, #tpu.memory_space<vmem>>) target(%dma_start3A_55 : memref<80x128xf32, #tpu.memory_space<vmem_shared>>) target_semaphore(%run_scoped3A : memref<!tpu.dma_semaphore, #tpu.memory_space<semaphore_mem>>)
      %dma_wait3A = arith.constant 0 : i32
      %dma_wait3A_56 = tpu.memref_slice %arg6[%add3A_14, %dma_wait3A] : memref<5128x128xf32, #tpu.memory_space<vmem_shared>> -> memref<80x128xf32, #tpu.memory_space<vmem_shared>>
      %dma_wait3A_57 = arith.constant 0 : i32
      %dma_wait3A_58 = tpu.memref_slice %arg6[%add3A_14, %dma_wait3A_57] : memref<5128x128xf32, #tpu.memory_space<vmem_shared>> -> memref<80x128xf32, #tpu.memory_space<vmem_shared>>
      tpu.wait_dma2 semaphore(%run_scoped3A : memref<!tpu.dma_semaphore, #tpu.memory_space<semaphore_mem>>) src(%arg9 : memref<80x128xf32, #tpu.memory_space<vmem>>) dst(%dma_wait3A_58 : memref<80x128xf32, #tpu.memory_space<vmem_shared>>)
      tpu.yield
    }) : () -> ()
    %mul3A_15 = arith.constant 320 : i32
    %mul3A_16 = arith.muli %arg1, %mul3A_15 : i32
    %add3A_17 = arith.constant 240 : i32
    %add3A_18 = arith.addi %mul3A_16, %add3A_17 : i32
    "tpu.region"() ({
      %run_scoped3A = tpu.sem_alloc : memref<!tpu.dma_semaphore, #tpu.memory_space<semaphore_mem>>
      %dma_start3A_52 = arith.constant 0 : i32
      %dma_start3A_53 = tpu.memref_slice %arg6[%add3A_18, %dma_start3A_52] : memref<5128x128xf32, #tpu.memory_space<vmem_shared>> -> memref<80x128xf32, #tpu.memory_space<vmem_shared>>
      %dma_start3A_54 = arith.constant 0 : i32
      %dma_start3A_55 = tpu.memref_slice %arg6[%add3A_18, %dma_start3A_54] : memref<5128x128xf32, #tpu.memory_space<vmem_shared>> -> memref<80x128xf32, #tpu.memory_space<vmem_shared>>
      tpu.enqueue_dma source(%arg9 : memref<80x128xf32, #tpu.memory_space<vmem>>) target(%dma_start3A_55 : memref<80x128xf32, #tpu.memory_space<vmem_shared>>) target_semaphore(%run_scoped3A : memref<!tpu.dma_semaphore, #tpu.memory_space<semaphore_mem>>)
      %dma_wait3A = arith.constant 0 : i32
      %dma_wait3A_56 = tpu.memref_slice %arg6[%add3A_18, %dma_wait3A] : memref<5128x128xf32, #tpu.memory_space<vmem_shared>> -> memref<80x128xf32, #tpu.memory_space<vmem_shared>>
      %dma_wait3A_57 = arith.constant 0 : i32
      %dma_wait3A_58 = tpu.memref_slice %arg6[%add3A_18, %dma_wait3A_57] : memref<5128x128xf32, #tpu.memory_space<vmem_shared>> -> memref<80x128xf32, #tpu.memory_space<vmem_shared>>
      tpu.wait_dma2 semaphore(%run_scoped3A : memref<!tpu.dma_semaphore, #tpu.memory_space<semaphore_mem>>) src(%arg9 : memref<80x128xf32, #tpu.memory_space<vmem>>) dst(%dma_wait3A_58 : memref<80x128xf32, #tpu.memory_space<vmem_shared>>)
      tpu.yield
    }) : () -> ()
    %mul3A_19 = arith.constant 20000 : i32
    %mul3A_20 = arith.muli %arg1, %mul3A_19 : i32
    "tpu.region"() ({
      %run_scoped3A = tpu.sem_alloc : memref<!tpu.dma_semaphore, #tpu.memory_space<semaphore_mem>>
      %dma_start3A_52 = tpu.memref_slice %arg3[%mul3A_20] : memref<320000xi32, #tpu.memory_space<hbm>> -> memref<20000xi32, #tpu.memory_space<hbm>>
      %dma_start3A_53 = tpu.memref_slice %arg3[%mul3A_20] : memref<320000xi32, #tpu.memory_space<hbm>> -> memref<20000xi32, #tpu.memory_space<hbm>>
      tpu.enqueue_dma source(%dma_start3A_53 : memref<20000xi32, #tpu.memory_space<hbm>>) target(%arg7 : memref<20000xi32, #tpu.memory_space<vmem>>) target_semaphore(%run_scoped3A : memref<!tpu.dma_semaphore, #tpu.memory_space<semaphore_mem>>)
      %dma_wait3A = tpu.memref_slice %arg3[%mul3A_20] : memref<320000xi32, #tpu.memory_space<hbm>> -> memref<20000xi32, #tpu.memory_space<hbm>>
      %dma_wait3A_54 = tpu.memref_slice %arg3[%mul3A_20] : memref<320000xi32, #tpu.memory_space<hbm>> -> memref<20000xi32, #tpu.memory_space<hbm>>
      tpu.wait_dma2 semaphore(%run_scoped3A : memref<!tpu.dma_semaphore, #tpu.memory_space<semaphore_mem>>) src(%dma_wait3A_54 : memref<20000xi32, #tpu.memory_space<hbm>>) dst(%arg7 : memref<20000xi32, #tpu.memory_space<vmem>>)
      tpu.yield
    }) : () -> ()
    %mul3A_21 = arith.constant 20000 : i32
    %mul3A_22 = arith.muli %arg1, %mul3A_21 : i32
    "tpu.region"() ({
      %run_scoped3A = tpu.sem_alloc : memref<!tpu.dma_semaphore, #tpu.memory_space<semaphore_mem>>
      %dma_start3A_52 = tpu.memref_slice %arg4[%mul3A_22] : memref<320000xi32, #tpu.memory_space<hbm>> -> memref<20000xi32, #tpu.memory_space<hbm>>
      %dma_start3A_53 = tpu.memref_slice %arg4[%mul3A_22] : memref<320000xi32, #tpu.memory_space<hbm>> -> memref<20000xi32, #tpu.memory_space<hbm>>
      tpu.enqueue_dma source(%dma_start3A_53 : memref<20000xi32, #tpu.memory_space<hbm>>) target(%arg8 : memref<20000xi32, #tpu.memory_space<vmem>>) target_semaphore(%run_scoped3A : memref<!tpu.dma_semaphore, #tpu.memory_space<semaphore_mem>>)
      %dma_wait3A = tpu.memref_slice %arg4[%mul3A_22] : memref<320000xi32, #tpu.memory_space<hbm>> -> memref<20000xi32, #tpu.memory_space<hbm>>
      %dma_wait3A_54 = tpu.memref_slice %arg4[%mul3A_22] : memref<320000xi32, #tpu.memory_space<hbm>> -> memref<20000xi32, #tpu.memory_space<hbm>>
      tpu.wait_dma2 semaphore(%run_scoped3A : memref<!tpu.dma_semaphore, #tpu.memory_space<semaphore_mem>>) src(%dma_wait3A_54 : memref<20000xi32, #tpu.memory_space<hbm>>) dst(%arg8 : memref<20000xi32, #tpu.memory_space<vmem>>)
      tpu.yield
    }) : () -> ()
    %mul3A_23 = arith.constant 5120 : i32
    %mul3A_24 = arith.muli %arg0, %mul3A_23 : i32
    %scan3A_25 = arith.constant 0 : i32
    %scan3A_26 = arith.constant 1250 : i32
    %scan3A_27 = arith.addi %scan3A_25, %scan3A_26 : i32
    %scan3A_28 = arith.constant 1 : i32
    scf.for %scan3A_52 = %scan3A_25 to %scan3A_27 step %scan3A_28  : i32 {
      %mul3A_53 = arith.constant 1 : i32
      %mul3A_54 = arith.muli %scan3A_52, %mul3A_53 : i32
      %add3A_55 = arith.constant 0 : i32
      %add3A_56 = arith.addi %add3A_55, %mul3A_54 : i32
      %mul3A_57 = arith.constant 16 : i32
      %mul3A_58 = arith.muli %add3A_56, %mul3A_57 : i32
      %get3A = arith.index_cast %mul3A_58 : i32 to index
      %get3A_59 = tpu.vector_load %arg8[%get3A] {strides = array<i32>} : memref<20000xi32, #tpu.memory_space<vmem>>, vector<16xi32>,
      %get3A_60 = vector.shape_cast %get3A_59 : vector<16xi32> to vector<16xi32>
      %sub3A = vector.broadcast %mul3A_24 : i32 to vector<16xi32>
      %sub3A_61 = arith.subi %get3A_60, %sub3A : vector<16xi32>
      %ge3A = arith.constant 0 : i32
      %ge3A_62 = vector.broadcast %ge3A : i32 to vector<16xi32>
      %ge3A_63 = arith.cmpi sge, %sub3A_61, %ge3A_62 : vector<16xi32>
      %lt3A = arith.constant 5120 : i32
      %lt3A_64 = vector.broadcast %lt3A : i32 to vector<16xi32>
      %lt3A_65 = arith.cmpi slt, %sub3A_61, %lt3A_64 : vector<16xi32>
      %and3A = arith.andi %ge3A_63, %lt3A_65 : vector<16xi1>
      %jit3A = arith.constant 5120 : i32
      %broadcast_in_dim3A_66 = vector.broadcast %jit3A : i32 to vector<16xi32>
      %select_n3A = arith.select %and3A, %sub3A_61, %broadcast_in_dim3A_66 : vector<16xi1>, vector<16xi32>
      %mul3A_67 = arith.constant 16 : i32
      %mul3A_68 = arith.muli %add3A_56, %mul3A_67 : i32
      %swap3A = arith.index_cast %mul3A_68 : i32 to index
      %swap3A_69 = tpu.vector_load %arg8[%swap3A] {strides = array<i32>} : memref<20000xi32, #tpu.memory_space<vmem>>, vector<16xi32>,
      %swap3A_70 = vector.shape_cast %swap3A_69 : vector<16xi32> to vector<16xi32>
      %swap3A_71 = vector.shape_cast %select_n3A : vector<16xi32> to vector<16xi32>
      tpu.vector_store %arg8[%swap3A], %swap3A_71 {strides = array<i32>} : memref<20000xi32, #tpu.memory_space<vmem>>, vector<16xi32>,
    }
    %scan3A_29 = arith.constant 1250 : i32
    %barrier3A = arith.constant 0 : index
    tpu.barrier barrier_id(%barrier3A)
    %dma_start3A = arith.constant 0 : i32
    %dma_start3A_30 = tpu.memref_slice %arg7[%dma_start3A] : memref<20000xi32, #tpu.memory_space<vmem>> -> memref<80xi32, #tpu.memory_space<vmem>>
    %dma_start3A_31 = arith.constant 0 : i32
    %dma_start3A_32 = arith.constant 0 : i32
    %dma_start3A_33 = tpu.memref_slice %arg2[%dma_start3A_31, %dma_start3A_32] : memref<10240x128xf32, #tpu.memory_space<hbm>> -> memref<10240x128xf32, #tpu.memory_space<hbm>>
    tpu.enqueue_indirect_dma source(%dma_start3A_33 : memref<10240x128xf32, #tpu.memory_space<hbm>>) target(%arg9 : memref<80x128xf32, #tpu.memory_space<vmem>>) offsets(%dma_start3A_30 : memref<80xi32, #tpu.memory_space<vmem>>) semaphore(%arg11 : memref<!tpu.dma_semaphore, #tpu.memory_space<semaphore_mem>>)
    %dma_start3A_34 = arith.constant 80 : i32
    %dma_start3A_35 = tpu.memref_slice %arg7[%dma_start3A_34] : memref<20000xi32, #tpu.memory_space<vmem>> -> memref<80xi32, #tpu.memory_space<vmem>>
    %dma_start3A_36 = arith.constant 0 : i32
    %dma_start3A_37 = arith.constant 0 : i32
    %dma_start3A_38 = tpu.memref_slice %arg2[%dma_start3A_36, %dma_start3A_37] : memref<10240x128xf32, #tpu.memory_space<hbm>> -> memref<10240x128xf32, #tpu.memory_space<hbm>>
    tpu.enqueue_indirect_dma source(%dma_start3A_38 : memref<10240x128xf32, #tpu.memory_space<hbm>>) target(%arg10 : memref<80x128xf32, #tpu.memory_space<vmem>>) offsets(%dma_start3A_35 : memref<80xi32, #tpu.memory_space<vmem>>) semaphore(%arg12 : memref<!tpu.dma_semaphore, #tpu.memory_space<semaphore_mem>>)
    %scan3A_39 = arith.constant 0 : i32
    %scan3A_40 = arith.constant 125 : i32
    %scan3A_41 = arith.addi %scan3A_39, %scan3A_40 : i32
    %scan3A_42 = arith.constant 1 : i32
    scf.for %scan3A_52 = %scan3A_39 to %scan3A_41 step %scan3A_42  : i32 {
      %mul3A_53 = arith.constant 1 : i32
      %mul3A_54 = arith.muli %scan3A_52, %mul3A_53 : i32
      %add3A_55 = arith.constant 0 : i32
      %add3A_56 = arith.addi %add3A_55, %mul3A_54 : i32
      %mul3A_57 = arith.constant 2 : i32
      %mul3A_58 = arith.muli %add3A_56, %mul3A_57 : i32
      %add3A_59 = arith.constant 0 : i32
      %add3A_60 = arith.addi %mul3A_58, %add3A_59 : i32
      %mul3A_61 = arith.constant 80 : i32
      %mul3A_62 = arith.muli %add3A_60, %mul3A_61 : i32
      %dma_wait3A = tpu.memref_slice %arg7[%mul3A_62] : memref<20000xi32, #tpu.memory_space<vmem>> -> memref<80xi32, #tpu.memory_space<vmem>>
      %dma_wait3A_63 = arith.constant 0 : i32
      %dma_wait3A_64 = arith.constant 0 : i32
      %dma_wait3A_65 = tpu.memref_slice %arg2[%dma_wait3A_63, %dma_wait3A_64] : memref<10240x128xf32, #tpu.memory_space<hbm>> -> memref<10240x128xf32, #tpu.memory_space<hbm>>
      tpu.wait_indirect_dma semaphore(%arg11 : memref<!tpu.dma_semaphore, #tpu.memory_space<semaphore_mem>>) src(%dma_wait3A_65 : memref<10240x128xf32, #tpu.memory_space<hbm>>) dst(%arg9 : memref<80x128xf32, #tpu.memory_space<vmem>>)
      %mul3A_66 = arith.constant 80 : i32
      %mul3A_67 = arith.muli %add3A_60, %mul3A_66 : i32
      "tpu.region"() ({
        %run_scoped3A = tpu.sem_alloc : memref<!tpu.dma_semaphore, #tpu.memory_space<semaphore_mem>>
        %dma_start3A_91 = tpu.memref_slice %arg8[%mul3A_67] : memref<20000xi32, #tpu.memory_space<vmem>> -> memref<80xi32, #tpu.memory_space<vmem>>
        %dma_start3A_92 = arith.constant 0 : i32
        %dma_start3A_93 = arith.constant 0 : i32
        %dma_start3A_94 = tpu.memref_slice %arg6[%dma_start3A_92, %dma_start3A_93] : memref<5128x128xf32, #tpu.memory_space<vmem_shared>> -> memref<5128x128xf32, #tpu.memory_space<vmem_shared>>
        tpu.enqueue_indirect_dma source(%arg9 : memref<80x128xf32, #tpu.memory_space<vmem>>) target(%dma_start3A_94 : memref<5128x128xf32, #tpu.memory_space<vmem_shared>>) offsets(%dma_start3A_91 : memref<80xi32, #tpu.memory_space<vmem>>) semaphore(%run_scoped3A : memref<!tpu.dma_semaphore, #tpu.memory_space<semaphore_mem>>) {add = true}
        %dma_wait3A_95 = tpu.memref_slice %arg8[%mul3A_67] : memref<20000xi32, #tpu.memory_space<vmem>> -> memref<80xi32, #tpu.memory_space<vmem>>
        %dma_wait3A_96 = arith.constant 0 : i32
        %dma_wait3A_97 = arith.constant 0 : i32
        %dma_wait3A_98 = tpu.memref_slice %arg6[%dma_wait3A_96, %dma_wait3A_97] : memref<5128x128xf32, #tpu.memory_space<vmem_shared>> -> memref<5128x128xf32, #tpu.memory_space<vmem_shared>>
        tpu.wait_indirect_dma semaphore(%run_scoped3A : memref<!tpu.dma_semaphore, #tpu.memory_space<semaphore_mem>>) src(%arg9 : memref<80x128xf32, #tpu.memory_space<vmem>>) dst(%dma_wait3A_98 : memref<5128x128xf32, #tpu.memory_space<vmem_shared>>)
        tpu.yield
      }) : () -> ()
      %add3A_68 = arith.constant 2 : i32
      %add3A_69 = arith.addi %add3A_60, %add3A_68 : i32
      %lt3A = arith.constant 250 : i32
      %lt3A_70 = arith.cmpi slt, %add3A_69, %lt3A : i32
      %convert_element_type3A = arith.extui %lt3A_70 : i1 to i32
      %cond3A = arith.constant 0 : i32
      %cond3A_71 = arith.cmpi ne, %convert_element_type3A, %cond3A : i32
      scf.if %cond3A_71 {
        %mul3A_91 = arith.constant 80 : i32
        %mul3A_92 = arith.muli %add3A_69, %mul3A_91 : i32
        %dma_start3A_93 = tpu.memref_slice %arg7[%mul3A_92] : memref<20000xi32, #tpu.memory_space<vmem>> -> memref<80xi32, #tpu.memory_space<vmem>>
        %dma_start3A_94 = arith.constant 0 : i32
        %dma_start3A_95 = arith.constant 0 : i32
        %dma_start3A_96 = tpu.memref_slice %arg2[%dma_start3A_94, %dma_start3A_95] : memref<10240x128xf32, #tpu.memory_space<hbm>> -> memref<10240x128xf32, #tpu.memory_space<hbm>>
        tpu.enqueue_indirect_dma source(%dma_start3A_96 : memref<10240x128xf32, #tpu.memory_space<hbm>>) target(%arg9 : memref<80x128xf32, #tpu.memory_space<vmem>>) offsets(%dma_start3A_93 : memref<80xi32, #tpu.memory_space<vmem>>) semaphore(%arg11 : memref<!tpu.dma_semaphore, #tpu.memory_space<semaphore_mem>>)
      } else {
      }
      %mul3A_72 = arith.constant 2 : i32
      %mul3A_73 = arith.muli %add3A_56, %mul3A_72 : i32
      %add3A_74 = arith.constant 1 : i32
      %add3A_75 = arith.addi %mul3A_73, %add3A_74 : i32
      %mul3A_76 = arith.constant 80 : i32
      %mul3A_77 = arith.muli %add3A_75, %mul3A_76 : i32
      %dma_wait3A_78 = tpu.memref_slice %arg7[%mul3A_77] : memref<20000xi32, #tpu.memory_space<vmem>> -> memref<80xi32, #tpu.memory_space<vmem>>
      %dma_wait3A_79 = arith.constant 0 : i32
      %dma_wait3A_80 = arith.constant 0 : i32
      %dma_wait3A_81 = tpu.memref_slice %arg2[%dma_wait3A_79, %dma_wait3A_80] : memref<10240x128xf32, #tpu.memory_space<hbm>> -> memref<10240x128xf32, #tpu.memory_space<hbm>>
      tpu.wait_indirect_dma semaphore(%arg12 : memref<!tpu.dma_semaphore, #tpu.memory_space<semaphore_mem>>) src(%dma_wait3A_81 : memref<10240x128xf32, #tpu.memory_space<hbm>>) dst(%arg10 : memref<80x128xf32, #tpu.memory_space<vmem>>)
      %mul3A_82 = arith.constant 80 : i32
      %mul3A_83 = arith.muli %add3A_75, %mul3A_82 : i32
      "tpu.region"() ({
        %run_scoped3A = tpu.sem_alloc : memref<!tpu.dma_semaphore, #tpu.memory_space<semaphore_mem>>
        %dma_start3A_91 = tpu.memref_slice %arg8[%mul3A_83] : memref<20000xi32, #tpu.memory_space<vmem>> -> memref<80xi32, #tpu.memory_space<vmem>>
        %dma_start3A_92 = arith.constant 0 : i32
        %dma_start3A_93 = arith.constant 0 : i32
        %dma_start3A_94 = tpu.memref_slice %arg6[%dma_start3A_92, %dma_start3A_93] : memref<5128x128xf32, #tpu.memory_space<vmem_shared>> -> memref<5128x128xf32, #tpu.memory_space<vmem_shared>>
        tpu.enqueue_indirect_dma source(%arg10 : memref<80x128xf32, #tpu.memory_space<vmem>>) target(%dma_start3A_94 : memref<5128x128xf32, #tpu.memory_space<vmem_shared>>) offsets(%dma_start3A_91 : memref<80xi32, #tpu.memory_space<vmem>>) semaphore(%run_scoped3A : memref<!tpu.dma_semaphore, #tpu.memory_space<semaphore_mem>>) {add = true}
        %dma_wait3A_95 = tpu.memref_slice %arg8[%mul3A_83] : memref<20000xi32, #tpu.memory_space<vmem>> -> memref<80xi32, #tpu.memory_space<vmem>>
        %dma_wait3A_96 = arith.constant 0 : i32
        %dma_wait3A_97 = arith.constant 0 : i32
        %dma_wait3A_98 = tpu.memref_slice %arg6[%dma_wait3A_96, %dma_wait3A_97] : memref<5128x128xf32, #tpu.memory_space<vmem_shared>> -> memref<5128x128xf32, #tpu.memory_space<vmem_shared>>
        tpu.wait_indirect_dma semaphore(%run_scoped3A : memref<!tpu.dma_semaphore, #tpu.memory_space<semaphore_mem>>) src(%arg10 : memref<80x128xf32, #tpu.memory_space<vmem>>) dst(%dma_wait3A_98 : memref<5128x128xf32, #tpu.memory_space<vmem_shared>>)
        tpu.yield
      }) : () -> ()
      %add3A_84 = arith.constant 2 : i32
      %add3A_85 = arith.addi %add3A_75, %add3A_84 : i32
      %lt3A_86 = arith.constant 250 : i32
      %lt3A_87 = arith.cmpi slt, %add3A_85, %lt3A_86 : i32
      %convert_element_type3A_88 = arith.extui %lt3A_87 : i1 to i32
      %cond3A_89 = arith.constant 0 : i32
      %cond3A_90 = arith.cmpi ne, %convert_element_type3A_88, %cond3A_89 : i32
      scf.if %cond3A_90 {
        %mul3A_91 = arith.constant 80 : i32
        %mul3A_92 = arith.muli %add3A_85, %mul3A_91 : i32
        %dma_start3A_93 = tpu.memref_slice %arg7[%mul3A_92] : memref<20000xi32, #tpu.memory_space<vmem>> -> memref<80xi32, #tpu.memory_space<vmem>>
        %dma_start3A_94 = arith.constant 0 : i32
        %dma_start3A_95 = arith.constant 0 : i32
        %dma_start3A_96 = tpu.memref_slice %arg2[%dma_start3A_94, %dma_start3A_95] : memref<10240x128xf32, #tpu.memory_space<hbm>> -> memref<10240x128xf32, #tpu.memory_space<hbm>>
        tpu.enqueue_indirect_dma source(%dma_start3A_96 : memref<10240x128xf32, #tpu.memory_space<hbm>>) target(%arg10 : memref<80x128xf32, #tpu.memory_space<vmem>>) offsets(%dma_start3A_93 : memref<80xi32, #tpu.memory_space<vmem>>) semaphore(%arg12 : memref<!tpu.dma_semaphore, #tpu.memory_space<semaphore_mem>>)
      } else {
      }
    }
    %scan3A_43 = arith.constant 125 : i32
    %barrier3A_44 = arith.constant 0 : index
    tpu.barrier barrier_id(%barrier3A_44)
    %mul3A_45 = arith.constant 320 : i32
    %mul3A_46 = arith.muli %arg1, %mul3A_45 : i32
    %mul3A_47 = arith.constant 5120 : i32
    %mul3A_48 = arith.muli %arg0, %mul3A_47 : i32
    %mul3A_49 = arith.constant 320 : i32
    %mul3A_50 = arith.muli %arg1, %mul3A_49 : i32
    %add3A_51 = arith.addi %mul3A_48, %mul3A_50 : i32
    "tpu.region"() ({
      %run_scoped3A = tpu.sem_alloc : memref<!tpu.dma_semaphore, #tpu.memory_space<semaphore_mem>>
      %dma_start3A_52 = arith.constant 0 : i32
      %dma_start3A_53 = tpu.memref_slice %arg5[%add3A_51, %dma_start3A_52] : memref<10240x128xf32, #tpu.memory_space<hbm>> -> memref<320x128xf32, #tpu.memory_space<hbm>>
      %dma_start3A_54 = arith.constant 0 : i32
      %dma_start3A_55 = tpu.memref_slice %arg6[%mul3A_46, %dma_start3A_54] : memref<5128x128xf32, #tpu.memory_space<vmem_shared>> -> memref<320x128xf32, #tpu.memory_space<vmem_shared>>
      tpu.enqueue_dma source(%dma_start3A_55 : memref<320x128xf32, #tpu.memory_space<vmem_shared>>) target(%dma_start3A_53 : memref<320x128xf32, #tpu.memory_space<hbm>>) target_semaphore(%run_scoped3A : memref<!tpu.dma_semaphore, #tpu.memory_space<semaphore_mem>>)
      %dma_wait3A = arith.constant 0 : i32
      %dma_wait3A_56 = tpu.memref_slice %arg5[%add3A_51, %dma_wait3A] : memref<10240x128xf32, #tpu.memory_space<hbm>> -> memref<320x128xf32, #tpu.memory_space<hbm>>
      %dma_wait3A_57 = arith.constant 0 : i32
      %dma_wait3A_58 = tpu.memref_slice %arg6[%mul3A_46, %dma_wait3A_57] : memref<5128x128xf32, #tpu.memory_space<vmem_shared>> -> memref<320x128xf32, #tpu.memory_space<vmem_shared>>
      tpu.wait_dma2 semaphore(%run_scoped3A : memref<!tpu.dma_semaphore, #tpu.memory_space<semaphore_mem>>) src(%dma_wait3A_58 : memref<320x128xf32, #tpu.memory_space<vmem_shared>>) dst(%dma_wait3A_56 : memref<320x128xf32, #tpu.memory_space<hbm>>)
      tpu.yield
    }) : () -> ()
    return
  }
}

module attributes {stable_mosaic.version = 14 : i64} {
  func.func @body(%arg0: i32, %arg1: memref<1024x16xf32, #tpu.memory_space<vmem>>, %arg2: memref<1024x1xf32, #tpu.memory_space<vmem>>) attributes {dimension_semantics = [#tpu.dimension_semantics<arbitrary>], iteration_bounds = array<i64: 10>, scalar_prefetch = 0 : i64, scratch_operands = 0 : i64, tpu.core_type = #tpu.core_type<tc>, window_params = [{transform_indices = @transform_0, window_bounds = array<i64: 1024, 16>}, {transform_indices = @transform_1, window_bounds = array<i64: 1024, 1>}]} {
    %get3A = arith.constant 0 : index
    %get3A_0 = arith.constant 0 : index
    %get3A_1 = vector.load %arg1[%get3A, %get3A_0] : memref<1024x16xf32, #tpu.memory_space<vmem>>, vector<1024x1xf32>
    %add3A = arith.constant 1.000000e+00 : f32
    %add3A_2 = vector.broadcast %add3A : f32 to vector<1024x1xf32>
    %add3A_3 = arith.addf %add3A_2, %get3A_1 : vector<1024x1xf32>
    %rsqrt3A = math.rsqrt %add3A_3 : vector<1024x1xf32>
    %swap3A = arith.constant 0 : index
    %swap3A_4 = arith.constant 0 : index
    %swap3A_5 = vector.load %arg2[%swap3A, %swap3A_4] : memref<1024x1xf32, #tpu.memory_space<vmem>>, vector<1024x1xf32>
    tpu.vector_store %arg2[%swap3A, %swap3A_4], %rsqrt3A {strides = array<i32>} : memref<1024x1xf32, #tpu.memory_space<vmem>>, vector<1024x1xf32>,
    return
  }
  func.func @transform_0(%arg0: i32) -> (i32, i32) {
    %c0_i32 = arith.constant 0 : i32
    %c0_i32_0 = arith.constant 0 : i32
    return %arg0, %c0_i32 : i32, i32
  }
  func.func @transform_1(%arg0: i32) -> (i32, i32) {
    %c0_i32 = arith.constant 0 : i32
    %c0_i32_0 = arith.constant 0 : i32
    return %arg0, %c0_i32 : i32, i32
  }
}

module attributes {stable_mosaic.version = 14 : i64} {
  func.func @body(%arg0: i32, %arg1: memref<1024x128xf32, #tpu.memory_space<vmem>>, %arg2: memref<128x128xf32, #tpu.memory_space<vmem>>, %arg3: memref<1x128xf32, #tpu.memory_space<vmem>>, %arg4: memref<1024x128xf32, #tpu.memory_space<vmem>>) attributes {dimension_semantics = [#tpu.dimension_semantics<arbitrary>], iteration_bounds = array<i64: 10>, scalar_prefetch = 0 : i64, scratch_operands = 0 : i64, tpu.core_type = #tpu.core_type<tc>, window_params = [{transform_indices = @transform_0, window_bounds = array<i64: 1024, 128>}, {pipeline_mode = #tpu.pipeline_mode<synchronous>, transform_indices = @transform_1, window_bounds = array<i64: 128, 128>}, {pipeline_mode = #tpu.pipeline_mode<synchronous>, transform_indices = @transform_2, window_bounds = array<i64: 1, 128>}, {transform_indices = @transform_3, window_bounds = array<i64: 1024, 128>}]} {
    %get3A = arith.constant 0 : index
    %get3A_0 = arith.constant 0 : index
    %get3A_1 = vector.load %arg1[%get3A, %get3A_0] : memref<1024x128xf32, #tpu.memory_space<vmem>>, vector<1024x128xf32>
    %get3A_2 = arith.constant 0 : index
    %get3A_3 = arith.constant 0 : index
    %get3A_4 = vector.load %arg2[%get3A_2, %get3A_3] : memref<128x128xf32, #tpu.memory_space<vmem>>, vector<128x128xf32>
    %dot_general3A = arith.constant dense<0.000000e+00> : vector<1024x128xf32>
    %dot_general3A_5 = tpu.matmul %get3A_1, %get3A_4, %dot_general3A {dimension_numbers = #tpu.dot_dimension_numbers<[1], [0], [0], [1], [0, 0, 1, 1], [], []>, transpose_lhs_hint = false} : vector<1024x128xf32>, vector<128x128xf32>, vector<1024x128xf32> -> vector<1024x128xf32>
    %get3A_6 = arith.constant 0 : index
    %get3A_7 = arith.constant 0 : index
    %get3A_8 = vector.load %arg3[%get3A_6, %get3A_7] : memref<1x128xf32, #tpu.memory_space<vmem>>, vector<1x128xf32>
    %add3A = vector.broadcast %get3A_8 : vector<1x128xf32> to vector<1024x128xf32>
    %add3A_9 = arith.addf %dot_general3A_5, %add3A : vector<1024x128xf32>
    %max3A = arith.constant 0.000000e+00 : f32
    %max3A_10 = vector.broadcast %max3A : f32 to vector<1024x128xf32>
    %max3A_11 = arith.maximumf %add3A_9, %max3A_10 : vector<1024x128xf32>
    %swap3A = arith.constant 0 : index
    %swap3A_12 = arith.constant 0 : index
    %swap3A_13 = vector.load %arg4[%swap3A, %swap3A_12] : memref<1024x128xf32, #tpu.memory_space<vmem>>, vector<1024x128xf32>
    tpu.vector_store %arg4[%swap3A, %swap3A_12], %max3A_11 {strides = array<i32>} : memref<1024x128xf32, #tpu.memory_space<vmem>>, vector<1024x128xf32>,
    return
  }
  func.func @transform_0(%arg0: i32) -> (i32, i32) {
    %c0_i32 = arith.constant 0 : i32
    %c0_i32_0 = arith.constant 0 : i32
    return %arg0, %c0_i32 : i32, i32
  }
  func.func @transform_1(%arg0: i32) -> (i32, i32) {
    %c0_i32 = arith.constant 0 : i32
    %c0_i32_0 = arith.constant 0 : i32
    %c0_i32_1 = arith.constant 0 : i32
    return %c0_i32, %c0_i32_0 : i32, i32
  }
  func.func @transform_2(%arg0: i32) -> (i32, i32) {
    %c0_i32 = arith.constant 0 : i32
    %c0_i32_0 = arith.constant 0 : i32
    %c0_i32_1 = arith.constant 0 : i32
    return %c0_i32, %c0_i32_0 : i32, i32
  }
  func.func @transform_3(%arg0: i32) -> (i32, i32) {
    %c0_i32 = arith.constant 0 : i32
    %c0_i32_0 = arith.constant 0 : i32
    return %arg0, %c0_i32 : i32, i32
  }
}

module attributes {stable_mosaic.version = 14 : i64} {
  func.func @body(%arg0: i32, %arg1: memref<1024x128xf32, #tpu.memory_space<vmem>>, %arg2: memref<1024x128xf32, #tpu.memory_space<vmem>>, %arg3: memref<1024x1xf32, #tpu.memory_space<vmem>>, %arg4: memref<1x128xf32, #tpu.memory_space<vmem>>, %arg5: memref<1024x128xf32, #tpu.memory_space<vmem>>) attributes {dimension_semantics = [#tpu.dimension_semantics<arbitrary>], iteration_bounds = array<i64: 10>, scalar_prefetch = 0 : i64, scratch_operands = 0 : i64, tpu.core_type = #tpu.core_type<tc>, window_params = [{transform_indices = @transform_0, window_bounds = array<i64: 1024, 128>}, {transform_indices = @transform_1, window_bounds = array<i64: 1024, 128>}, {transform_indices = @transform_2, window_bounds = array<i64: 1024, 1>}, {pipeline_mode = #tpu.pipeline_mode<synchronous>, transform_indices = @transform_3, window_bounds = array<i64: 1, 128>}, {transform_indices = @transform_4, window_bounds = array<i64: 1024, 128>}]} {
    %get3A = arith.constant 0 : index
    %get3A_0 = arith.constant 0 : index
    %get3A_1 = vector.load %arg3[%get3A, %get3A_0] : memref<1024x1xf32, #tpu.memory_space<vmem>>, vector<1024x1xf32>
    %get3A_2 = arith.constant 0 : index
    %get3A_3 = arith.constant 0 : index
    %get3A_4 = vector.load %arg1[%get3A_2, %get3A_3] : memref<1024x128xf32, #tpu.memory_space<vmem>>, vector<1024x128xf32>
    %get3A_5 = arith.constant 0 : index
    %get3A_6 = arith.constant 0 : index
    %get3A_7 = vector.load %arg2[%get3A_5, %get3A_6] : memref<1024x128xf32, #tpu.memory_space<vmem>>, vector<1024x128xf32>
    %add3A = arith.addf %get3A_4, %get3A_7 : vector<1024x128xf32>
    %mul3A = vector.broadcast %get3A_1 : vector<1024x1xf32> to vector<1024x128xf32>
    %mul3A_8 = arith.mulf %mul3A, %add3A : vector<1024x128xf32>
    %get3A_9 = arith.constant 0 : index
    %get3A_10 = arith.constant 0 : index
    %get3A_11 = vector.load %arg4[%get3A_9, %get3A_10] : memref<1x128xf32, #tpu.memory_space<vmem>>, vector<1x128xf32>
    %add3A_12 = vector.broadcast %get3A_11 : vector<1x128xf32> to vector<1024x128xf32>
    %add3A_13 = arith.addf %mul3A_8, %add3A_12 : vector<1024x128xf32>
    %max3A = arith.constant 0.000000e+00 : f32
    %max3A_14 = vector.broadcast %max3A : f32 to vector<1024x128xf32>
    %max3A_15 = arith.maximumf %add3A_13, %max3A_14 : vector<1024x128xf32>
    %swap3A = arith.constant 0 : index
    %swap3A_16 = arith.constant 0 : index
    %swap3A_17 = vector.load %arg5[%swap3A, %swap3A_16] : memref<1024x128xf32, #tpu.memory_space<vmem>>, vector<1024x128xf32>
    tpu.vector_store %arg5[%swap3A, %swap3A_16], %max3A_15 {strides = array<i32>} : memref<1024x128xf32, #tpu.memory_space<vmem>>, vector<1024x128xf32>,
    return
  }
  func.func @transform_0(%arg0: i32) -> (i32, i32) {
    %c0_i32 = arith.constant 0 : i32
    %c0_i32_0 = arith.constant 0 : i32
    return %arg0, %c0_i32 : i32, i32
  }
  func.func @transform_1(%arg0: i32) -> (i32, i32) {
    %c0_i32 = arith.constant 0 : i32
    %c0_i32_0 = arith.constant 0 : i32
    return %arg0, %c0_i32 : i32, i32
  }
  func.func @transform_2(%arg0: i32) -> (i32, i32) {
    %c0_i32 = arith.constant 0 : i32
    %c0_i32_0 = arith.constant 0 : i32
    return %arg0, %c0_i32 : i32, i32
  }
  func.func @transform_3(%arg0: i32) -> (i32, i32) {
    %c0_i32 = arith.constant 0 : i32
    %c0_i32_0 = arith.constant 0 : i32
    %c0_i32_1 = arith.constant 0 : i32
    return %c0_i32, %c0_i32_0 : i32, i32
  }
  func.func @transform_4(%arg0: i32) -> (i32, i32) {
    %c0_i32 = arith.constant 0 : i32
    %c0_i32_0 = arith.constant 0 : i32
    return %arg0, %c0_i32 : i32, i32
  }
}

module attributes {stable_mosaic.version = 14 : i64} {
  func.func @body(%arg0: i32, %arg1: memref<1024x128xf32, #tpu.memory_space<vmem>>, %arg2: memref<128x128xf32, #tpu.memory_space<vmem>>, %arg3: memref<1024x1xf32, #tpu.memory_space<vmem>>, %arg4: memref<1024x128xf32, #tpu.memory_space<vmem>>) attributes {dimension_semantics = [#tpu.dimension_semantics<arbitrary>], iteration_bounds = array<i64: 10>, scalar_prefetch = 0 : i64, scratch_operands = 0 : i64, tpu.core_type = #tpu.core_type<tc>, window_params = [{transform_indices = @transform_0, window_bounds = array<i64: 1024, 128>}, {pipeline_mode = #tpu.pipeline_mode<synchronous>, transform_indices = @transform_1, window_bounds = array<i64: 128, 128>}, {transform_indices = @transform_2, window_bounds = array<i64: 1024, 1>}, {transform_indices = @transform_3, window_bounds = array<i64: 1024, 128>}]} {
    %get3A = arith.constant 0 : index
    %get3A_0 = arith.constant 0 : index
    %get3A_1 = vector.load %arg1[%get3A, %get3A_0] : memref<1024x128xf32, #tpu.memory_space<vmem>>, vector<1024x128xf32>
    %get3A_2 = arith.constant 0 : index
    %get3A_3 = arith.constant 0 : index
    %get3A_4 = vector.load %arg2[%get3A_2, %get3A_3] : memref<128x128xf32, #tpu.memory_space<vmem>>, vector<128x128xf32>
    %dot_general3A = arith.constant dense<0.000000e+00> : vector<1024x128xf32>
    %dot_general3A_5 = tpu.matmul %get3A_1, %get3A_4, %dot_general3A {dimension_numbers = #tpu.dot_dimension_numbers<[1], [0], [0], [1], [0, 0, 1, 1], [], []>, transpose_lhs_hint = false} : vector<1024x128xf32>, vector<128x128xf32>, vector<1024x128xf32> -> vector<1024x128xf32>
    %get3A_6 = arith.constant 0 : index
    %get3A_7 = arith.constant 0 : index
    %get3A_8 = vector.load %arg3[%get3A_6, %get3A_7] : memref<1024x1xf32, #tpu.memory_space<vmem>>, vector<1024x1xf32>
    %mul3A = vector.broadcast %get3A_8 : vector<1024x1xf32> to vector<1024x128xf32>
    %mul3A_9 = arith.mulf %dot_general3A_5, %mul3A : vector<1024x128xf32>
    %swap3A = arith.constant 0 : index
    %swap3A_10 = arith.constant 0 : index
    %swap3A_11 = vector.load %arg4[%swap3A, %swap3A_10] : memref<1024x128xf32, #tpu.memory_space<vmem>>, vector<1024x128xf32>
    tpu.vector_store %arg4[%swap3A, %swap3A_10], %mul3A_9 {strides = array<i32>} : memref<1024x128xf32, #tpu.memory_space<vmem>>, vector<1024x128xf32>,
    return
  }
  func.func @transform_0(%arg0: i32) -> (i32, i32) {
    %c0_i32 = arith.constant 0 : i32
    %c0_i32_0 = arith.constant 0 : i32
    return %arg0, %c0_i32 : i32, i32
  }
  func.func @transform_1(%arg0: i32) -> (i32, i32) {
    %c0_i32 = arith.constant 0 : i32
    %c0_i32_0 = arith.constant 0 : i32
    %c0_i32_1 = arith.constant 0 : i32
    return %c0_i32, %c0_i32_0 : i32, i32
  }
  func.func @transform_2(%arg0: i32) -> (i32, i32) {
    %c0_i32 = arith.constant 0 : i32
    %c0_i32_0 = arith.constant 0 : i32
    return %arg0, %c0_i32 : i32, i32
  }
  func.func @transform_3(%arg0: i32) -> (i32, i32) {
    %c0_i32 = arith.constant 0 : i32
    %c0_i32_0 = arith.constant 0 : i32
    return %arg0, %c0_i32 : i32, i32
  }
}

module attributes {stable_mosaic.version = 14 : i64} {
  func.func @body(%arg0: i32, %arg1: memref<1024x128xf32, #tpu.memory_space<vmem>>, %arg2: memref<128x128xf32, #tpu.memory_space<vmem>>, %arg3: memref<1024x128xf32, #tpu.memory_space<vmem>>) attributes {dimension_semantics = [#tpu.dimension_semantics<arbitrary>], iteration_bounds = array<i64: 10>, scalar_prefetch = 0 : i64, scratch_operands = 0 : i64, tpu.core_type = #tpu.core_type<tc>, window_params = [{transform_indices = @transform_0, window_bounds = array<i64: 1024, 128>}, {pipeline_mode = #tpu.pipeline_mode<synchronous>, transform_indices = @transform_1, window_bounds = array<i64: 128, 128>}, {transform_indices = @transform_2, window_bounds = array<i64: 1024, 128>}]} {
    %get3A = arith.constant 0 : index
    %get3A_0 = arith.constant 0 : index
    %get3A_1 = vector.load %arg1[%get3A, %get3A_0] : memref<1024x128xf32, #tpu.memory_space<vmem>>, vector<1024x128xf32>
    %get3A_2 = arith.constant 0 : index
    %get3A_3 = arith.constant 0 : index
    %get3A_4 = vector.load %arg2[%get3A_2, %get3A_3] : memref<128x128xf32, #tpu.memory_space<vmem>>, vector<128x128xf32>
    %dot_general3A = arith.constant dense<0.000000e+00> : vector<1024x128xf32>
    %dot_general3A_5 = tpu.matmul %get3A_1, %get3A_4, %dot_general3A {dimension_numbers = #tpu.dot_dimension_numbers<[1], [0], [0], [1], [0, 0, 1, 1], [], []>, transpose_lhs_hint = false} : vector<1024x128xf32>, vector<128x128xf32>, vector<1024x128xf32> -> vector<1024x128xf32>
    %swap3A = arith.constant 0 : index
    %swap3A_6 = arith.constant 0 : index
    %swap3A_7 = vector.load %arg3[%swap3A, %swap3A_6] : memref<1024x128xf32, #tpu.memory_space<vmem>>, vector<1024x128xf32>
    tpu.vector_store %arg3[%swap3A, %swap3A_6], %dot_general3A_5 {strides = array<i32>} : memref<1024x128xf32, #tpu.memory_space<vmem>>, vector<1024x128xf32>,
    return
  }
  func.func @transform_0(%arg0: i32) -> (i32, i32) {
    %c0_i32 = arith.constant 0 : i32
    %c0_i32_0 = arith.constant 0 : i32
    return %arg0, %c0_i32 : i32, i32
  }
  func.func @transform_1(%arg0: i32) -> (i32, i32) {
    %c0_i32 = arith.constant 0 : i32
    %c0_i32_0 = arith.constant 0 : i32
    %c0_i32_1 = arith.constant 0 : i32
    return %c0_i32, %c0_i32_0 : i32, i32
  }
  func.func @transform_2(%arg0: i32) -> (i32, i32) {
    %c0_i32 = arith.constant 0 : i32
    %c0_i32_0 = arith.constant 0 : i32
    return %arg0, %c0_i32 : i32, i32
  }
}

module attributes {stable_mosaic.version = 14 : i64} {
  func.func @body(%arg0: i32, %arg1: memref<1024x128xf32, #tpu.memory_space<vmem>>, %arg2: memref<128x128xf32, #tpu.memory_space<vmem>>, %arg3: memref<1x128xf32, #tpu.memory_space<vmem>>, %arg4: memref<1024x128xf32, #tpu.memory_space<vmem>>) attributes {dimension_semantics = [#tpu.dimension_semantics<arbitrary>], iteration_bounds = array<i64: 10>, scalar_prefetch = 0 : i64, scratch_operands = 0 : i64, tpu.core_type = #tpu.core_type<tc>, window_params = [{transform_indices = @transform_0, window_bounds = array<i64: 1024, 128>}, {pipeline_mode = #tpu.pipeline_mode<synchronous>, transform_indices = @transform_1, window_bounds = array<i64: 128, 128>}, {pipeline_mode = #tpu.pipeline_mode<synchronous>, transform_indices = @transform_2, window_bounds = array<i64: 1, 128>}, {transform_indices = @transform_3, window_bounds = array<i64: 1024, 128>}]} {
    %get3A = arith.constant 0 : index
    %get3A_0 = arith.constant 0 : index
    %get3A_1 = vector.load %arg1[%get3A, %get3A_0] : memref<1024x128xf32, #tpu.memory_space<vmem>>, vector<1024x128xf32>
    %get3A_2 = arith.constant 0 : index
    %get3A_3 = arith.constant 0 : index
    %get3A_4 = vector.load %arg2[%get3A_2, %get3A_3] : memref<128x128xf32, #tpu.memory_space<vmem>>, vector<128x128xf32>
    %dot_general3A = arith.constant dense<0.000000e+00> : vector<1024x128xf32>
    %dot_general3A_5 = tpu.matmul %get3A_1, %get3A_4, %dot_general3A {dimension_numbers = #tpu.dot_dimension_numbers<[1], [0], [0], [1], [0, 0, 1, 1], [], []>, transpose_lhs_hint = false} : vector<1024x128xf32>, vector<128x128xf32>, vector<1024x128xf32> -> vector<1024x128xf32>
    %get3A_6 = arith.constant 0 : index
    %get3A_7 = arith.constant 0 : index
    %get3A_8 = vector.load %arg3[%get3A_6, %get3A_7] : memref<1x128xf32, #tpu.memory_space<vmem>>, vector<1x128xf32>
    %add3A = vector.broadcast %get3A_8 : vector<1x128xf32> to vector<1024x128xf32>
    %add3A_9 = arith.addf %dot_general3A_5, %add3A : vector<1024x128xf32>
    %swap3A = arith.constant 0 : index
    %swap3A_10 = arith.constant 0 : index
    %swap3A_11 = vector.load %arg4[%swap3A, %swap3A_10] : memref<1024x128xf32, #tpu.memory_space<vmem>>, vector<1024x128xf32>
    tpu.vector_store %arg4[%swap3A, %swap3A_10], %add3A_9 {strides = array<i32>} : memref<1024x128xf32, #tpu.memory_space<vmem>>, vector<1024x128xf32>,
    return
  }
  func.func @transform_0(%arg0: i32) -> (i32, i32) {
    %c0_i32 = arith.constant 0 : i32
    %c0_i32_0 = arith.constant 0 : i32
    return %arg0, %c0_i32 : i32, i32
  }
  func.func @transform_1(%arg0: i32) -> (i32, i32) {
    %c0_i32 = arith.constant 0 : i32
    %c0_i32_0 = arith.constant 0 : i32
    %c0_i32_1 = arith.constant 0 : i32
    return %c0_i32, %c0_i32_0 : i32, i32
  }
  func.func @transform_2(%arg0: i32) -> (i32, i32) {
    %c0_i32 = arith.constant 0 : i32
    %c0_i32_0 = arith.constant 0 : i32
    %c0_i32_1 = arith.constant 0 : i32
    return %c0_i32, %c0_i32_0 : i32, i32
  }
  func.func @transform_3(%arg0: i32) -> (i32, i32) {
    %c0_i32 = arith.constant 0 : i32
    %c0_i32_0 = arith.constant 0 : i32
    return %arg0, %c0_i32 : i32, i32
  }
}

module attributes {stable_mosaic.version = 14 : i64} {
  func.func @body(%arg0: i32, %arg1: memref<4000x16xf32, #tpu.memory_space<vmem>>, %arg2: memref<1x1xf32, #tpu.memory_space<vmem>>, %arg3: memref<4000x1xf32, #tpu.memory_space<vmem>>) attributes {dimension_semantics = [#tpu.dimension_semantics<arbitrary>], iteration_bounds = array<i64: 80>, scalar_prefetch = 0 : i64, scratch_operands = 0 : i64, tpu.core_type = #tpu.core_type<tc>, window_params = [{transform_indices = @transform_0, window_bounds = array<i64: 4000, 16>}, {pipeline_mode = #tpu.pipeline_mode<synchronous>, transform_indices = @transform_1, window_bounds = array<i64: 1, 1>}, {transform_indices = @transform_2, window_bounds = array<i64: 4000, 1>}]} {
    %get3A = arith.constant 0 : index
    %get3A_0 = arith.constant 0 : index
    %get3A_1 = vector.load %arg1[%get3A, %get3A_0] : memref<4000x16xf32, #tpu.memory_space<vmem>>, vector<4000x16xf32>
    %reduce_sum3A = arith.constant dense<0.000000e+00> : vector<4000xf32>
    %reduce_sum3A_2 = vector.multi_reduction <add>, %get3A_1, %reduce_sum3A [1] : vector<4000x16xf32> to vector<4000xf32>
    %broadcast_in_dim3A = vector.shape_cast %reduce_sum3A_2 : vector<4000xf32> to vector<4000x1xf32>
    %get3A_3 = arith.constant 0 : index
    %get3A_4 = arith.constant 0 : index
    %get3A_5 = vector.load %arg2[%get3A_3, %get3A_4] : memref<1x1xf32, #tpu.memory_space<vmem>>, vector<1x1xf32>
    %add3A = vector.broadcast %get3A_5 : vector<1x1xf32> to vector<4000x1xf32>
    %add3A_6 = arith.addf %broadcast_in_dim3A, %add3A : vector<4000x1xf32>
    %swap3A = arith.constant 0 : index
    %swap3A_7 = arith.constant 0 : index
    %swap3A_8 = vector.load %arg3[%swap3A, %swap3A_7] : memref<4000x1xf32, #tpu.memory_space<vmem>>, vector<4000x1xf32>
    tpu.vector_store %arg3[%swap3A, %swap3A_7], %add3A_6 {strides = array<i32>} : memref<4000x1xf32, #tpu.memory_space<vmem>>, vector<4000x1xf32>,
    return
  }
  func.func @transform_0(%arg0: i32) -> (i32, i32) {
    %c0_i32 = arith.constant 0 : i32
    %c0_i32_0 = arith.constant 0 : i32
    return %arg0, %c0_i32 : i32, i32
  }
  func.func @transform_1(%arg0: i32) -> (i32, i32) {
    %c0_i32 = arith.constant 0 : i32
    %c0_i32_0 = arith.constant 0 : i32
    %c0_i32_1 = arith.constant 0 : i32
    return %c0_i32, %c0_i32_0 : i32, i32
  }
  func.func @transform_2(%arg0: i32) -> (i32, i32) {
    %c0_i32 = arith.constant 0 : i32
    %c0_i32_0 = arith.constant 0 : i32
    return %arg0, %c0_i32 : i32, i32
  }
}

</mosaic_0001>

<sc_bundles>
// kernel: kernel.15.cloned.1.call-start
scs
__scs_entry_jumppad:
0x0: {  	(pc) =	sbr.rel $0x88, $3  }
0x1: {  	(tag) =	ssettag $0x0;
	lr =	simm.s32 $0x1  }
0x2: {  	[smem:$0x3F95] =	sst lr;
	_ =	strace $0xD0000000  }
0x3: {  	_ = 	snop  }
0x4: {  	_ = 	snop  }
0x5: {  	_ = 	snop  }
0x6: {  	_ = 	snop  }
0x7: {  	_ = 	snop  }
__scs_overlays_trampoline_lowered:
0x8: {  	[smem:$0x3FA4] =	sst s0  }
0x9: {  	[smem:$0x3FA5] =	sst s1  }
0xa: {  	[smem:$0x3FA6] =	sst s2  }
0xb: {  	[smem:$0x3FA7] =	sst s3  }
0xc: {  	[smem:$0x3FA8] =	sst s4  }
0xd: {  	[smem:$0x3FA9] =	sst s5  }
0xe: {  	[smem:$0x3FAA] =	sst s6  }
0xf: {  	[smem:$0x3FAB] =	sst s7  }
0x10: {  	[smem:$0x3FAC] =	sst s8  }
0x11: {  	[smem:$0x3FAD] =	sst s9;
	s0 =	simm.s32 @!p0 $0x0  }
0x12: {  	s1 =	sld [smem:$0x3F93];
	s0 =	simm.s32 @p0 $0x1  }
0x13: {  	[smem:$0x3FAE] =	sst s0;
	s0 =	simm.s32 @!p1 $0x0  }
0x14: {  	s2 =	sld [smem:$0x3F92];
	s0 =	simm.s32 @p1 $0x1  }
0x15: {  	[smem:$0x3FAF] =	sst s0;
	s0 =	simm.s32 @!p2 $0x0  }
0x16: {  	s3 =	sld [smem:$0x3FDB];
	s0 =	simm.s32 @p2 $0x1  }
0x17: {  	s4 =	simm.s32 $0x1BF5;
	[smem:$0x3FB1] =	sst s0  }
0x18: {  	s0 =	sld [smem:$0x3F94];
	_ =	swait.ge [sflag:s4], $0x0  }
0x19: {  	s7 =	sld [smem:$0x3F95]  }
0x1a: {  	s8 =	sadd.s32 $0xFFFFE003, lr  }
0x1b: {  	s9 =	sadd.s32 $0xFFFFFEF7, lr;
	s5 =	simm.s32 $0xFFFFFFFF;
	p2 =	slt.u32 s8, $0xFFFFF086  }
0x1c: {  	p1 =	slt.u32 s9, $0xF7A;
	s5 =	simm.s32 @!p2 $0x0  }
0x1d: {  	s5 =	simm.s32 @p1 $0x1;
	p0 =	seq.s32 s7, s2  }
0x1e: {  	s7 =	smul.u32 @!p0 $0xF7A, s2;
	p2 =	seq.s32 @!p0 s5, $0x0  }
0x1f: {  	s9 =	smul.u32 $0xF7A, s1;
	s8 =	simm.s32 @!p0 $0x1BF5;
	p2 =	por !p2, p0  }
0x20: {  	[sflag:s8] =	ssyncset.s32 @!p0 $0xFFFFF086;
	s6 =	sadd.s32 @!p0 s3, s7;
	s7 =	simm.s32 @!p0 $0x108  }
0x21: {  	s3 =	sadd.s32 s3, s9;
	s6 =	sadd.s32 @!p0 $0x88, s6;
	s7 =	simm.s32 @p2 $0x1082  }
0x22: {  	[simem:s7], [sflag:s8] =	dma.local @!p0 [hbm:s6], $0xF7A  }
0x23: {  	s9 =	sor.u32 $0xD0000000, s2;
	s6 =	simm.s32 $0x108;
	_ =	swait.ge @!p0 [sflag:s8], $0x0  }
0x24: {  	s3 =	sadd.s32 $0x88, s3;
	s6 =	simm.s32 @!p1 $0x1082;
	[sflag:s4] =	ssyncset.s32 $0xFFFFF086  }
0x25: {  	[simem:s6], [sflag:s4] =	dma.local [hbm:s3], $0xF7A  }
0x26: {  	[smem:$0x3F95] =	sst s1;
	(tag) =	ssettag s2;
	_ =	strace s9  }
0x27: {  	s1 =	sld [smem:$0x3FA5]  }
0x28: {  	s2 =	sld [smem:$0x3FA6]  }
0x29: {  	s4 =	sld [smem:$0x3FA8]  }
0x2a: {  	p0 =	seq.s32 s5, $0x0;
	s5 =	sld [smem:$0x3FA9]  }
0x2b: {  	s6 =	sld [smem:$0x3FAA]  }
0x2c: {  	s7 =	sld [smem:$0x3FAB]  }
0x2d: {  	s3 =	simm.s32 $0x108;
	s8 =	sld [smem:$0x3FAC]  }
0x2e: {  	s3 =	simm.s32 @!p0 $0x1082;
	s9 =	sld [smem:$0x3FAD]  }
0x2f: {  	lr =	sadd.s32 s0, s3;
	s0 =	sld [smem:$0x3FA4]  }
0x30: {  	s3 =	sld [smem:$0x3FA7]  }
0x31: {  	[smem:$0x3FB0] =	sst s10  }
0x32: {  	s10 =	sld [smem:$0x3FAE];
	_ =	sdelay $0x3  }
0x33: {  	p0 =	seq.s32 s10, $0x1;
	s10 =	sld [smem:$0x3FB0];
	_ =	sdelay $0x3  }
0x34: {  	[smem:$0x3FB0] =	sst s10  }
0x35: {  	s10 =	sld [smem:$0x3FAF];
	_ =	sdelay $0x3  }
0x36: {  	p1 =	seq.s32 s10, $0x1;
	s10 =	sld [smem:$0x3FB0];
	_ =	sdelay $0x3  }
0x37: {  	[smem:$0x3FB0] =	sst s10  }
0x38: {  	s10 =	sld [smem:$0x3FB1]  }
0x39: {  	_ = 	snop;
	(pc) =	sbr.ind lr, $3  }
0x3a: {  	_ = 	snop  }
0x3b: {  	_ = 	snop  }
0x3c: {  	p2 =	seq.s32 s10, $0x1;
	s10 =	sld [smem:$0x3FB0]  }
0x3d: {  	_ =	shalt  }
0x3e: {  	_ =	shalt  }
0x3f: {  	_ =	shalt  }
0x40: {  	_ =	shalt  }
0x41: {  	_ =	shalt  }
0x42: {  	_ =	shalt  }
0x43: {  	_ =	shalt  }
0x44: {  	_ =	shalt  }
0x45: {  	_ =	shalt  }
0x46: {  	_ =	shalt  }
0x47: {  	_ =	shalt  }
0x48: {  	_ =	shalt  }
0x49: {  	_ =	shalt  }
0x4a: {  	_ =	shalt  }
0x4b: {  	_ =	shalt  }
0x4c: {  	_ =	shalt  }
0x4d: {  	_ =	shalt  }
0x4e: {  	_ =	shalt  }
0x4f: {  	_ =	shalt  }
0x50: {  	_ =	shalt  }
0x51: {  	_ =	shalt  }
0x52: {  	_ =	shalt  }
0x53: {  	_ =	shalt  }
0x54: {  	_ =	shalt  }
0x55: {  	_ =	shalt  }
0x56: {  	_ =	shalt  }
0x57: {  	_ =	shalt  }
0x58: {  	_ =	shalt  }
0x59: {  	_ =	shalt  }
0x5a: {  	_ =	shalt  }
0x5b: {  	_ =	shalt  }
0x5c: {  	_ =	shalt  }
0x5d: {  	_ =	shalt  }
0x5e: {  	_ =	shalt  }
0x5f: {  	_ =	shalt  }
0x60: {  	_ =	shalt  }
0x61: {  	_ =	shalt  }
0x62: {  	_ =	shalt  }
0x63: {  	_ =	shalt  }
0x64: {  	_ =	shalt  }
0x65: {  	_ =	shalt  }
0x66: {  	_ =	shalt  }
0x67: {  	_ =	shalt  }
0x68: {  	_ =	shalt  }
0x69: {  	_ =	shalt  }
0x6a: {  	_ =	shalt  }
0x6b: {  	_ =	shalt  }
0x6c: {  	_ =	shalt  }
0x6d: {  	_ =	shalt  }
0x6e: {  	_ =	shalt  }
0x6f: {  	_ =	shalt  }
0x70: {  	_ =	shalt  }
0x71: {  	_ =	shalt  }
0x72: {  	_ =	shalt  }
0x73: {  	_ =	shalt  }
0x74: {  	_ =	shalt  }
0x75: {  	_ =	shalt  }
0x76: {  	_ =	shalt  }
0x77: {  	_ =	shalt  }
0x78: {  	_ =	shalt  }
0x79: {  	_ =	shalt  }
0x7a: {  	_ =	shalt  }
0x7b: {  	_ =	shalt  }
0x7c: {  	_ =	shalt  }
0x7d: {  	_ =	shalt  }
0x7e: {  	_ =	shalt  }
0x7f: {  	_ =	shalt  }
0x80: {  	_ =	shalt  }
0x81: {  	_ =	shalt  }
0x82: {  	_ =	shalt  }
0x83: {  	_ =	shalt  }
0x84: {  	_ =	shalt  }
0x85: {  	_ =	shalt  }
0x86: {  	_ =	shalt  }
0x87: {  	_ =	shalt  }
.Lfunc_end0:
.L_simem_size_0:
called_computation_lowered:
.L_overlay_start_0:
0x88: {  	s2 =	sld [smem:$0x3FD9]  }
0x89: {  	s3 =	sld [smem:$0x3FFE];
	_ =	sdelay $0x1  }
0x8a: {  	s1 =	srdreg.scid  }
0x8b: {  	s0 =	sand.u32 $0x1, s1  }
0x8c: {  	s16 =	sshll.u32 s0, $0xA;
	s2 =	sadd.s32 s3, s2  }
0x8d: {  	s2 =	sadd.s32 s2, s16  }
0x8e: {  	[smem:$0x3FBC] =	sst s2  }
0x8f: {  	_ = 	snop  }
0x90: {  	(tm) =	ssettm $0x1  }
0x91: {  	s17 =	sld [smem:$0x3FFB];
	_ =	sdelay $0x3  }
0x92: {  	_ =	strace s17  }
0x93: {  	s2 =	sld [smem:$0x3FFC];
	_ =	sdelay $0x3  }
0x94: {  	_ =	strace s2  }
0x95: {  	s2 =	sld [smem:$0x3FFD];
	_ =	sdelay $0x3  }
0x96: {  	_ =	strace s2  }
0x97: {  	_ =	strace $0x8FFFFFFF  }
0x98: {  	s18 =	sld [smem:$0x3FDB];
	_ =	sdelay $0x1  }
0x99: {  	s19 =	simm.s32 $_scs_section_size  }
0x9a: {  	s4 =	simm.s32 $_size__tile_overlayer_lowered;
	s5 =	simm.s32 $_tile_overlayer_lowered  }
0x9b: {  	s22 =	simm.s32 $0x1BFF;
	s21 =	sshll.u32 s5, $0x1;
	s2 =	sadd.s32 s19, s18  }
0x9c: {  	s6 =	simm.s32 $0x0;
	s20 =	sshll.u32 s4, $0x1;
	s4 =	sadd.s32 s21, s2  }
0x9d: {  	[timem:s6], [sflag:s22] =	dma.local [hbm:s4], s20  }
0x9e: {  	_ =	swait.ge [sflag:s22], s20  }
0x9f: {  	s3 =	ssub.s32 $0x0, s20;
	[sflag:s22] =	ssyncset.done $0x0  }
0xa0: {  	[sflag:s22] =	ssyncadd.s32 s3;
	_ =	sdelay $0x1  }
0xa1: {  	s23 =	simm.s32 $0x1B8B  }
0xa2: {  	_ =	swait.ge [sflag:s23], $0x1  }
0xa3: {  	[sflag:s23] =	ssyncset.done $0x0  }
0xa4: {  	s25 =	simm.s32 $0x1B8E;
	s24 =	sld [smem:$0x3FFE];
	[sflag:s23] =	ssyncadd.s32 $0xFFFFFFFF  }
0xa5: {  	s26 =	simm.s32 $execute0_lowered;
	[smem:$0x3FD2] =	sst s25  }
0xa6: {  	s4 =	sshll.u32 s26, $0x1;
	_ =	strace $0x80000046;
	[dreg:$0x1] =	wrdreg $0xFFFFFFFF  }
0xa7: {  	s28 =	simm.s32 $_size_execute0_lowered;
	s2 =	sadd.s32 s2, s4;
	[dreg:$0x0] =	wrdreg $0x0  }
0xa8: {  	s4 =	sshll.u32 s28, $0x1;
	[dreg:$0x2] =	wrdreg s2  }
0xa9: {  	[dreg:$0x3] =	wrdreg s4  }
0xaa: {  	[dreg:$0x4] =	wrdreg $0xC0  }
0xab: {  	_ =	task [dreg:s6], $0x5FFFF  }
0xac: {  	[dreg:$0x1] =	wrdreg $0xFFFFFFFF  }
0xad: {  	[dreg:$0x0] =	wrdreg $0x60  }
0xae: {  	[dreg:$0x2] =	wrdreg s24  }
0xaf: {  	[dreg:$0x3] =	wrdreg $0x0  }
0xb0: {  	[dreg:$0x4] =	wrdreg $0x9  }
0xb1: {  	_ =	task.clear_ibuf [dreg:s6], $0x5FFFF;
	_ =	strace $0x90000046  }
0xb2: {  	s29 =	simm.s32 $0x9;
	_ =	strace $0x80000048  }
0xb3: {  	_ =	swait.ge [sflag:s29], $0x1  }
0xb4: {  	[sflag:s29] =	ssyncadd.s32 $0xFFFFFFFF  }
0xb5: {  	_ =	strace $0x90000048  }
0xb6: {  	_ =	sfence  }
0xb7: {  	s30 =	sld [smem:$0x0];
	_ =	sdelay $0x2  }
0xb8: {  	s31 =	sshll.u32 s1, $0xD;
	s1 =	sshrl.u32 s1, $0x2  }
0xb9: {  	s3 =	sand.u32 $0x4000, s31;
	s1 =	sadd.s32 s1, s30  }
0xba: {  	s0 =	sor.u32 s3, s0;
	s1 =	sshll.u32 s1, $0x11  }
0xbb: {  	s0 =	sor.u32 s1, s0  }
0xbc: {  	s0 =	sadd.s32 $0x8F2B, s0  }
0xbd: {  	[sflag:s0] =	ssyncadd.remote.s32 $0x1  }
0xbe: {  	_ =	sfence.sel $0xFFFF  }
0xbf: {  	[dreg:$0x0] =	wrdreg $0xFFFFFFFF;
	(pc) =	sbr.abs _section_cstart, $3  }
0xc0: {  	[dreg:$0x1] =	wrdreg $0xFFFFFFFF  }
0xc1: {  	_ =	task.clear_ibuf [dreg:s6], $0x2FFFF;
	_ =	strace $0x9FFFFFFF  }
0xc2: {  	(tm) =	ssettm $0x7FFFFFFF  }
0xc3: {  	_ =	shalt  }
tec
execute0_lowered:
.L_overlay_start_1:
0x0: {  	(tag) =	ssettag $0x1  }
0x1: {  	s4 =	rddreg [dreg:$0x0]  }
0x2: {  	s0 =	stileid.u32;
	s1 =	srdreg.scid  }
0x3: {  	s2 =	rddreg [dreg:$0x1];
	s3 =	simm.s32 $0x0;
	s5 =	smul.u32 $0x9C4, s0  }
0x4: {  	s6 =	sand.u32 $0x1, s1;
	s7 =	smul.u32 $0x140, s0;
	s1 =	rddreg [dreg:$0x2]  }
0x5: {  	s11 =	simm.s32 $0x1408;
	[smem:$0x7FF] =	sst s3;
	s8 =	smul.u32 $0x28000, s0  }
0x6: {  	s13 =	sshll.u32 s0, $0x6;
	s12 =	smul.u32 $0x1400, s6;
	_ =	strace $0x80000047  }
0x7: {  	s6 =	ssub.s32 $0x2, s6;
	s13 =	sor.u32 $0x1C01, s13;
	s9 =	sadd.s32 s5, s4  }
0x8: {  	s29 =	sshrl.u32 s8, $0x2;
	s31 =	sshrl.u32 s6, $0x1;
	s28 =	sadd.s32 s7, s12  }
0x9: {  	s10 =	ssub.s32 s6, s31;
	s6 =	sadd.s32 $0x2E00, s9;
	s9 =	simm.s32 $0x6288  }
0xa: {  	v0 =	vmov s12;
	s12 =	simm.s32 $0xC8;
	s5 =	sshll.u32 s28, $0x4;
	s8 =	smax.u32 s10, $0x1  }
0xb: {  	s10 =	simm.s32 $0x1;
	s30 =	sadd.s32 s5, s4;
	s4 =	sadd.s32 s29, s2  }
0xc: {  	v1 =	vimm.f32 $0.0e+00;
	v2 =	vimm.f32 $1.000000000e+00;
	s5 =	sadd.s32 $0x6400, s4;
	s7 =	sadd.s32 $0xCC00, s30;
	s14 =	sshrl.u32 s4, $0x3  }
.LBB2_1:
0xd: {  	s15 =	simm.s32 $0x200;
	s16 =	simm.s32 $0x0  }
.LBB2_2:
0xe: {  	p0 =	sne.s32 s15, $0x18E00;
	[tilespmem:s16+$0x6288] =	vst v1;
	s16 =	smov.u32 s15;
	s15 =	sadd.s32 $0x200, s15  }
.Ltmp0:
0xf: {  	(pc) =	sbr.rel @p0 .LBB2_2-.Ltmp0, $2  }
0x10: {  	_ =	sdelay $0x2  }
0x11: {  	s16 =	sshra.s32 s16, $0x2  }
0x12: {  	[tilespmem:s16+$0x6288] =	vst v1  }
0x13: {  	[spmem:s4] =	stream.linear.scatter [tilespmem:s9], [sflag:$0x1], $0x6400, $0x38;
	[tilespmem:$0xC688] =	vst v63  }
0x14: {  	_ =	swait.ge [sflag:s10], $0x6400  }
0x15: {  	[sflag:s10] =	ssyncset.done $0x0  }
0x16: {  	[sflag:s10] =	ssyncadd.s32 $0xFFFF9C00  }
0x17: {  	[spmem:s5] =	stream.linear.scatter [tilespmem:s9], [sflag:$0x1], $0x3C00, $0x38;
	[tilespmem:$0xC688] =	vst v63  }
0x18: {  	_ =	swait.ge [sflag:s10], $0x3C00  }
0x19: {  	[sflag:s10] =	ssyncset.done $0x0  }
0x1a: {  	s15 =	simm.s32 $0x200;
	s16 =	simm.s32 $0x0;
	[sflag:s10] =	ssyncadd.s32 $0xFFFFC400  }
.LBB2_4:
0x1b: {  	p0 =	sne.s32 s15, $0x18E00;
	[tilespmem:s16+$0x6288] =	vst v2;
	s16 =	smov.u32 s15;
	s15 =	sadd.s32 $0x200, s15  }
.Ltmp1:
0x1c: {  	(pc) =	sbr.rel @p0 .LBB2_4-.Ltmp1, $2  }
0x1d: {  	_ =	sdelay $0x2  }
0x1e: {  	s16 =	sshra.s32 s16, $0x2  }
0x1f: {  	[tilespmem:s16+$0x6288] =	vst v2;
	s15 =	simm.s32 $0x0  }
0x20: {  	[tilespmem:s11], [sflag:$0x1] =	stream.linear.gather [hbm4b:s6+s15], $0x4E20, $0x38;
	[tilespmem:$0xC688] =	vst v63  }
0x21: {  	_ =	swait.ge [sflag:s10], $0x4E20  }
0x22: {  	[sflag:s10] =	ssyncset.done $0x0  }
0x23: {  	s16 =	simm.s32 $0x40;
	s15 =	simm.s32 $0x0;
	[sflag:s10] =	ssyncadd.s32 $0xFFFFB1E0  }
.LBB2_6:
0x24: {  	p0 =	sne.s32 s16, $0x13840;
	v3 =	vld [tilespmem:s15+$0x1408];
	_ =	sdelay $0x2  }
.Ltmp2:
0x25: {  	(pc) =	sbr.rel @p0 .LBB2_6-.Ltmp2, $4  }
0x26: {  	_ = 	snop  }
0x27: {  	v3 =	vsub.s32 v3, v0  }
0x28: {  	v3 =	vmin.u32 v3, $0x1400  }
0x29: {  	[tilespmem:s15+$0x1408] =	vst v3;
	s15 =	sshra.s32 s16, $0x2;
	s16 =	sadd.s32 $0x40, s16  }
0x2a: {  	v3 =	vld [tilespmem:s15+$0x1408];
	_ =	sdelay $0x4  }
0x2b: {  	v3 =	vsub.s32 v3, v0  }
0x2c: {  	v3 =	vmin.u32 v3, $0x1400  }
0x2d: {  	[tilespmem:s15+$0x1408] =	vst v3  }
0x2e: {  	s31 =	simm.s32 $0x1408;
	[bflag:$0x0] =	sbarrier.arrive $0xFFFF  }
0x2f: {  	[spmem:s2] =	stream.indirect.scatter.add.f32 [tilespmem:s9], [sflag:$0x1], $0x10, s31, s12, $0xb8;
	[tilespmem:$0xC688] =	vst v63  }
0x30: {  	s15 =	simm.s32 $0x320;
	_ =	swait.ge [sflag:s10], $0xC80  }
.LBB2_8:
0x31: {  	s16 =	sshra.s32 s15, $0x2;
	[sflag:s10] =	ssyncset.done $0x0;
	p0 =	sne.s32 s15, $0x13560  }
.Ltmp3:
0x32: {  	s16 =	sadd.s32 $0x1408, s16;
	[sflag:s10] =	ssyncadd.s32 $0xFFFFF380;
	(pc) =	sbr.rel @p0 .LBB2_8-.Ltmp3, $3  }
0x33: {  	[spmem:s2] =	stream.indirect.scatter.add.f32 [tilespmem:s9], [sflag:$0x1], $0x10, s16, s12, $0xb8;
	[tilespmem:$0xC688] =	vst v63  }
0x34: {  	s15 =	sadd.s32 $0x320, s15;
	_ =	sdelay $0x1  }
0x35: {  	_ =	swait.ge [sflag:s10], $0xC80  }
0x36: {  	[sflag:s10] =	ssyncset.done $0x0;
	s3 =	sadd.s32 $0x1, s3  }
0x37: {  	[sflag:s10] =	ssyncadd.s32 $0xFFFFF380;
	p0 =	sne.s32 s3, s8  }
.Ltmp4:
0x38: {  	[bflag:$0x0] =	sbarrier.arrive $0xFFFF;
	(pc) =	sbr.rel @p0 .LBB2_1-.Ltmp4, $4  }
0x39: {  	[hbm:s7], [sflag:s13] =	dma.local [spmem:s14], $0x1400  }
0x3a: {  	_ =	swait.ge [sflag:s10], $0x1400  }
0x3b: {  	[sflag:s10] =	ssyncset.done $0x0  }
0x3c: {  	[sflag:s10] =	ssyncadd.s32 $0xFFFFEC00  }
0x3d: {  	_ =	sfence.sel $0x180000  }
0x3e: {  	[bflag:$0x0] =	sbarrier.arrive $0xFFFF  }
0x3f: {  	p0 =	sne.s32 s0, $0x0;
	_ =	strace $0x90000047  }
0x40: {  	s0 =	sadd.s32 @!p0 $0x100000, s1;
	[bflag:$0x2] =	sbarrier.arrive $0xFFFF  }
0x41: {  	[sflag:s0] =	ssyncadd.tile.s32 @!p0 $0x1;
	_ =	shalt  }
.Lfunc_end2:
_tile_overlayer_lowered:
.L_overlay_start_2:
0x42: {  	(tag) =	ssettag $0x2  }
0x43: {  	s0 =	rddreg [dreg:$0x0];
	s2 =	stileid.u32  }
0x44: {  	s1 =	rddreg [dreg:$0x1];
	p0 =	sne.s32 s2, $0x0  }
0x45: {  	s3 =	rddreg [dreg:$0x2];
	[bflag:$0x3] =	sbarrier.arrive $0xFFFF;
	s2 =	simm.s32 @!p0 $0x1C01  }
0x46: {  	[timem:s3], [sflag:s2] =	dma.local @!p0 [hbm:s0], s1  }
0x47: {  	s0 =	simm.s32 @!p0 $0x1  }
0x48: {  	_ =	swait.ge @!p0 [sflag:s0], s1  }
0x49: {  	s1 =	ssub.s32 @!p0 $0x0, s1;
	[sflag:s0] =	ssyncset.done @!p0 $0x0  }
0x4a: {  	[sflag:s0] =	ssyncadd.s32 @!p0 s1  }
0x4b: {  	[bflag:$0x3] =	sbarrier.arrive $0xFFFF  }
0x4c: {  	_ =	shalt  }

// kernel: kernel.18.cloned.1.call-start
scs
__scs_entry_jumppad:
0x0: {  	(pc) =	sbr.rel $0x88, $3  }
0x1: {  	(tag) =	ssettag $0x0;
	lr =	simm.s32 $0x1  }
0x2: {  	[smem:$0x3F95] =	sst lr;
	_ =	strace $0xD0000000  }
0x3: {  	_ = 	snop  }
0x4: {  	_ = 	snop  }
0x5: {  	_ = 	snop  }
0x6: {  	_ = 	snop  }
0x7: {  	_ = 	snop  }
__scs_overlays_trampoline_lowered:
0x8: {  	[smem:$0x3FA4] =	sst s0  }
0x9: {  	[smem:$0x3FA5] =	sst s1  }
0xa: {  	[smem:$0x3FA6] =	sst s2  }
0xb: {  	[smem:$0x3FA7] =	sst s3  }
0xc: {  	[smem:$0x3FA8] =	sst s4  }
0xd: {  	[smem:$0x3FA9] =	sst s5  }
0xe: {  	[smem:$0x3FAA] =	sst s6  }
0xf: {  	[smem:$0x3FAB] =	sst s7  }
0x10: {  	[smem:$0x3FAC] =	sst s8  }
0x11: {  	[smem:$0x3FAD] =	sst s9;
	s0 =	simm.s32 @!p0 $0x0  }
0x12: {  	s1 =	sld [smem:$0x3F93];
	s0 =	simm.s32 @p0 $0x1  }
0x13: {  	[smem:$0x3FAE] =	sst s0;
	s0 =	simm.s32 @!p1 $0x0  }
0x14: {  	s2 =	sld [smem:$0x3F92];
	s0 =	simm.s32 @p1 $0x1  }
0x15: {  	[smem:$0x3FAF] =	sst s0;
	s0 =	simm.s32 @!p2 $0x0  }
0x16: {  	s3 =	sld [smem:$0x3FDB];
	s0 =	simm.s32 @p2 $0x1  }
0x17: {  	s4 =	simm.s32 $0x1BF5;
	[smem:$0x3FB1] =	sst s0  }
0x18: {  	s0 =	sld [smem:$0x3F94];
	_ =	swait.ge [sflag:s4], $0x0  }
0x19: {  	s7 =	sld [smem:$0x3F95]  }
0x1a: {  	s8 =	sadd.s32 $0xFFFFE003, lr  }
0x1b: {  	s9 =	sadd.s32 $0xFFFFFEF7, lr;
	s5 =	simm.s32 $0xFFFFFFFF;
	p2 =	slt.u32 s8, $0xFFFFF086  }
0x1c: {  	p1 =	slt.u32 s9, $0xF7A;
	s5 =	simm.s32 @!p2 $0x0  }
0x1d: {  	s5 =	simm.s32 @p1 $0x1;
	p0 =	seq.s32 s7, s2  }
0x1e: {  	s7 =	smul.u32 @!p0 $0xF7A, s2;
	p2 =	seq.s32 @!p0 s5, $0x0  }
0x1f: {  	s9 =	smul.u32 $0xF7A, s1;
	s8 =	simm.s32 @!p0 $0x1BF5;
	p2 =	por !p2, p0  }
0x20: {  	[sflag:s8] =	ssyncset.s32 @!p0 $0xFFFFF086;
	s6 =	sadd.s32 @!p0 s3, s7;
	s7 =	simm.s32 @!p0 $0x108  }
0x21: {  	s3 =	sadd.s32 s3, s9;
	s6 =	sadd.s32 @!p0 $0x88, s6;
	s7 =	simm.s32 @p2 $0x1082  }
0x22: {  	[simem:s7], [sflag:s8] =	dma.local @!p0 [hbm:s6], $0xF7A  }
0x23: {  	s9 =	sor.u32 $0xD0000000, s2;
	s6 =	simm.s32 $0x108;
	_ =	swait.ge @!p0 [sflag:s8], $0x0  }
0x24: {  	s3 =	sadd.s32 $0x88, s3;
	s6 =	simm.s32 @!p1 $0x1082;
	[sflag:s4] =	ssyncset.s32 $0xFFFFF086  }
0x25: {  	[simem:s6], [sflag:s4] =	dma.local [hbm:s3], $0xF7A  }
0x26: {  	[smem:$0x3F95] =	sst s1;
	(tag) =	ssettag s2;
	_ =	strace s9  }
0x27: {  	s1 =	sld [smem:$0x3FA5]  }
0x28: {  	s2 =	sld [smem:$0x3FA6]  }
0x29: {  	s4 =	sld [smem:$0x3FA8]  }
0x2a: {  	p0 =	seq.s32 s5, $0x0;
	s5 =	sld [smem:$0x3FA9]  }
0x2b: {  	s6 =	sld [smem:$0x3FAA]  }
0x2c: {  	s7 =	sld [smem:$0x3FAB]  }
0x2d: {  	s3 =	simm.s32 $0x108;
	s8 =	sld [smem:$0x3FAC]  }
0x2e: {  	s3 =	simm.s32 @!p0 $0x1082;
	s9 =	sld [smem:$0x3FAD]  }
0x2f: {  	lr =	sadd.s32 s0, s3;
	s0 =	sld [smem:$0x3FA4]  }
0x30: {  	s3 =	sld [smem:$0x3FA7]  }
0x31: {  	[smem:$0x3FB0] =	sst s10  }
0x32: {  	s10 =	sld [smem:$0x3FAE];
	_ =	sdelay $0x3  }
0x33: {  	p0 =	seq.s32 s10, $0x1;
	s10 =	sld [smem:$0x3FB0];
	_ =	sdelay $0x3  }
0x34: {  	[smem:$0x3FB0] =	sst s10  }
0x35: {  	s10 =	sld [smem:$0x3FAF];
	_ =	sdelay $0x3  }
0x36: {  	p1 =	seq.s32 s10, $0x1;
	s10 =	sld [smem:$0x3FB0];
	_ =	sdelay $0x3  }
0x37: {  	[smem:$0x3FB0] =	sst s10  }
0x38: {  	s10 =	sld [smem:$0x3FB1]  }
0x39: {  	_ = 	snop;
	(pc) =	sbr.ind lr, $3  }
0x3a: {  	_ = 	snop  }
0x3b: {  	_ = 	snop  }
0x3c: {  	p2 =	seq.s32 s10, $0x1;
	s10 =	sld [smem:$0x3FB0]  }
0x3d: {  	_ =	shalt  }
0x3e: {  	_ =	shalt  }
0x3f: {  	_ =	shalt  }
0x40: {  	_ =	shalt  }
0x41: {  	_ =	shalt  }
0x42: {  	_ =	shalt  }
0x43: {  	_ =	shalt  }
0x44: {  	_ =	shalt  }
0x45: {  	_ =	shalt  }
0x46: {  	_ =	shalt  }
0x47: {  	_ =	shalt  }
0x48: {  	_ =	shalt  }
0x49: {  	_ =	shalt  }
0x4a: {  	_ =	shalt  }
0x4b: {  	_ =	shalt  }
0x4c: {  	_ =	shalt  }
0x4d: {  	_ =	shalt  }
0x4e: {  	_ =	shalt  }
0x4f: {  	_ =	shalt  }
0x50: {  	_ =	shalt  }
0x51: {  	_ =	shalt  }
0x52: {  	_ =	shalt  }
0x53: {  	_ =	shalt  }
0x54: {  	_ =	shalt  }
0x55: {  	_ =	shalt  }
0x56: {  	_ =	shalt  }
0x57: {  	_ =	shalt  }
0x58: {  	_ =	shalt  }
0x59: {  	_ =	shalt  }
0x5a: {  	_ =	shalt  }
0x5b: {  	_ =	shalt  }
0x5c: {  	_ =	shalt  }
0x5d: {  	_ =	shalt  }
0x5e: {  	_ =	shalt  }
0x5f: {  	_ =	shalt  }
0x60: {  	_ =	shalt  }
0x61: {  	_ =	shalt  }
0x62: {  	_ =	shalt  }
0x63: {  	_ =	shalt  }
0x64: {  	_ =	shalt  }
0x65: {  	_ =	shalt  }
0x66: {  	_ =	shalt  }
0x67: {  	_ =	shalt  }
0x68: {  	_ =	shalt  }
0x69: {  	_ =	shalt  }
0x6a: {  	_ =	shalt  }
0x6b: {  	_ =	shalt  }
0x6c: {  	_ =	shalt  }
0x6d: {  	_ =	shalt  }
0x6e: {  	_ =	shalt  }
0x6f: {  	_ =	shalt  }
0x70: {  	_ =	shalt  }
0x71: {  	_ =	shalt  }
0x72: {  	_ =	shalt  }
0x73: {  	_ =	shalt  }
0x74: {  	_ =	shalt  }
0x75: {  	_ =	shalt  }
0x76: {  	_ =	shalt  }
0x77: {  	_ =	shalt  }
0x78: {  	_ =	shalt  }
0x79: {  	_ =	shalt  }
0x7a: {  	_ =	shalt  }
0x7b: {  	_ =	shalt  }
0x7c: {  	_ =	shalt  }
0x7d: {  	_ =	shalt  }
0x7e: {  	_ =	shalt  }
0x7f: {  	_ =	shalt  }
0x80: {  	_ =	shalt  }
0x81: {  	_ =	shalt  }
0x82: {  	_ =	shalt  }
0x83: {  	_ =	shalt  }
0x84: {  	_ =	shalt  }
0x85: {  	_ =	shalt  }
0x86: {  	_ =	shalt  }
0x87: {  	_ =	shalt  }
.Lfunc_end0:
.L_simem_size_0:
called_computation.1_lowered:
.L_overlay_start_0:
0x88: {  	s2 =	sld [smem:$0x3FD9]  }
0x89: {  	s3 =	sld [smem:$0x3FFE];
	_ =	sdelay $0x1  }
0x8a: {  	s1 =	srdreg.scid  }
0x8b: {  	s0 =	sand.u32 $0x1, s1  }
0x8c: {  	s17 =	sshll.u32 s0, $0xA;
	s2 =	sadd.s32 s3, s2  }
0x8d: {  	s2 =	sadd.s32 s2, s17  }
0x8e: {  	[smem:$0x3FBC] =	sst s2  }
0x8f: {  	_ = 	snop  }
0x90: {  	s2 =	sld [smem:$0x3FD0];
	(tm) =	ssettm $0x1  }
0x91: {  	s18 =	sld [smem:$0x3FFB];
	_ =	sdelay $0x3  }
0x92: {  	_ =	strace s18  }
0x93: {  	s3 =	sld [smem:$0x3FFC];
	_ =	sdelay $0x3  }
0x94: {  	_ =	strace s3  }
0x95: {  	s3 =	sld [smem:$0x3FFD];
	_ =	sdelay $0x3  }
0x96: {  	_ =	strace s3  }
0x97: {  	_ =	strace $0x8FFFFFFF  }
0x98: {  	s19 =	sld [smem:$0x3FDB];
	_ =	sdelay $0x1  }
0x99: {  	s4 =	simm.s32 $_scs_section_size  }
0x9a: {  	s5 =	simm.s32 $_size__tile_overlayer_lowered;
	s6 =	simm.s32 $_tile_overlayer_lowered  }
0x9b: {  	s22 =	simm.s32 $0x1BFF;
	s21 =	sshll.u32 s6, $0x1;
	s3 =	sadd.s32 s4, s19  }
0x9c: {  	s7 =	simm.s32 $0x0;
	s20 =	sshll.u32 s5, $0x1;
	s5 =	sadd.s32 s21, s3  }
0x9d: {  	[timem:s7], [sflag:s22] =	dma.local [hbm:s5], s20  }
0x9e: {  	_ =	swait.ge [sflag:s22], s20  }
0x9f: {  	s4 =	ssub.s32 $0x0, s20;
	[sflag:s22] =	ssyncset.done $0x0  }
0xa0: {  	[sflag:s22] =	ssyncadd.s32 s4;
	_ =	sdelay $0x1  }
0xa1: {  	s23 =	simm.s32 $0x1B8B  }
0xa2: {  	_ =	swait.ge [sflag:s23], $0x1  }
0xa3: {  	[sflag:s23] =	ssyncset.done $0x0  }
0xa4: {  	s25 =	simm.s32 $0x1B8E;
	s24 =	sld [smem:$0x3FFE];
	[sflag:s23] =	ssyncadd.s32 $0xFFFFFFFF  }
0xa5: {  	s26 =	simm.s32 $execute0_lowered;
	[smem:$0x3FD2] =	sst s25  }
0xa6: {  	s5 =	sshll.u32 s26, $0x1;
	_ =	strace $0x80000049;
	[dreg:$0x1] =	wrdreg $0xFFFFFFFF  }
0xa7: {  	s28 =	simm.s32 $_size_execute0_lowered;
	s3 =	sadd.s32 s3, s5;
	[dreg:$0x0] =	wrdreg $0x0  }
0xa8: {  	s5 =	sshll.u32 s28, $0x1;
	[dreg:$0x2] =	wrdreg s3  }
0xa9: {  	[dreg:$0x3] =	wrdreg s5  }
0xaa: {  	[dreg:$0x4] =	wrdreg $0xC0  }
0xab: {  	_ =	task [dreg:s7], $0x5FFFF  }
0xac: {  	[dreg:$0x1] =	wrdreg $0xFFFFFFFF  }
0xad: {  	[dreg:$0x0] =	wrdreg $0x60  }
0xae: {  	[dreg:$0x2] =	wrdreg s24  }
0xaf: {  	[dreg:$0x3] =	wrdreg s2  }
0xb0: {  	[dreg:$0x4] =	wrdreg $0x0  }
0xb1: {  	[dreg:$0x5] =	wrdreg $0x9  }
0xb2: {  	_ =	task.clear_ibuf [dreg:s7], $0x6FFFF;
	_ =	strace $0x90000049  }
0xb3: {  	s29 =	simm.s32 $0x9;
	_ =	strace $0x8000004B  }
0xb4: {  	_ =	swait.ge [sflag:s29], $0x1  }
0xb5: {  	[sflag:s29] =	ssyncadd.s32 $0xFFFFFFFF  }
0xb6: {  	_ =	strace $0x9000004B  }
0xb7: {  	_ =	sfence  }
0xb8: {  	s30 =	sld [smem:$0x0];
	_ =	sdelay $0x2  }
0xb9: {  	s31 =	sshll.u32 s1, $0xD;
	s1 =	sshrl.u32 s1, $0x2  }
0xba: {  	s3 =	sand.u32 $0x4000, s31;
	s1 =	sadd.s32 s1, s30  }
0xbb: {  	s0 =	sor.u32 s3, s0;
	s1 =	sshll.u32 s1, $0x11  }
0xbc: {  	s0 =	sor.u32 s1, s0  }
0xbd: {  	s0 =	sadd.s32 $0x8F2B, s0  }
0xbe: {  	[sflag:s0] =	ssyncadd.remote.s32 $0x1  }
0xbf: {  	_ =	sfence.sel $0xFFFF  }
0xc0: {  	[dreg:$0x0] =	wrdreg $0xFFFFFFFF;
	(pc) =	sbr.abs _section_cstart, $3  }
0xc1: {  	[dreg:$0x1] =	wrdreg $0xFFFFFFFF  }
0xc2: {  	_ =	task.clear_ibuf [dreg:s7], $0x2FFFF;
	_ =	strace $0x9FFFFFFF  }
0xc3: {  	(tm) =	ssettm $0x7FFFFFFF  }
tec
execute0_lowered:
.L_overlay_start_1:
0x0: {  	(tag) =	ssettag $0x1  }
0x1: {  	s5 =	rddreg [dreg:$0x0]  }
0x2: {  	s9 =	rddreg [dreg:$0x1]  }
0x3: {  	s2 =	rddreg [dreg:$0x2]  }
0x4: {  	s0 =	rddreg [dreg:$0x3]  }
0x5: {  	s1 =	stileid.u32;
	s4 =	srdreg.scid  }
0x6: {  	s3 =	simm.s32 $0x0;
	s14 =	simm.s32 $0x3;
	s15 =	simm.s32 $0xA040  }
0x7: {  	s16 =	simm.s32 $0xEEC0;
	s17 =	simm.s32 $0x50;
	s18 =	simm.s32 $0xA090  }
0x8: {  	s19 =	simm.s32 $0x16540;
	s20 =	simm.s32 $0x1;
	s10 =	smul.u32 $0x9C4, s1  }
0x9: {  	s22 =	simm.s32 $0x13C40;
	s23 =	simm.s32 $0x13C90;
	s7 =	smul.u32 $0x140, s1  }
0xa: {  	s6 =	sand.u32 $0x1, s4;
	[smem:$0x7FF] =	sst s3;
	s8 =	smul.u32 $0x28000, s1  }
0xb: {  	s4 =	sadd.s32 $0xCC00, s5;
	s21 =	smul.u32 $0x1400, s6;
	s6 =	ssub.s32 $0x2, s6  }
0xc: {  	_ =	strace $0x8000004A;
	s11 =	sadd.s32 s10, s5;
	s12 =	sshrl.u32 s6, $0x1  }
0xd: {  	s8 =	sshrl.u32 s8, $0x2;
	s9 =	sadd.s32 s9, s10;
	s7 =	sadd.s32 s7, s21  }
0xe: {  	s12 =	ssub.s32 s6, s12;
	s10 =	sadd.s32 $0x2E00, s11;
	s7 =	sshll.u32 s7, $0x4  }
0xf: {  	v0 =	vmov s21;
	s21 =	simm.s32 $0x2;
	s13 =	sadd.s32 s7, s5;
	s5 =	sadd.s32 s8, s2  }
0x10: {  	s12 =	smax.u32 s12, $0x1;
	s6 =	sadd.s32 $0x2800, s5;
	s7 =	sadd.s32 $0x5000, s5  }
0x11: {  	v1 =	vimm.f32 $0.0e+00;
	s8 =	sadd.s32 $0x7800, s5;
	s11 =	sadd.s32 $0x34C00, s13;
	s13 =	simm.s32 $0x13D40  }
.LBB2_1:
0x12: {  	s24 =	simm.s32 $0x0;
	s25 =	simm.s32 $0x200  }
.LBB2_2:
0x13: {  	p0 =	sne.s32 s25, $0x9E00;
	[tilespmem:s24+$0x13DB0] =	vst v1  }
0x14: {  	[tilespmem:s24+$0x13D40] =	vst v1  }
0x15: {  	[tilespmem:s24+$0x13D50] =	vst v1  }
.Ltmp0:
0x16: {  	[tilespmem:s24+$0x13D60] =	vst v1;
	(pc) =	sbr.rel @p0 .LBB2_2-.Ltmp0, $4  }
0x17: {  	[tilespmem:s24+$0x13D70] =	vst v1  }
0x18: {  	[tilespmem:s24+$0x13D80] =	vst v1  }
0x19: {  	[tilespmem:s24+$0x13D90] =	vst v1  }
0x1a: {  	[tilespmem:s24+$0x13DA0] =	vst v1;
	s24 =	sshra.s32 s25, $0x2;
	s25 =	sadd.s32 $0x200, s25  }
0x1b: {  	[tilespmem:s24+$0x13DB0] =	vst v1  }
0x1c: {  	[tilespmem:s24+$0x13D40] =	vst v1  }
0x1d: {  	[tilespmem:s24+$0x13D50] =	vst v1  }
0x1e: {  	[tilespmem:s24+$0x13D60] =	vst v1  }
0x1f: {  	[tilespmem:s24+$0x13D70] =	vst v1  }
0x20: {  	[tilespmem:s24+$0x13D80] =	vst v1  }
0x21: {  	[tilespmem:s24+$0x13D90] =	vst v1  }
0x22: {  	[tilespmem:s24+$0x13DA0] =	vst v1  }
0x23: {  	[spmem:s5] =	stream.linear.scatter [tilespmem:s13], [sflag:$0x3], $0x2800, $0x38;
	[tilespmem:$0x18D40] =	vst v63  }
0x24: {  	_ =	swait.ge [sflag:s14], $0x2800  }
0x25: {  	[sflag:s14] =	ssyncset.done $0x0  }
0x26: {  	[sflag:s14] =	ssyncadd.s32 $0xFFFFD800  }
0x27: {  	[spmem:s6] =	stream.linear.scatter [tilespmem:s13], [sflag:$0x3], $0x2800, $0x38;
	[tilespmem:$0x18D40] =	vst v63  }
0x28: {  	_ =	swait.ge [sflag:s14], $0x2800  }
0x29: {  	[sflag:s14] =	ssyncset.done $0x0  }
0x2a: {  	[sflag:s14] =	ssyncadd.s32 $0xFFFFD800  }
0x2b: {  	[spmem:s7] =	stream.linear.scatter [tilespmem:s13], [sflag:$0x3], $0x2800, $0x38;
	[tilespmem:$0x18D40] =	vst v63  }
0x2c: {  	_ =	swait.ge [sflag:s14], $0x2800  }
0x2d: {  	[sflag:s14] =	ssyncset.done $0x0  }
0x2e: {  	[sflag:s14] =	ssyncadd.s32 $0xFFFFD800  }
0x2f: {  	[spmem:s8] =	stream.linear.scatter [tilespmem:s13], [sflag:$0x3], $0x2800, $0x38;
	[tilespmem:$0x18D40] =	vst v63  }
0x30: {  	_ =	swait.ge [sflag:s14], $0x2800  }
0x31: {  	[sflag:s14] =	ssyncset.done $0x0  }
0x32: {  	s31 =	simm.s32 $0x0;
	[sflag:s14] =	ssyncadd.s32 $0xFFFFD800  }
0x33: {  	[tilespmem:s15], [sflag:$0x3] =	stream.linear.gather [hbm4b:s9+s31], $0x4E20, $0x38;
	[tilespmem:$0x18D40] =	vst v63  }
0x34: {  	_ =	swait.ge [sflag:s14], $0x4E20  }
0x35: {  	[sflag:s14] =	ssyncset.done $0x0  }
0x36: {  	[sflag:s14] =	ssyncadd.s32 $0xFFFFB1E0  }
0x37: {  	[tilespmem:s16], [sflag:$0x3] =	stream.linear.gather [hbm4b:s10+s31], $0x4E20, $0x38;
	[tilespmem:$0x18D40] =	vst v63  }
0x38: {  	_ =	swait.ge [sflag:s14], $0x4E20  }
0x39: {  	[sflag:s14] =	ssyncset.done $0x0  }
0x3a: {  	s24 =	simm.s32 $0x0;
	s25 =	simm.s32 $0x40;
	[sflag:s14] =	ssyncadd.s32 $0xFFFFB1E0  }
.LBB2_4:
0x3b: {  	p0 =	sne.s32 s25, $0x13840;
	v2 =	vld [tilespmem:s24+$0xEEC0];
	_ =	sdelay $0x2  }
.Ltmp1:
0x3c: {  	(pc) =	sbr.rel @p0 .LBB2_4-.Ltmp1, $4  }
0x3d: {  	_ = 	snop  }
0x3e: {  	v2 =	vsub.s32 v2, v0  }
0x3f: {  	v2 =	vmin.u32 v2, $0x1400  }
0x40: {  	[tilespmem:s24+$0xEEC0] =	vst v2;
	s24 =	sshra.s32 s25, $0x2;
	s25 =	sadd.s32 $0x40, s25  }
0x41: {  	v2 =	vld [tilespmem:s24+$0xEEC0];
	_ =	sdelay $0x4  }
0x42: {  	v2 =	vsub.s32 v2, v0  }
0x43: {  	v2 =	vmin.u32 v2, $0x1400  }
0x44: {  	[tilespmem:s24+$0xEEC0] =	vst v2  }
0x45: {  	[bflag:$0x0] =	sbarrier.arrive $0xFFFF  }
0x46: {  	[tilespmem:s13], [sflag:$0x1] =	stream.indirect.gather [hbm4b:s4+s17], $0x80, s15, s17, $0xb8;
	[tilespmem:$0x18D40] =	vst v63  }
0x47: {  	_ = 	snop  }
0x48: {  	[tilespmem:s19], [sflag:$0x2] =	stream.indirect.gather [hbm4b:s4+s17], $0x80, s18, s17, $0xb8;
	[tilespmem:$0x18D40] =	vst v63  }
0x49: {  	_ =	swait.ge [sflag:s20], $0x2800  }
0x4a: {  	[sflag:s20] =	ssyncset.done $0x0  }
0x4b: {  	s29 =	simm.s32 $0xEEC0;
	[sflag:s20] =	ssyncadd.s32 $0xFFFFD800  }
0x4c: {  	[spmem:s2] =	stream.indirect.scatter.add.f32 [tilespmem:s13], [sflag:$0x3], $0x80, s29, s17, $0xb8;
	[tilespmem:$0x18D40] =	vst v63  }
0x4d: {  	_ =	swait.ge [sflag:s14], $0x2800  }
0x4e: {  	[sflag:s14] =	ssyncset.done $0x0  }
0x4f: {  	s30 =	simm.s32 $0xA0E0;
	[sflag:s14] =	ssyncadd.s32 $0xFFFFD800  }
0x50: {  	[tilespmem:s13], [sflag:$0x1] =	stream.indirect.gather [hbm4b:s4+s17], $0x80, s30, s17, $0xb8;
	[tilespmem:$0x18D40] =	vst v63  }
0x51: {  	_ =	swait.ge [sflag:s21], $0x2800  }
0x52: {  	[sflag:s21] =	ssyncset.done $0x0  }
0x53: {  	s31 =	simm.s32 $0xEF10;
	[sflag:s21] =	ssyncadd.s32 $0xFFFFD800  }
0x54: {  	[spmem:s2] =	stream.indirect.scatter.add.f32 [tilespmem:s19], [sflag:$0x3], $0x80, s31, s17, $0xb8;
	[tilespmem:$0x18D40] =	vst v63  }
0x55: {  	_ =	swait.ge [sflag:s14], $0x2800  }
0x56: {  	[sflag:s14] =	ssyncset.done $0x0  }
0x57: {  	s25 =	simm.s32 $0xA130;
	s24 =	simm.s32 $0x280;
	[sflag:s14] =	ssyncadd.s32 $0xFFFFD800  }
.LBB2_6:
0x58: {  	[tilespmem:s19], [sflag:$0x2] =	stream.indirect.gather [hbm4b:s4+s17], $0x80, s25, s17, $0xb8;
	[tilespmem:$0x18D40] =	vst v63  }
0x59: {  	s25 =	smov.u32 s24  }
0x5a: {  	p0 =	sne.s32 s24, $0x13380;
	s24 =	sadd.s32 $0x280, s24;
	_ =	swait.ge [sflag:s20], $0x2800  }
0x5b: {  	s25 =	sshra.s32 s25, $0x2;
	[sflag:s20] =	ssyncset.done $0x0  }
0x5c: {  	s26 =	sadd.s32 $0xEEC0, s25;
	[sflag:s20] =	ssyncadd.s32 $0xFFFFD800  }
0x5d: {  	[spmem:s2] =	stream.indirect.scatter.add.f32 [tilespmem:s13], [sflag:$0x3], $0x80, s26, s17, $0xb8;
	[tilespmem:$0x18D40] =	vst v63  }
0x5e: {  	_ =	swait.ge [sflag:s14], $0x2800  }
0x5f: {  	[sflag:s14] =	ssyncset.done $0x0  }
0x60: {  	s26 =	sadd.s32 $0xA0E0, s25;
	[sflag:s14] =	ssyncadd.s32 $0xFFFFD800  }
0x61: {  	[tilespmem:s13], [sflag:$0x1] =	stream.indirect.gather [hbm4b:s4+s17], $0x80, s26, s17, $0xb8;
	[tilespmem:$0x18D40] =	vst v63  }
0x62: {  	_ =	swait.ge [sflag:s21], $0x2800  }
0x63: {  	[sflag:s21] =	ssyncset.done $0x0  }
.Ltmp2:
0x64: {  	s26 =	sadd.s32 $0xEF10, s25;
	[sflag:s21] =	ssyncadd.s32 $0xFFFFD800;
	(pc) =	sbr.rel @p0 .LBB2_6-.Ltmp2, $4  }
0x65: {  	[spmem:s2] =	stream.indirect.scatter.add.f32 [tilespmem:s19], [sflag:$0x3], $0x80, s26, s17, $0xb8;
	[tilespmem:$0x18D40] =	vst v63  }
0x66: {  	_ =	swait.ge [sflag:s14], $0x2800  }
0x67: {  	[sflag:s14] =	ssyncset.done $0x0  }
0x68: {  	s25 =	sadd.s32 $0xA130, s25;
	[sflag:s14] =	ssyncadd.s32 $0xFFFFD800  }
0x69: {  	[tilespmem:s19], [sflag:$0x2] =	stream.indirect.gather [hbm4b:s4+s17], $0x80, s25, s17, $0xb8;
	[tilespmem:$0x18D40] =	vst v63  }
0x6a: {  	_ =	swait.ge [sflag:s20], $0x2800  }
0x6b: {  	[sflag:s20] =	ssyncset.done $0x0  }
0x6c: {  	[sflag:s20] =	ssyncadd.s32 $0xFFFFD800  }
0x6d: {  	[spmem:s2] =	stream.indirect.scatter.add.f32 [tilespmem:s13], [sflag:$0x3], $0x80, s22, s17, $0xb8;
	[tilespmem:$0x18D40] =	vst v63  }
0x6e: {  	_ =	swait.ge [sflag:s14], $0x2800  }
0x6f: {  	[sflag:s14] =	ssyncset.done $0x0  }
0x70: {  	[sflag:s14] =	ssyncadd.s32 $0xFFFFD800  }
0x71: {  	_ =	swait.ge [sflag:s21], $0x2800  }
0x72: {  	[sflag:s21] =	ssyncset.done $0x0  }
0x73: {  	[sflag:s21] =	ssyncadd.s32 $0xFFFFD800  }
0x74: {  	[spmem:s2] =	stream.indirect.scatter.add.f32 [tilespmem:s19], [sflag:$0x3], $0x80, s23, s17, $0xb8;
	[tilespmem:$0x18D40] =	vst v63  }
0x75: {  	_ =	swait.ge [sflag:s14], $0x2800  }
0x76: {  	s24 =	sshll.u32 s1, $0x6;
	s3 =	sadd.s32 $0x1, s3;
	[sflag:s14] =	ssyncset.done $0x0  }
0x77: {  	s31 =	sshrl.u32 s5, $0x3;
	p0 =	sne.s32 s3, s12;
	[sflag:s14] =	ssyncadd.s32 $0xFFFFD800  }
.Ltmp3:
0x78: {  	s24 =	sor.u32 $0x1C03, s24;
	[bflag:$0x0] =	sbarrier.arrive $0xFFFF;
	(pc) =	sbr.rel @p0 .LBB2_1-.Ltmp3, $4  }
0x79: {  	[hbm:s11], [sflag:s24] =	dma.local [spmem:s31], $0x1400  }
0x7a: {  	_ =	swait.ge [sflag:s14], $0x1400  }
0x7b: {  	[sflag:s14] =	ssyncset.done $0x0  }
0x7c: {  	[sflag:s14] =	ssyncadd.s32 $0xFFFFEC00  }
0x7d: {  	_ =	sfence.sel $0x180000  }
0x7e: {  	[bflag:$0x0] =	sbarrier.arrive $0xFFFF  }
0x7f: {  	p0 =	sne.s32 s1, $0x0;
	_ =	strace $0x9000004A  }
0x80: {  	s0 =	sadd.s32 @!p0 $0x100000, s0;
	[bflag:$0x2] =	sbarrier.arrive $0xFFFF  }
0x81: {  	[sflag:s0] =	ssyncadd.tile.s32 @!p0 $0x1;
	_ =	shalt  }
.Lfunc_end2:
_tile_overlayer_lowered:
.L_overlay_start_2:
0x82: {  	(tag) =	ssettag $0x2  }
0x83: {  	s0 =	rddreg [dreg:$0x0];
	s2 =	stileid.u32  }
0x84: {  	s1 =	rddreg [dreg:$0x1];
	p0 =	sne.s32 s2, $0x0  }
0x85: {  	s3 =	rddreg [dreg:$0x2];
	[bflag:$0x3] =	sbarrier.arrive $0xFFFF;
	s2 =	simm.s32 @!p0 $0x1C03  }
0x86: {  	[timem:s3], [sflag:s2] =	dma.local @!p0 [hbm:s0], s1  }
0x87: {  	s0 =	simm.s32 @!p0 $0x3  }
0x88: {  	_ =	swait.ge @!p0 [sflag:s0], s1  }
0x89: {  	s1 =	ssub.s32 @!p0 $0x0, s1;
	[sflag:s0] =	ssyncset.done @!p0 $0x0  }
0x8a: {  	[sflag:s0] =	ssyncadd.s32 @!p0 s1  }
0x8b: {  	[bflag:$0x3] =	sbarrier.arrive $0xFFFF  }
0x8c: {  	_ =	shalt  }

// kernel: kernel.21.cloned.1.call-start
scs
__scs_entry_jumppad:
0x0: {  	(pc) =	sbr.rel $0x88, $3  }
0x1: {  	(tag) =	ssettag $0x0;
	lr =	simm.s32 $0x1  }
0x2: {  	[smem:$0x3F95] =	sst lr;
	_ =	strace $0xD0000000  }
0x3: {  	_ = 	snop  }
0x4: {  	_ = 	snop  }
0x5: {  	_ = 	snop  }
0x6: {  	_ = 	snop  }
0x7: {  	_ = 	snop  }
__scs_overlays_trampoline_lowered:
0x8: {  	[smem:$0x3FA4] =	sst s0  }
0x9: {  	[smem:$0x3FA5] =	sst s1  }
0xa: {  	[smem:$0x3FA6] =	sst s2  }
0xb: {  	[smem:$0x3FA7] =	sst s3  }
0xc: {  	[smem:$0x3FA8] =	sst s4  }
0xd: {  	[smem:$0x3FA9] =	sst s5  }
0xe: {  	[smem:$0x3FAA] =	sst s6  }
0xf: {  	[smem:$0x3FAB] =	sst s7  }
0x10: {  	[smem:$0x3FAC] =	sst s8  }
0x11: {  	[smem:$0x3FAD] =	sst s9;
	s0 =	simm.s32 @!p0 $0x0  }
0x12: {  	s1 =	sld [smem:$0x3F93];
	s0 =	simm.s32 @p0 $0x1  }
0x13: {  	[smem:$0x3FAE] =	sst s0;
	s0 =	simm.s32 @!p1 $0x0  }
0x14: {  	s2 =	sld [smem:$0x3F92];
	s0 =	simm.s32 @p1 $0x1  }
0x15: {  	[smem:$0x3FAF] =	sst s0;
	s0 =	simm.s32 @!p2 $0x0  }
0x16: {  	s3 =	sld [smem:$0x3FDB];
	s0 =	simm.s32 @p2 $0x1  }
0x17: {  	s4 =	simm.s32 $0x1BF5;
	[smem:$0x3FB1] =	sst s0  }
0x18: {  	s0 =	sld [smem:$0x3F94];
	_ =	swait.ge [sflag:s4], $0x0  }
0x19: {  	s7 =	sld [smem:$0x3F95]  }
0x1a: {  	s8 =	sadd.s32 $0xFFFFE003, lr  }
0x1b: {  	s9 =	sadd.s32 $0xFFFFFEF7, lr;
	s5 =	simm.s32 $0xFFFFFFFF;
	p2 =	slt.u32 s8, $0xFFFFF086  }
0x1c: {  	p1 =	slt.u32 s9, $0xF7A;
	s5 =	simm.s32 @!p2 $0x0  }
0x1d: {  	s5 =	simm.s32 @p1 $0x1;
	p0 =	seq.s32 s7, s2  }
0x1e: {  	s7 =	smul.u32 @!p0 $0xF7A, s2;
	p2 =	seq.s32 @!p0 s5, $0x0  }
0x1f: {  	s9 =	smul.u32 $0xF7A, s1;
	s8 =	simm.s32 @!p0 $0x1BF5;
	p2 =	por !p2, p0  }
0x20: {  	[sflag:s8] =	ssyncset.s32 @!p0 $0xFFFFF086;
	s6 =	sadd.s32 @!p0 s3, s7;
	s7 =	simm.s32 @!p0 $0x108  }
0x21: {  	s3 =	sadd.s32 s3, s9;
	s6 =	sadd.s32 @!p0 $0x88, s6;
	s7 =	simm.s32 @p2 $0x1082  }
0x22: {  	[simem:s7], [sflag:s8] =	dma.local @!p0 [hbm:s6], $0xF7A  }
0x23: {  	s9 =	sor.u32 $0xD0000000, s2;
	s6 =	simm.s32 $0x108;
	_ =	swait.ge @!p0 [sflag:s8], $0x0  }
0x24: {  	s3 =	sadd.s32 $0x88, s3;
	s6 =	simm.s32 @!p1 $0x1082;
	[sflag:s4] =	ssyncset.s32 $0xFFFFF086  }
0x25: {  	[simem:s6], [sflag:s4] =	dma.local [hbm:s3], $0xF7A  }
0x26: {  	[smem:$0x3F95] =	sst s1;
	(tag) =	ssettag s2;
	_ =	strace s9  }
0x27: {  	s1 =	sld [smem:$0x3FA5]  }
0x28: {  	s2 =	sld [smem:$0x3FA6]  }
0x29: {  	s4 =	sld [smem:$0x3FA8]  }
0x2a: {  	p0 =	seq.s32 s5, $0x0;
	s5 =	sld [smem:$0x3FA9]  }
0x2b: {  	s6 =	sld [smem:$0x3FAA]  }
0x2c: {  	s7 =	sld [smem:$0x3FAB]  }
0x2d: {  	s3 =	simm.s32 $0x108;
	s8 =	sld [smem:$0x3FAC]  }
0x2e: {  	s3 =	simm.s32 @!p0 $0x1082;
	s9 =	sld [smem:$0x3FAD]  }
0x2f: {  	lr =	sadd.s32 s0, s3;
	s0 =	sld [smem:$0x3FA4]  }
0x30: {  	s3 =	sld [smem:$0x3FA7]  }
0x31: {  	[smem:$0x3FB0] =	sst s10  }
0x32: {  	s10 =	sld [smem:$0x3FAE];
	_ =	sdelay $0x3  }
0x33: {  	p0 =	seq.s32 s10, $0x1;
	s10 =	sld [smem:$0x3FB0];
	_ =	sdelay $0x3  }
0x34: {  	[smem:$0x3FB0] =	sst s10  }
0x35: {  	s10 =	sld [smem:$0x3FAF];
	_ =	sdelay $0x3  }
0x36: {  	p1 =	seq.s32 s10, $0x1;
	s10 =	sld [smem:$0x3FB0];
	_ =	sdelay $0x3  }
0x37: {  	[smem:$0x3FB0] =	sst s10  }
0x38: {  	s10 =	sld [smem:$0x3FB1]  }
0x39: {  	_ = 	snop;
	(pc) =	sbr.ind lr, $3  }
0x3a: {  	_ = 	snop  }
0x3b: {  	_ = 	snop  }
0x3c: {  	p2 =	seq.s32 s10, $0x1;
	s10 =	sld [smem:$0x3FB0]  }
0x3d: {  	_ =	shalt  }
0x3e: {  	_ =	shalt  }
0x3f: {  	_ =	shalt  }
0x40: {  	_ =	shalt  }
0x41: {  	_ =	shalt  }
0x42: {  	_ =	shalt  }
0x43: {  	_ =	shalt  }
0x44: {  	_ =	shalt  }
0x45: {  	_ =	shalt  }
0x46: {  	_ =	shalt  }
0x47: {  	_ =	shalt  }
0x48: {  	_ =	shalt  }
0x49: {  	_ =	shalt  }
0x4a: {  	_ =	shalt  }
0x4b: {  	_ =	shalt  }
0x4c: {  	_ =	shalt  }
0x4d: {  	_ =	shalt  }
0x4e: {  	_ =	shalt  }
0x4f: {  	_ =	shalt  }
0x50: {  	_ =	shalt  }
0x51: {  	_ =	shalt  }
0x52: {  	_ =	shalt  }
0x53: {  	_ =	shalt  }
0x54: {  	_ =	shalt  }
0x55: {  	_ =	shalt  }
0x56: {  	_ =	shalt  }
0x57: {  	_ =	shalt  }
0x58: {  	_ =	shalt  }
0x59: {  	_ =	shalt  }
0x5a: {  	_ =	shalt  }
0x5b: {  	_ =	shalt  }
0x5c: {  	_ =	shalt  }
0x5d: {  	_ =	shalt  }
0x5e: {  	_ =	shalt  }
0x5f: {  	_ =	shalt  }
0x60: {  	_ =	shalt  }
0x61: {  	_ =	shalt  }
0x62: {  	_ =	shalt  }
0x63: {  	_ =	shalt  }
0x64: {  	_ =	shalt  }
0x65: {  	_ =	shalt  }
0x66: {  	_ =	shalt  }
0x67: {  	_ =	shalt  }
0x68: {  	_ =	shalt  }
0x69: {  	_ =	shalt  }
0x6a: {  	_ =	shalt  }
0x6b: {  	_ =	shalt  }
0x6c: {  	_ =	shalt  }
0x6d: {  	_ =	shalt  }
0x6e: {  	_ =	shalt  }
0x6f: {  	_ =	shalt  }
0x70: {  	_ =	shalt  }
0x71: {  	_ =	shalt  }
0x72: {  	_ =	shalt  }
0x73: {  	_ =	shalt  }
0x74: {  	_ =	shalt  }
0x75: {  	_ =	shalt  }
0x76: {  	_ =	shalt  }
0x77: {  	_ =	shalt  }
0x78: {  	_ =	shalt  }
0x79: {  	_ =	shalt  }
0x7a: {  	_ =	shalt  }
0x7b: {  	_ =	shalt  }
0x7c: {  	_ =	shalt  }
0x7d: {  	_ =	shalt  }
0x7e: {  	_ =	shalt  }
0x7f: {  	_ =	shalt  }
0x80: {  	_ =	shalt  }
0x81: {  	_ =	shalt  }
0x82: {  	_ =	shalt  }
0x83: {  	_ =	shalt  }
0x84: {  	_ =	shalt  }
0x85: {  	_ =	shalt  }
0x86: {  	_ =	shalt  }
0x87: {  	_ =	shalt  }
.Lfunc_end0:
.L_simem_size_0:
called_computation.2_lowered:
.L_overlay_start_0:
0x88: {  	s2 =	sld [smem:$0x3FD9]  }
0x89: {  	s3 =	sld [smem:$0x3FFE];
	_ =	sdelay $0x1  }
0x8a: {  	s1 =	srdreg.scid  }
0x8b: {  	s0 =	sand.u32 $0x1, s1  }
0x8c: {  	s17 =	sshll.u32 s0, $0xA;
	s2 =	sadd.s32 s3, s2  }
0x8d: {  	s2 =	sadd.s32 s2, s17  }
0x8e: {  	[smem:$0x3FBC] =	sst s2  }
0x8f: {  	_ = 	snop  }
0x90: {  	s2 =	sld [smem:$0x3FD0];
	(tm) =	ssettm $0x1  }
0x91: {  	s18 =	sld [smem:$0x3FFB];
	_ =	sdelay $0x3  }
0x92: {  	_ =	strace s18  }
0x93: {  	s3 =	sld [smem:$0x3FFC];
	_ =	sdelay $0x3  }
0x94: {  	_ =	strace s3  }
0x95: {  	s3 =	sld [smem:$0x3FFD];
	_ =	sdelay $0x3  }
0x96: {  	_ =	strace s3  }
0x97: {  	_ =	strace $0x8FFFFFFF  }
0x98: {  	s19 =	sld [smem:$0x3FDB];
	_ =	sdelay $0x1  }
0x99: {  	s4 =	simm.s32 $_scs_section_size  }
0x9a: {  	s5 =	simm.s32 $_size__tile_overlayer_lowered;
	s6 =	simm.s32 $_tile_overlayer_lowered  }
0x9b: {  	s22 =	simm.s32 $0x1BFF;
	s21 =	sshll.u32 s6, $0x1;
	s3 =	sadd.s32 s4, s19  }
0x9c: {  	s7 =	simm.s32 $0x0;
	s20 =	sshll.u32 s5, $0x1;
	s5 =	sadd.s32 s21, s3  }
0x9d: {  	[timem:s7], [sflag:s22] =	dma.local [hbm:s5], s20  }
0x9e: {  	_ =	swait.ge [sflag:s22], s20  }
0x9f: {  	s4 =	ssub.s32 $0x0, s20;
	[sflag:s22] =	ssyncset.done $0x0  }
0xa0: {  	[sflag:s22] =	ssyncadd.s32 s4;
	_ =	sdelay $0x1  }
0xa1: {  	s23 =	simm.s32 $0x1B8B  }
0xa2: {  	_ =	swait.ge [sflag:s23], $0x1  }
0xa3: {  	[sflag:s23] =	ssyncset.done $0x0  }
0xa4: {  	s25 =	simm.s32 $0x1B8E;
	s24 =	sld [smem:$0x3FFE];
	[sflag:s23] =	ssyncadd.s32 $0xFFFFFFFF  }
0xa5: {  	s26 =	simm.s32 $execute0_lowered;
	[smem:$0x3FD2] =	sst s25  }
0xa6: {  	s5 =	sshll.u32 s26, $0x1;
	_ =	strace $0x8000004C;
	[dreg:$0x1] =	wrdreg $0xFFFFFFFF  }
0xa7: {  	s28 =	simm.s32 $_size_execute0_lowered;
	s3 =	sadd.s32 s3, s5;
	[dreg:$0x0] =	wrdreg $0x0  }
0xa8: {  	s5 =	sshll.u32 s28, $0x1;
	[dreg:$0x2] =	wrdreg s3  }
0xa9: {  	[dreg:$0x3] =	wrdreg s5  }
0xaa: {  	[dreg:$0x4] =	wrdreg $0xC0  }
0xab: {  	_ =	task [dreg:s7], $0x5FFFF  }
0xac: {  	[dreg:$0x1] =	wrdreg $0xFFFFFFFF  }
0xad: {  	[dreg:$0x0] =	wrdreg $0x60  }
0xae: {  	[dreg:$0x2] =	wrdreg s24  }
0xaf: {  	[dreg:$0x3] =	wrdreg s2  }
0xb0: {  	[dreg:$0x4] =	wrdreg $0x0  }
0xb1: {  	[dreg:$0x5] =	wrdreg $0x9  }
0xb2: {  	_ =	task.clear_ibuf [dreg:s7], $0x6FFFF;
	_ =	strace $0x9000004C  }
0xb3: {  	s29 =	simm.s32 $0x9;
	_ =	strace $0x8000004E  }
0xb4: {  	_ =	swait.ge [sflag:s29], $0x1  }
0xb5: {  	[sflag:s29] =	ssyncadd.s32 $0xFFFFFFFF  }
0xb6: {  	_ =	strace $0x9000004E  }
0xb7: {  	_ =	sfence  }
0xb8: {  	s30 =	sld [smem:$0x0];
	_ =	sdelay $0x2  }
0xb9: {  	s31 =	sshll.u32 s1, $0xD;
	s1 =	sshrl.u32 s1, $0x2  }
0xba: {  	s3 =	sand.u32 $0x4000, s31;
	s1 =	sadd.s32 s1, s30  }
0xbb: {  	s0 =	sor.u32 s3, s0;
	s1 =	sshll.u32 s1, $0x11  }
0xbc: {  	s0 =	sor.u32 s1, s0  }
0xbd: {  	s0 =	sadd.s32 $0x8F2B, s0  }
0xbe: {  	[sflag:s0] =	ssyncadd.remote.s32 $0x1  }
0xbf: {  	_ =	sfence.sel $0xFFFF  }
0xc0: {  	[dreg:$0x0] =	wrdreg $0xFFFFFFFF;
	(pc) =	sbr.abs _section_cstart, $3  }
0xc1: {  	[dreg:$0x1] =	wrdreg $0xFFFFFFFF  }
0xc2: {  	_ =	task.clear_ibuf [dreg:s7], $0x2FFFF;
	_ =	strace $0x9FFFFFFF  }
0xc3: {  	(tm) =	ssettm $0x7FFFFFFF  }
tec
execute0_lowered:
.L_overlay_start_1:
0x0: {  	(tag) =	ssettag $0x1  }
0x1: {  	s5 =	rddreg [dreg:$0x0]  }
0x2: {  	s9 =	rddreg [dreg:$0x1]  }
0x3: {  	s2 =	rddreg [dreg:$0x2]  }
0x4: {  	s0 =	rddreg [dreg:$0x3]  }
0x5: {  	s1 =	stileid.u32;
	s4 =	srdreg.scid  }
0x6: {  	s3 =	simm.s32 $0x0;
	s14 =	simm.s32 $0x3;
	s15 =	simm.s32 $0xA040  }
0x7: {  	s16 =	simm.s32 $0xEEC0;
	s17 =	simm.s32 $0x50;
	s18 =	simm.s32 $0xA090  }
0x8: {  	s19 =	simm.s32 $0x16540;
	s20 =	simm.s32 $0x1;
	s10 =	smul.u32 $0x9C4, s1  }
0x9: {  	s22 =	simm.s32 $0x13C40;
	s23 =	simm.s32 $0x13C90;
	s7 =	smul.u32 $0x140, s1  }
0xa: {  	s6 =	sand.u32 $0x1, s4;
	[smem:$0x7FF] =	sst s3;
	s8 =	smul.u32 $0x28000, s1  }
0xb: {  	s4 =	sadd.s32 $0xCC00, s5;
	s21 =	smul.u32 $0x1400, s6;
	s6 =	ssub.s32 $0x2, s6  }
0xc: {  	_ =	strace $0x8000004D;
	s11 =	sadd.s32 s10, s5;
	s12 =	sshrl.u32 s6, $0x1  }
0xd: {  	s8 =	sshrl.u32 s8, $0x2;
	s9 =	sadd.s32 s9, s10;
	s7 =	sadd.s32 s7, s21  }
0xe: {  	s12 =	ssub.s32 s6, s12;
	s10 =	sadd.s32 $0x2E00, s11;
	s7 =	sshll.u32 s7, $0x4  }
0xf: {  	v0 =	vmov s21;
	s21 =	simm.s32 $0x2;
	s13 =	sadd.s32 s7, s5;
	s5 =	sadd.s32 s8, s2  }
0x10: {  	s12 =	smax.u32 s12, $0x1;
	s6 =	sadd.s32 $0x2800, s5;
	s7 =	sadd.s32 $0x5000, s5  }
0x11: {  	v1 =	vimm.f32 $0.0e+00;
	s8 =	sadd.s32 $0x7800, s5;
	s11 =	sadd.s32 $0x34C00, s13;
	s13 =	simm.s32 $0x13D40  }
.LBB2_1:
0x12: {  	s24 =	simm.s32 $0x0;
	s25 =	simm.s32 $0x200  }
.LBB2_2:
0x13: {  	p0 =	sne.s32 s25, $0x9E00;
	[tilespmem:s24+$0x13DB0] =	vst v1  }
0x14: {  	[tilespmem:s24+$0x13D40] =	vst v1  }
0x15: {  	[tilespmem:s24+$0x13D50] =	vst v1  }
.Ltmp0:
0x16: {  	[tilespmem:s24+$0x13D60] =	vst v1;
	(pc) =	sbr.rel @p0 .LBB2_2-.Ltmp0, $4  }
0x17: {  	[tilespmem:s24+$0x13D70] =	vst v1  }
0x18: {  	[tilespmem:s24+$0x13D80] =	vst v1  }
0x19: {  	[tilespmem:s24+$0x13D90] =	vst v1  }
0x1a: {  	[tilespmem:s24+$0x13DA0] =	vst v1;
	s24 =	sshra.s32 s25, $0x2;
	s25 =	sadd.s32 $0x200, s25  }
0x1b: {  	[tilespmem:s24+$0x13DB0] =	vst v1  }
0x1c: {  	[tilespmem:s24+$0x13D40] =	vst v1  }
0x1d: {  	[tilespmem:s24+$0x13D50] =	vst v1  }
0x1e: {  	[tilespmem:s24+$0x13D60] =	vst v1  }
0x1f: {  	[tilespmem:s24+$0x13D70] =	vst v1  }
0x20: {  	[tilespmem:s24+$0x13D80] =	vst v1  }
0x21: {  	[tilespmem:s24+$0x13D90] =	vst v1  }
0x22: {  	[tilespmem:s24+$0x13DA0] =	vst v1  }
0x23: {  	[spmem:s5] =	stream.linear.scatter [tilespmem:s13], [sflag:$0x3], $0x2800, $0x38;
	[tilespmem:$0x18D40] =	vst v63  }
0x24: {  	_ =	swait.ge [sflag:s14], $0x2800  }
0x25: {  	[sflag:s14] =	ssyncset.done $0x0  }
0x26: {  	[sflag:s14] =	ssyncadd.s32 $0xFFFFD800  }
0x27: {  	[spmem:s6] =	stream.linear.scatter [tilespmem:s13], [sflag:$0x3], $0x2800, $0x38;
	[tilespmem:$0x18D40] =	vst v63  }
0x28: {  	_ =	swait.ge [sflag:s14], $0x2800  }
0x29: {  	[sflag:s14] =	ssyncset.done $0x0  }
0x2a: {  	[sflag:s14] =	ssyncadd.s32 $0xFFFFD800  }
0x2b: {  	[spmem:s7] =	stream.linear.scatter [tilespmem:s13], [sflag:$0x3], $0x2800, $0x38;
	[tilespmem:$0x18D40] =	vst v63  }
0x2c: {  	_ =	swait.ge [sflag:s14], $0x2800  }
0x2d: {  	[sflag:s14] =	ssyncset.done $0x0  }
0x2e: {  	[sflag:s14] =	ssyncadd.s32 $0xFFFFD800  }
0x2f: {  	[spmem:s8] =	stream.linear.scatter [tilespmem:s13], [sflag:$0x3], $0x2800, $0x38;
	[tilespmem:$0x18D40] =	vst v63  }
0x30: {  	_ =	swait.ge [sflag:s14], $0x2800  }
0x31: {  	[sflag:s14] =	ssyncset.done $0x0  }
0x32: {  	s31 =	simm.s32 $0x0;
	[sflag:s14] =	ssyncadd.s32 $0xFFFFD800  }
0x33: {  	[tilespmem:s15], [sflag:$0x3] =	stream.linear.gather [hbm4b:s9+s31], $0x4E20, $0x38;
	[tilespmem:$0x18D40] =	vst v63  }
0x34: {  	_ =	swait.ge [sflag:s14], $0x4E20  }
0x35: {  	[sflag:s14] =	ssyncset.done $0x0  }
0x36: {  	[sflag:s14] =	ssyncadd.s32 $0xFFFFB1E0  }
0x37: {  	[tilespmem:s16], [sflag:$0x3] =	stream.linear.gather [hbm4b:s10+s31], $0x4E20, $0x38;
	[tilespmem:$0x18D40] =	vst v63  }
0x38: {  	_ =	swait.ge [sflag:s14], $0x4E20  }
0x39: {  	[sflag:s14] =	ssyncset.done $0x0  }
0x3a: {  	s24 =	simm.s32 $0x0;
	s25 =	simm.s32 $0x40;
	[sflag:s14] =	ssyncadd.s32 $0xFFFFB1E0  }
.LBB2_4:
0x3b: {  	p0 =	sne.s32 s25, $0x13840;
	v2 =	vld [tilespmem:s24+$0xEEC0];
	_ =	sdelay $0x2  }
.Ltmp1:
0x3c: {  	(pc) =	sbr.rel @p0 .LBB2_4-.Ltmp1, $4  }
0x3d: {  	_ = 	snop  }
0x3e: {  	v2 =	vsub.s32 v2, v0  }
0x3f: {  	v2 =	vmin.u32 v2, $0x1400  }
0x40: {  	[tilespmem:s24+$0xEEC0] =	vst v2;
	s24 =	sshra.s32 s25, $0x2;
	s25 =	sadd.s32 $0x40, s25  }
0x41: {  	v2 =	vld [tilespmem:s24+$0xEEC0];
	_ =	sdelay $0x4  }
0x42: {  	v2 =	vsub.s32 v2, v0  }
0x43: {  	v2 =	vmin.u32 v2, $0x1400  }
0x44: {  	[tilespmem:s24+$0xEEC0] =	vst v2  }
0x45: {  	[bflag:$0x0] =	sbarrier.arrive $0xFFFF  }
0x46: {  	[tilespmem:s13], [sflag:$0x1] =	stream.indirect.gather [hbm4b:s4+s17], $0x80, s15, s17, $0xb8;
	[tilespmem:$0x18D40] =	vst v63  }
0x47: {  	_ = 	snop  }
0x48: {  	[tilespmem:s19], [sflag:$0x2] =	stream.indirect.gather [hbm4b:s4+s17], $0x80, s18, s17, $0xb8;
	[tilespmem:$0x18D40] =	vst v63  }
0x49: {  	_ =	swait.ge [sflag:s20], $0x2800  }
0x4a: {  	[sflag:s20] =	ssyncset.done $0x0  }
0x4b: {  	s29 =	simm.s32 $0xEEC0;
	[sflag:s20] =	ssyncadd.s32 $0xFFFFD800  }
0x4c: {  	[spmem:s2] =	stream.indirect.scatter.add.f32 [tilespmem:s13], [sflag:$0x3], $0x80, s29, s17, $0xb8;
	[tilespmem:$0x18D40] =	vst v63  }
0x4d: {  	_ =	swait.ge [sflag:s14], $0x2800  }
0x4e: {  	[sflag:s14] =	ssyncset.done $0x0  }
0x4f: {  	s30 =	simm.s32 $0xA0E0;
	[sflag:s14] =	ssyncadd.s32 $0xFFFFD800  }
0x50: {  	[tilespmem:s13], [sflag:$0x1] =	stream.indirect.gather [hbm4b:s4+s17], $0x80, s30, s17, $0xb8;
	[tilespmem:$0x18D40] =	vst v63  }
0x51: {  	_ =	swait.ge [sflag:s21], $0x2800  }
0x52: {  	[sflag:s21] =	ssyncset.done $0x0  }
0x53: {  	s31 =	simm.s32 $0xEF10;
	[sflag:s21] =	ssyncadd.s32 $0xFFFFD800  }
0x54: {  	[spmem:s2] =	stream.indirect.scatter.add.f32 [tilespmem:s19], [sflag:$0x3], $0x80, s31, s17, $0xb8;
	[tilespmem:$0x18D40] =	vst v63  }
0x55: {  	_ =	swait.ge [sflag:s14], $0x2800  }
0x56: {  	[sflag:s14] =	ssyncset.done $0x0  }
0x57: {  	s25 =	simm.s32 $0xA130;
	s24 =	simm.s32 $0x280;
	[sflag:s14] =	ssyncadd.s32 $0xFFFFD800  }
.LBB2_6:
0x58: {  	[tilespmem:s19], [sflag:$0x2] =	stream.indirect.gather [hbm4b:s4+s17], $0x80, s25, s17, $0xb8;
	[tilespmem:$0x18D40] =	vst v63  }
0x59: {  	s25 =	smov.u32 s24  }
0x5a: {  	p0 =	sne.s32 s24, $0x13380;
	s24 =	sadd.s32 $0x280, s24;
	_ =	swait.ge [sflag:s20], $0x2800  }
0x5b: {  	s25 =	sshra.s32 s25, $0x2;
	[sflag:s20] =	ssyncset.done $0x0  }
0x5c: {  	s26 =	sadd.s32 $0xEEC0, s25;
	[sflag:s20] =	ssyncadd.s32 $0xFFFFD800  }
0x5d: {  	[spmem:s2] =	stream.indirect.scatter.add.f32 [tilespmem:s13], [sflag:$0x3], $0x80, s26, s17, $0xb8;
	[tilespmem:$0x18D40] =	vst v63  }
0x5e: {  	_ =	swait.ge [sflag:s14], $0x2800  }
0x5f: {  	[sflag:s14] =	ssyncset.done $0x0  }
0x60: {  	s26 =	sadd.s32 $0xA0E0, s25;
	[sflag:s14] =	ssyncadd.s32 $0xFFFFD800  }
0x61: {  	[tilespmem:s13], [sflag:$0x1] =	stream.indirect.gather [hbm4b:s4+s17], $0x80, s26, s17, $0xb8;
	[tilespmem:$0x18D40] =	vst v63  }
0x62: {  	_ =	swait.ge [sflag:s21], $0x2800  }
0x63: {  	[sflag:s21] =	ssyncset.done $0x0  }
.Ltmp2:
0x64: {  	s26 =	sadd.s32 $0xEF10, s25;
	[sflag:s21] =	ssyncadd.s32 $0xFFFFD800;
	(pc) =	sbr.rel @p0 .LBB2_6-.Ltmp2, $4  }
0x65: {  	[spmem:s2] =	stream.indirect.scatter.add.f32 [tilespmem:s19], [sflag:$0x3], $0x80, s26, s17, $0xb8;
	[tilespmem:$0x18D40] =	vst v63  }
0x66: {  	_ =	swait.ge [sflag:s14], $0x2800  }
0x67: {  	[sflag:s14] =	ssyncset.done $0x0  }
0x68: {  	s25 =	sadd.s32 $0xA130, s25;
	[sflag:s14] =	ssyncadd.s32 $0xFFFFD800  }
0x69: {  	[tilespmem:s19], [sflag:$0x2] =	stream.indirect.gather [hbm4b:s4+s17], $0x80, s25, s17, $0xb8;
	[tilespmem:$0x18D40] =	vst v63  }
0x6a: {  	_ =	swait.ge [sflag:s20], $0x2800  }
0x6b: {  	[sflag:s20] =	ssyncset.done $0x0  }
0x6c: {  	[sflag:s20] =	ssyncadd.s32 $0xFFFFD800  }
0x6d: {  	[spmem:s2] =	stream.indirect.scatter.add.f32 [tilespmem:s13], [sflag:$0x3], $0x80, s22, s17, $0xb8;
	[tilespmem:$0x18D40] =	vst v63  }
0x6e: {  	_ =	swait.ge [sflag:s14], $0x2800  }
0x6f: {  	[sflag:s14] =	ssyncset.done $0x0  }
0x70: {  	[sflag:s14] =	ssyncadd.s32 $0xFFFFD800  }
0x71: {  	_ =	swait.ge [sflag:s21], $0x2800  }
0x72: {  	[sflag:s21] =	ssyncset.done $0x0  }
0x73: {  	[sflag:s21] =	ssyncadd.s32 $0xFFFFD800  }
0x74: {  	[spmem:s2] =	stream.indirect.scatter.add.f32 [tilespmem:s19], [sflag:$0x3], $0x80, s23, s17, $0xb8;
	[tilespmem:$0x18D40] =	vst v63  }
0x75: {  	_ =	swait.ge [sflag:s14], $0x2800  }
0x76: {  	s24 =	sshll.u32 s1, $0x6;
	s3 =	sadd.s32 $0x1, s3;
	[sflag:s14] =	ssyncset.done $0x0  }
0x77: {  	s31 =	sshrl.u32 s5, $0x3;
	p0 =	sne.s32 s3, s12;
	[sflag:s14] =	ssyncadd.s32 $0xFFFFD800  }
.Ltmp3:
0x78: {  	s24 =	sor.u32 $0x1C03, s24;
	[bflag:$0x0] =	sbarrier.arrive $0xFFFF;
	(pc) =	sbr.rel @p0 .LBB2_1-.Ltmp3, $4  }
0x79: {  	[hbm:s11], [sflag:s24] =	dma.local [spmem:s31], $0x1400  }
0x7a: {  	_ =	swait.ge [sflag:s14], $0x1400  }
0x7b: {  	[sflag:s14] =	ssyncset.done $0x0  }
0x7c: {  	[sflag:s14] =	ssyncadd.s32 $0xFFFFEC00  }
0x7d: {  	_ =	sfence.sel $0x180000  }
0x7e: {  	[bflag:$0x0] =	sbarrier.arrive $0xFFFF  }
0x7f: {  	p0 =	sne.s32 s1, $0x0;
	_ =	strace $0x9000004D  }
0x80: {  	s0 =	sadd.s32 @!p0 $0x100000, s0;
	[bflag:$0x2] =	sbarrier.arrive $0xFFFF  }
0x81: {  	[sflag:s0] =	ssyncadd.tile.s32 @!p0 $0x1;
	_ =	shalt  }
.Lfunc_end2:
_tile_overlayer_lowered:
.L_overlay_start_2:
0x82: {  	(tag) =	ssettag $0x2  }
0x83: {  	s0 =	rddreg [dreg:$0x0];
	s2 =	stileid.u32  }
0x84: {  	s1 =	rddreg [dreg:$0x1];
	p0 =	sne.s32 s2, $0x0  }
0x85: {  	s3 =	rddreg [dreg:$0x2];
	[bflag:$0x3] =	sbarrier.arrive $0xFFFF;
	s2 =	simm.s32 @!p0 $0x1C03  }
0x86: {  	[timem:s3], [sflag:s2] =	dma.local @!p0 [hbm:s0], s1  }
0x87: {  	s0 =	simm.s32 @!p0 $0x3  }
0x88: {  	_ =	swait.ge @!p0 [sflag:s0], s1  }
0x89: {  	s1 =	ssub.s32 @!p0 $0x0, s1;
	[sflag:s0] =	ssyncset.done @!p0 $0x0  }
0x8a: {  	[sflag:s0] =	ssyncadd.s32 @!p0 s1  }
0x8b: {  	[bflag:$0x3] =	sbarrier.arrive $0xFFFF  }
0x8c: {  	_ =	shalt  }

// kernel: kernel.24.cloned.1.call-start
scs
__scs_entry_jumppad:
0x0: {  	(pc) =	sbr.rel $0x88, $3  }
0x1: {  	(tag) =	ssettag $0x0;
	lr =	simm.s32 $0x1  }
0x2: {  	[smem:$0x3F95] =	sst lr;
	_ =	strace $0xD0000000  }
0x3: {  	_ = 	snop  }
0x4: {  	_ = 	snop  }
0x5: {  	_ = 	snop  }
0x6: {  	_ = 	snop  }
0x7: {  	_ = 	snop  }
__scs_overlays_trampoline_lowered:
0x8: {  	[smem:$0x3FA4] =	sst s0  }
0x9: {  	[smem:$0x3FA5] =	sst s1  }
0xa: {  	[smem:$0x3FA6] =	sst s2  }
0xb: {  	[smem:$0x3FA7] =	sst s3  }
0xc: {  	[smem:$0x3FA8] =	sst s4  }
0xd: {  	[smem:$0x3FA9] =	sst s5  }
0xe: {  	[smem:$0x3FAA] =	sst s6  }
0xf: {  	[smem:$0x3FAB] =	sst s7  }
0x10: {  	[smem:$0x3FAC] =	sst s8  }
0x11: {  	[smem:$0x3FAD] =	sst s9;
	s0 =	simm.s32 @!p0 $0x0  }
0x12: {  	s1 =	sld [smem:$0x3F93];
	s0 =	simm.s32 @p0 $0x1  }
0x13: {  	[smem:$0x3FAE] =	sst s0;
	s0 =	simm.s32 @!p1 $0x0  }
0x14: {  	s2 =	sld [smem:$0x3F92];
	s0 =	simm.s32 @p1 $0x1  }
0x15: {  	[smem:$0x3FAF] =	sst s0;
	s0 =	simm.s32 @!p2 $0x0  }
0x16: {  	s3 =	sld [smem:$0x3FDB];
	s0 =	simm.s32 @p2 $0x1  }
0x17: {  	s4 =	simm.s32 $0x1BF5;
	[smem:$0x3FB1] =	sst s0  }
0x18: {  	s0 =	sld [smem:$0x3F94];
	_ =	swait.ge [sflag:s4], $0x0  }
0x19: {  	s7 =	sld [smem:$0x3F95]  }
0x1a: {  	s8 =	sadd.s32 $0xFFFFE003, lr  }
0x1b: {  	s9 =	sadd.s32 $0xFFFFFEF7, lr;
	s5 =	simm.s32 $0xFFFFFFFF;
	p2 =	slt.u32 s8, $0xFFFFF086  }
0x1c: {  	p1 =	slt.u32 s9, $0xF7A;
	s5 =	simm.s32 @!p2 $0x0  }
0x1d: {  	s5 =	simm.s32 @p1 $0x1;
	p0 =	seq.s32 s7, s2  }
0x1e: {  	s7 =	smul.u32 @!p0 $0xF7A, s2;
	p2 =	seq.s32 @!p0 s5, $0x0  }
0x1f: {  	s9 =	smul.u32 $0xF7A, s1;
	s8 =	simm.s32 @!p0 $0x1BF5;
	p2 =	por !p2, p0  }
0x20: {  	[sflag:s8] =	ssyncset.s32 @!p0 $0xFFFFF086;
	s6 =	sadd.s32 @!p0 s3, s7;
	s7 =	simm.s32 @!p0 $0x108  }
0x21: {  	s3 =	sadd.s32 s3, s9;
	s6 =	sadd.s32 @!p0 $0x88, s6;
	s7 =	simm.s32 @p2 $0x1082  }
0x22: {  	[simem:s7], [sflag:s8] =	dma.local @!p0 [hbm:s6], $0xF7A  }
0x23: {  	s9 =	sor.u32 $0xD0000000, s2;
	s6 =	simm.s32 $0x108;
	_ =	swait.ge @!p0 [sflag:s8], $0x0  }
0x24: {  	s3 =	sadd.s32 $0x88, s3;
	s6 =	simm.s32 @!p1 $0x1082;
	[sflag:s4] =	ssyncset.s32 $0xFFFFF086  }
0x25: {  	[simem:s6], [sflag:s4] =	dma.local [hbm:s3], $0xF7A  }
0x26: {  	[smem:$0x3F95] =	sst s1;
	(tag) =	ssettag s2;
	_ =	strace s9  }
0x27: {  	s1 =	sld [smem:$0x3FA5]  }
0x28: {  	s2 =	sld [smem:$0x3FA6]  }
0x29: {  	s4 =	sld [smem:$0x3FA8]  }
0x2a: {  	p0 =	seq.s32 s5, $0x0;
	s5 =	sld [smem:$0x3FA9]  }
0x2b: {  	s6 =	sld [smem:$0x3FAA]  }
0x2c: {  	s7 =	sld [smem:$0x3FAB]  }
0x2d: {  	s3 =	simm.s32 $0x108;
	s8 =	sld [smem:$0x3FAC]  }
0x2e: {  	s3 =	simm.s32 @!p0 $0x1082;
	s9 =	sld [smem:$0x3FAD]  }
0x2f: {  	lr =	sadd.s32 s0, s3;
	s0 =	sld [smem:$0x3FA4]  }
0x30: {  	s3 =	sld [smem:$0x3FA7]  }
0x31: {  	[smem:$0x3FB0] =	sst s10  }
0x32: {  	s10 =	sld [smem:$0x3FAE];
	_ =	sdelay $0x3  }
0x33: {  	p0 =	seq.s32 s10, $0x1;
	s10 =	sld [smem:$0x3FB0];
	_ =	sdelay $0x3  }
0x34: {  	[smem:$0x3FB0] =	sst s10  }
0x35: {  	s10 =	sld [smem:$0x3FAF];
	_ =	sdelay $0x3  }
0x36: {  	p1 =	seq.s32 s10, $0x1;
	s10 =	sld [smem:$0x3FB0];
	_ =	sdelay $0x3  }
0x37: {  	[smem:$0x3FB0] =	sst s10  }
0x38: {  	s10 =	sld [smem:$0x3FB1]  }
0x39: {  	_ = 	snop;
	(pc) =	sbr.ind lr, $3  }
0x3a: {  	_ = 	snop  }
0x3b: {  	_ = 	snop  }
0x3c: {  	p2 =	seq.s32 s10, $0x1;
	s10 =	sld [smem:$0x3FB0]  }
0x3d: {  	_ =	shalt  }
0x3e: {  	_ =	shalt  }
0x3f: {  	_ =	shalt  }
0x40: {  	_ =	shalt  }
0x41: {  	_ =	shalt  }
0x42: {  	_ =	shalt  }
0x43: {  	_ =	shalt  }
0x44: {  	_ =	shalt  }
0x45: {  	_ =	shalt  }
0x46: {  	_ =	shalt  }
0x47: {  	_ =	shalt  }
0x48: {  	_ =	shalt  }
0x49: {  	_ =	shalt  }
0x4a: {  	_ =	shalt  }
0x4b: {  	_ =	shalt  }
0x4c: {  	_ =	shalt  }
0x4d: {  	_ =	shalt  }
0x4e: {  	_ =	shalt  }
0x4f: {  	_ =	shalt  }
0x50: {  	_ =	shalt  }
0x51: {  	_ =	shalt  }
0x52: {  	_ =	shalt  }
0x53: {  	_ =	shalt  }
0x54: {  	_ =	shalt  }
0x55: {  	_ =	shalt  }
0x56: {  	_ =	shalt  }
0x57: {  	_ =	shalt  }
0x58: {  	_ =	shalt  }
0x59: {  	_ =	shalt  }
0x5a: {  	_ =	shalt  }
0x5b: {  	_ =	shalt  }
0x5c: {  	_ =	shalt  }
0x5d: {  	_ =	shalt  }
0x5e: {  	_ =	shalt  }
0x5f: {  	_ =	shalt  }
0x60: {  	_ =	shalt  }
0x61: {  	_ =	shalt  }
0x62: {  	_ =	shalt  }
0x63: {  	_ =	shalt  }
0x64: {  	_ =	shalt  }
0x65: {  	_ =	shalt  }
0x66: {  	_ =	shalt  }
0x67: {  	_ =	shalt  }
0x68: {  	_ =	shalt  }
0x69: {  	_ =	shalt  }
0x6a: {  	_ =	shalt  }
0x6b: {  	_ =	shalt  }
0x6c: {  	_ =	shalt  }
0x6d: {  	_ =	shalt  }
0x6e: {  	_ =	shalt  }
0x6f: {  	_ =	shalt  }
0x70: {  	_ =	shalt  }
0x71: {  	_ =	shalt  }
0x72: {  	_ =	shalt  }
0x73: {  	_ =	shalt  }
0x74: {  	_ =	shalt  }
0x75: {  	_ =	shalt  }
0x76: {  	_ =	shalt  }
0x77: {  	_ =	shalt  }
0x78: {  	_ =	shalt  }
0x79: {  	_ =	shalt  }
0x7a: {  	_ =	shalt  }
0x7b: {  	_ =	shalt  }
0x7c: {  	_ =	shalt  }
0x7d: {  	_ =	shalt  }
0x7e: {  	_ =	shalt  }
0x7f: {  	_ =	shalt  }
0x80: {  	_ =	shalt  }
0x81: {  	_ =	shalt  }
0x82: {  	_ =	shalt  }
0x83: {  	_ =	shalt  }
0x84: {  	_ =	shalt  }
0x85: {  	_ =	shalt  }
0x86: {  	_ =	shalt  }
0x87: {  	_ =	shalt  }
.Lfunc_end0:
.L_simem_size_0:
called_computation.3_lowered:
.L_overlay_start_0:
0x88: {  	s2 =	sld [smem:$0x3FD9]  }
0x89: {  	s3 =	sld [smem:$0x3FFE];
	_ =	sdelay $0x1  }
0x8a: {  	s1 =	srdreg.scid  }
0x8b: {  	s0 =	sand.u32 $0x1, s1  }
0x8c: {  	s17 =	sshll.u32 s0, $0xA;
	s2 =	sadd.s32 s3, s2  }
0x8d: {  	s2 =	sadd.s32 s2, s17  }
0x8e: {  	[smem:$0x3FBC] =	sst s2  }
0x8f: {  	_ = 	snop  }
0x90: {  	s2 =	sld [smem:$0x3FBF]  }
0x91: {  	s18 =	sld [smem:$0x3FD0];
	(tm) =	ssettm $0x1  }
0x92: {  	s4 =	sld [smem:$0x3FFB];
	_ =	sdelay $0x3  }
0x93: {  	_ =	strace s4  }
0x94: {  	s4 =	sld [smem:$0x3FFC];
	_ =	sdelay $0x3  }
0x95: {  	_ =	strace s4  }
0x96: {  	s4 =	sld [smem:$0x3FFD];
	_ =	sdelay $0x3  }
0x97: {  	_ =	strace s4  }
0x98: {  	_ =	strace $0x8FFFFFFF  }
0x99: {  	s19 =	sld [smem:$0x3FDB];
	_ =	sdelay $0x1  }
0x9a: {  	s5 =	simm.s32 $_scs_section_size  }
0x9b: {  	s6 =	simm.s32 $_size__tile_overlayer_lowered;
	s7 =	simm.s32 $_tile_overlayer_lowered  }
0x9c: {  	s22 =	simm.s32 $0x1BFF;
	s21 =	sshll.u32 s7, $0x1;
	s4 =	sadd.s32 s5, s19  }
0x9d: {  	s8 =	simm.s32 $0x0;
	s20 =	sshll.u32 s6, $0x1;
	s6 =	sadd.s32 s21, s4  }
0x9e: {  	[timem:s8], [sflag:s22] =	dma.local [hbm:s6], s20  }
0x9f: {  	_ =	swait.ge [sflag:s22], s20  }
0xa0: {  	s5 =	ssub.s32 $0x0, s20;
	[sflag:s22] =	ssyncset.done $0x0  }
0xa1: {  	[sflag:s22] =	ssyncadd.s32 s5;
	_ =	sdelay $0x1  }
0xa2: {  	s23 =	simm.s32 $0x1B8B  }
0xa3: {  	_ =	swait.ge [sflag:s23], $0x1  }
0xa4: {  	[sflag:s23] =	ssyncset.done $0x0  }
0xa5: {  	s25 =	simm.s32 $0x1B8E;
	s24 =	sld [smem:$0x3FFE];
	[sflag:s23] =	ssyncadd.s32 $0xFFFFFFFF  }
0xa6: {  	s26 =	simm.s32 $execute0_lowered;
	[smem:$0x3FD2] =	sst s25  }
0xa7: {  	s6 =	sshll.u32 s26, $0x1;
	_ =	strace $0x8000004F;
	[dreg:$0x1] =	wrdreg $0xFFFFFFFF  }
0xa8: {  	s28 =	simm.s32 $_size_execute0_lowered;
	s4 =	sadd.s32 s4, s6;
	[dreg:$0x0] =	wrdreg $0x0  }
0xa9: {  	s6 =	sshll.u32 s28, $0x1;
	[dreg:$0x2] =	wrdreg s4  }
0xaa: {  	[dreg:$0x3] =	wrdreg s6  }
0xab: {  	[dreg:$0x4] =	wrdreg $0xC0  }
0xac: {  	_ =	task [dreg:s8], $0x5FFFF  }
0xad: {  	[dreg:$0x1] =	wrdreg $0xFFFFFFFF  }
0xae: {  	[dreg:$0x0] =	wrdreg $0x60  }
0xaf: {  	[dreg:$0x2] =	wrdreg s24  }
0xb0: {  	[dreg:$0x3] =	wrdreg s18  }
0xb1: {  	[dreg:$0x4] =	wrdreg s2  }
0xb2: {  	[dreg:$0x5] =	wrdreg $0x9  }
0xb3: {  	_ =	task.clear_ibuf [dreg:s8], $0x6FFFF;
	_ =	strace $0x9000004F  }
0xb4: {  	s29 =	simm.s32 $0x9;
	_ =	strace $0x80000051  }
0xb5: {  	_ =	swait.ge [sflag:s29], $0x1  }
0xb6: {  	[sflag:s29] =	ssyncadd.s32 $0xFFFFFFFF  }
0xb7: {  	_ =	strace $0x90000051  }
0xb8: {  	_ =	sfence  }
0xb9: {  	s30 =	sld [smem:$0x0];
	_ =	sdelay $0x2  }
0xba: {  	s31 =	sshll.u32 s1, $0xD;
	s1 =	sshrl.u32 s1, $0x2  }
0xbb: {  	s3 =	sand.u32 $0x4000, s31;
	s1 =	sadd.s32 s1, s30  }
0xbc: {  	s0 =	sor.u32 s3, s0;
	s1 =	sshll.u32 s1, $0x11  }
0xbd: {  	s0 =	sor.u32 s1, s0  }
0xbe: {  	s0 =	sadd.s32 $0x8F2B, s0  }
0xbf: {  	[sflag:s0] =	ssyncadd.remote.s32 $0x1  }
0xc0: {  	_ =	sfence.sel $0xFFFF  }
0xc1: {  	[dreg:$0x0] =	wrdreg $0xFFFFFFFF;
	(pc) =	sbr.abs _section_cstart, $3  }
0xc2: {  	[dreg:$0x1] =	wrdreg $0xFFFFFFFF  }
0xc3: {  	_ =	task.clear_ibuf [dreg:s8], $0x2FFFF;
	_ =	strace $0x9FFFFFFF  }
0xc4: {  	(tm) =	ssettm $0x7FFFFFFF  }
0xc5: {  	_ =	shalt  }
tec
execute0_lowered:
.L_overlay_start_1:
0x0: {  	(tag) =	ssettag $0x1  }
0x1: {  	s7 =	rddreg [dreg:$0x0]  }
0x2: {  	s8 =	rddreg [dreg:$0x1]  }
0x3: {  	s1 =	srdreg.scid;
	s0 =	stileid.u32  }
0x4: {  	s2 =	rddreg [dreg:$0x2];
	s3 =	simm.s32 $0x0;
	s13 =	simm.s32 $0x2780  }
0x5: {  	s14 =	simm.s32 $0x28;
	s15 =	simm.s32 $0x4F00;
	s16 =	simm.s32 $0x7700  }
0x6: {  	s17 =	simm.s32 $0x6300;
	s18 =	simm.s32 $0x27A8;
	s19 =	simm.s32 $0x8B00  }
0x7: {  	s20 =	simm.s32 $0x1;
	s21 =	simm.s32 $0x2;
	s22 =	simm.s32 $0x9F00  }
0x8: {  	s6 =	sand.u32 $0x1, s1;
	s4 =	sshll.u32 s0, $0x1;
	s1 =	rddreg [dreg:$0x3]  }
0x9: {  	s23 =	simm.s32 $0x0;
	[smem:$0x7FF] =	sst s3;
	s4 =	sor.u32 s6, s4  }
0xa: {  	s5 =	sadd.s32 $0x34C00, s7;
	s10 =	ssub.s32 $0x2, s6;
	s4 =	smul.u32 $0x2710, s4  }
0xb: {  	_ =	strace $0x80000050;
	s6 =	sadd.s32 $0xCC00, s7;
	s12 =	sshrl.u32 s10, $0x1  }
0xc: {  	s10 =	ssub.s32 s10, s12;
	s12 =	simm.s32 $0x3;
	s9 =	sshrl.u32 s4, $0x3  }
0xd: {  	s10 =	smax.u32 s10, $0x1;
	s11 =	sadd.s32 s9, s7;
	s7 =	sadd.s32 $0x5CC00, s7  }
0xe: {  	s8 =	sadd.s32 s8, s9;
	s9 =	sadd.s32 $0x2E00, s11;
	s11 =	simm.s32 $0xC700  }
.LBB2_1:
0xf: {  	[tilespmem:s11], [sflag:$0x3] =	stream.linear.gather [hbm4b:s2+s3], $0x80, $0x38;
	[tilespmem:$0xC780] =	vst v63  }
0x10: {  	_ =	swait.ge [sflag:s12], $0x80  }
0x11: {  	[sflag:s12] =	ssyncset.done $0x0  }
0x12: {  	[sflag:s12] =	ssyncadd.s32 $0xFFFFFF80  }
0x13: {  	[tilespmem:s3], [sflag:$0x3] =	stream.linear.gather [hbm4b:s8+s3], $0x2710, $0x38;
	[tilespmem:$0xC780] =	vst v63  }
0x14: {  	_ =	swait.ge [sflag:s12], $0x2710  }
0x15: {  	[sflag:s12] =	ssyncset.done $0x0  }
0x16: {  	[sflag:s12] =	ssyncadd.s32 $0xFFFFD8F0  }
0x17: {  	[tilespmem:s13], [sflag:$0x3] =	stream.linear.gather [hbm4b:s9+s3], $0x2710, $0x38;
	[tilespmem:$0xC780] =	vst v63  }
0x18: {  	_ =	swait.ge [sflag:s12], $0x2710  }
0x19: {  	[sflag:s12] =	ssyncset.done $0x0  }
0x1a: {  	[sflag:s12] =	ssyncadd.s32 $0xFFFFD8F0  }
0x1b: {  	v0 =	vld [tilespmem:$0xC700]  }
0x1c: {  	v1 =	vld [tilespmem:$0xC710]  }
0x1d: {  	v2 =	vld [tilespmem:$0xC720]  }
0x1e: {  	v3 =	vld [tilespmem:$0xC730]  }
0x1f: {  	v4 =	vld [tilespmem:$0xC740]  }
0x20: {  	v5 =	vld [tilespmem:$0xC750]  }
0x21: {  	v6 =	vld [tilespmem:$0xC760]  }
0x22: {  	v7 =	vld [tilespmem:$0xC770];
	[tilespmem:s15], [sflag:$0x1] =	stream.indirect.gather [hbm4b:s5+s14], $0x80, s3, s14, $0xb8  }
0x23: {  	_ = 	snop  }
0x24: {  	[tilespmem:s16], [sflag:$0x1] =	stream.indirect.gather [hbm4b:s6+s14], $0x80, s13, s14, $0xb8;
	[tilespmem:$0xC780] =	vst v63  }
0x25: {  	_ = 	snop  }
0x26: {  	[tilespmem:s17], [sflag:$0x2] =	stream.indirect.gather [hbm4b:s5+s14], $0x80, s14, s14, $0xb8;
	[tilespmem:$0xC780] =	vst v63  }
0x27: {  	s24 =	simm.s32 $0x0  }
0x28: {  	[tilespmem:s19], [sflag:$0x2] =	stream.indirect.gather [hbm4b:s6+s14], $0x80, s18, s14, $0xb8;
	[tilespmem:$0xC780] =	vst v63  }
.LBB2_2:
0x29: {  	_ =	swait.ge [sflag:s20], $0x1400  }
0x2a: {  	[sflag:s20] =	ssyncset.done $0x0  }
0x2b: {  	[sflag:s20] =	ssyncadd.s32 $0xFFFFEC00  }
0x2c: {  	_ =	swait.ge [sflag:s20], $0x1400  }
0x2d: {  	[sflag:s20] =	ssyncset.done $0x0  }
0x2e: {  	s25 =	simm.s32 $0x0;
	[sflag:s20] =	ssyncadd.s32 $0xFFFFEC00  }
0x2f: {  	v8 =	vld [tilespmem:s25+$0x4F00]  }
0x30: {  	v9 =	vld [tilespmem:s25+$0x7700]  }
0x31: {  	v10 =	vld [tilespmem:s25+$0x4F10]  }
0x32: {  	v11 =	vld [tilespmem:s25+$0x7710]  }
0x33: {  	v12 =	vld [tilespmem:s25+$0x4F20]  }
0x34: {  	v13 =	vld [tilespmem:s25+$0x7720]  }
0x35: {  	v14 =	vld [tilespmem:s25+$0x7730];
	v8 =	vadd.f32 v9, v8  }
0x36: {  	v9 =	vld [tilespmem:s25+$0x4F30]  }
0x37: {  	v15 =	vld [tilespmem:s25+$0x4F40];
	v10 =	vadd.f32 v11, v10;
	v8 =	vmax.f32 v8, $0.0e+00  }
0x38: {  	v16 =	vld [tilespmem:s25+$0x7740];
	v8 =	vmul.f32 v8, v0  }
0x39: {  	v17 =	vld [tilespmem:s25+$0x4F50];
	v11 =	vadd.f32 v13, v12;
	v10 =	vmax.f32 v10, $0.0e+00  }
0x3a: {  	v18 =	vld [tilespmem:s25+$0x7750];
	v10 =	vmul.f32 v10, v1;
	v12 =	vadd.f32 $0.0e+00, v8  }
0x3b: {  	v11 =	vmax.f32 v11, $0.0e+00;
	v8 =	vld [tilespmem:s25+$0x4F60];
	v13 =	vadd.f32 v14, v9  }
0x3c: {  	v10 =	vadd.f32 v10, v12;
	v12 =	vmul.f32 v11, v2;
	v11 =	vld [tilespmem:s25+$0x7760]  }
0x3d: {  	v15 =	vadd.f32 v16, v15;
	v9 =	vld [tilespmem:s25+$0x4F70];
	v14 =	vmax.f32 v13, $0.0e+00  }
0x3e: {  	s26 =	simm.s32 $0x80;
	v14 =	vmul.f32 v14, v3;
	v13 =	vadd.f32 v12, v10;
	v12 =	vld [tilespmem:s25+$0x7770]  }
0x3f: {  	s28 =	simm.s32 $0x400;
	v16 =	vmax.f32 v15, $0.0e+00;
	v15 =	vadd.f32 v18, v17;
	v10 =	vld [tilespmem:s26+$0x4F00]  }
.LBB2_3:
0x40: {  	p0 =	sne.s32 s28, $0x4E00;
	v17 =	vld [tilespmem:s26+$0x7700];
	v13 =	vadd.f32 v14, v13;
	v14 =	vmul.f32 v16, v4  }
0x41: {  	v16 =	vld [tilespmem:s26+$0x4F10];
	v15 =	vmax.f32 v15, $0.0e+00;
	v8 =	vadd.f32 v11, v8  }
0x42: {  	v11 =	vld [tilespmem:s26+$0x7710];
	v13 =	vadd.f32 v14, v13;
	v14 =	vmul.f32 v15, v5  }
0x43: {  	v15 =	vld [tilespmem:s26+$0x4F20];
	v8 =	vmax.f32 v8, $0.0e+00;
	v9 =	vadd.f32 v12, v9  }
0x44: {  	v12 =	vld [tilespmem:s26+$0x7720];
	v13 =	vadd.f32 v14, v13;
	v8 =	vmul.f32 v8, v6  }
0x45: {  	v10 =	vadd.f32 v17, v10;
	v14 =	vld [tilespmem:s26+$0x4F30];
	v9 =	vmax.f32 v9, $0.0e+00  }
0x46: {  	v17 =	vld [tilespmem:s26+$0x7730];
	v8 =	vadd.f32 v8, v13;
	v9 =	vmul.f32 v9, v7  }
0x47: {  	v10 =	vmax.f32 v10, $0.0e+00;
	v11 =	vadd.f32 v11, v16;
	v13 =	vld [tilespmem:s26+$0x4F40]  }
0x48: {  	v10 =	vmul.f32 v10, v0;
	v16 =	vld [tilespmem:s26+$0x7740];
	v8 =	vadd.f32 v9, v8  }
0x49: {  	v9 =	vmax.f32 v11, $0.0e+00;
	v11 =	vadd.f32 v12, v15;
	v15 =	vld [tilespmem:s26+$0x4F50]  }
0x4a: {  	v10 =	vadd.f32 $0.0e+00, v10;
	v9 =	vmul.f32 v9, v1;
	v18 =	vld [tilespmem:s26+$0x7750];
	[tilespmem:s25+$0x9F00] =	vst v8;
	s25 =	smov.u32 s26  }
.Ltmp0:
0x4b: {  	v11 =	vmax.f32 v11, $0.0e+00;
	v12 =	vadd.f32 v17, v14;
	v8 =	vld [tilespmem:s25+$0x4F60];
	(pc) =	sbr.rel @p0 .LBB2_3-.Ltmp0, $4  }
0x4c: {  	v10 =	vadd.f32 v9, v10;
	v14 =	vmul.f32 v11, v2;
	v11 =	vld [tilespmem:s25+$0x7760]  }
0x4d: {  	v12 =	vmax.f32 v12, $0.0e+00;
	v16 =	vadd.f32 v16, v13;
	v9 =	vld [tilespmem:s25+$0x4F70]  }
0x4e: {  	s26 =	sshra.s32 s28, $0x2;
	v13 =	vadd.f32 v14, v10;
	v14 =	vmul.f32 v12, v3;
	v12 =	vld [tilespmem:s25+$0x7770]  }
0x4f: {  	s28 =	sadd.s32 $0x200, s28;
	v10 =	vld [tilespmem:s26+$0x4F00];
	v16 =	vmax.f32 v16, $0.0e+00;
	v15 =	vadd.f32 v18, v15  }
0x50: {  	v17 =	vld [tilespmem:s26+$0x7700];
	v13 =	vadd.f32 v14, v13;
	v14 =	vmul.f32 v16, v4  }
0x51: {  	v16 =	vld [tilespmem:s26+$0x4F10];
	v15 =	vmax.f32 v15, $0.0e+00;
	v8 =	vadd.f32 v11, v8  }
0x52: {  	v11 =	vld [tilespmem:s26+$0x7710];
	v13 =	vadd.f32 v14, v13;
	v14 =	vmul.f32 v15, v5  }
0x53: {  	v15 =	vld [tilespmem:s26+$0x4F20];
	v8 =	vmax.f32 v8, $0.0e+00;
	v9 =	vadd.f32 v12, v9  }
0x54: {  	v12 =	vld [tilespmem:s26+$0x7720];
	v13 =	vadd.f32 v14, v13;
	v8 =	vmul.f32 v8, v6  }
0x55: {  	v14 =	vld [tilespmem:s26+$0x4F30];
	v10 =	vadd.f32 v17, v10;
	v9 =	vmax.f32 v9, $0.0e+00  }
0x56: {  	v17 =	vld [tilespmem:s26+$0x7730];
	v8 =	vadd.f32 v8, v13;
	v9 =	vmul.f32 v9, v7  }
0x57: {  	v13 =	vld [tilespmem:s26+$0x4F40];
	v11 =	vadd.f32 v11, v16;
	v10 =	vmax.f32 v10, $0.0e+00  }
0x58: {  	v16 =	vld [tilespmem:s26+$0x7740];
	v10 =	vmul.f32 v10, v0;
	v8 =	vadd.f32 v9, v8  }
0x59: {  	v9 =	vld [tilespmem:s26+$0x4F50];
	v11 =	vmax.f32 v11, $0.0e+00;
	v12 =	vadd.f32 v12, v15  }
0x5a: {  	v15 =	vld [tilespmem:s26+$0x7750];
	v11 =	vmul.f32 v11, v1;
	v10 =	vadd.f32 $0.0e+00, v10;
	[tilespmem:s25+$0x9F00] =	vst v8  }
0x5b: {  	v8 =	vmax.f32 v12, $0.0e+00;
	v12 =	vadd.f32 v17, v14;
	v14 =	vld [tilespmem:s26+$0x4F60]  }
0x5c: {  	v8 =	vmul.f32 v8, v2;
	v10 =	vadd.f32 v11, v10;
	v11 =	vld [tilespmem:s26+$0x7760]  }
0x5d: {  	v13 =	vadd.f32 v16, v13;
	v16 =	vld [tilespmem:s26+$0x4F70];
	v12 =	vmax.f32 v12, $0.0e+00  }
0x5e: {  	v8 =	vadd.f32 v8, v10;
	v10 =	vmul.f32 v12, v3;
	v12 =	vld [tilespmem:s26+$0x7770]  }
0x5f: {  	v13 =	vmax.f32 v13, $0.0e+00;
	v9 =	vadd.f32 v15, v9  }
0x60: {  	v8 =	vadd.f32 v10, v8;
	v10 =	vmul.f32 v13, v4  }
0x61: {  	v9 =	vmax.f32 v9, $0.0e+00;
	v11 =	vadd.f32 v11, v14  }
0x62: {  	v9 =	vmul.f32 v9, v5;
	v8 =	vadd.f32 v10, v8  }
0x63: {  	v10 =	vmax.f32 v11, $0.0e+00;
	v11 =	vadd.f32 v12, v16  }
0x64: {  	v8 =	vadd.f32 v9, v8;
	v9 =	vmul.f32 v10, v6  }
0x65: {  	v10 =	vmax.f32 v11, $0.0e+00  }
0x66: {  	v8 =	vadd.f32 v9, v8;
	v9 =	vmul.f32 v10, v7  }
0x67: {  	p0 =	seq.s32 s24, $0x7C  }
0x68: {  	s25 =	smul.u32 @!p0 $0x50, s24;
	v8 =	vadd.f32 v9, v8;
	_ =	sdelay $0x1  }
0x69: {  	s28 =	simm.s32 @!p0 $0x28;
	s29 =	simm.s32 @!p0 $0x4F00;
	[tilespmem:s26+$0x9F00] =	vst v8;
	s26 =	sadd.s32 @!p0 $0x50, s25  }
0x6a: {  	[tilespmem:s29], [sflag:$0x1] =	stream.indirect.gather @!p0 [hbm4b:s5+s28], $0x80, s26, s28, $0xb8;
	[tilespmem:$0xC780] =	vst v63  }
0x6b: {  	s26 =	sadd.s32 @!p0 $0x27D0, s25;
	s29 =	simm.s32 @!p0 $0x7700  }
0x6c: {  	[tilespmem:s29], [sflag:$0x1] =	stream.indirect.gather @!p0 [hbm4b:s6+s28], $0x80, s26, s28, $0xb8;
	[tilespmem:$0xC780] =	vst v63  }
0x6d: {  	_ =	swait.ge [sflag:s21], $0x1400  }
0x6e: {  	[sflag:s21] =	ssyncset.done $0x0  }
0x6f: {  	[sflag:s21] =	ssyncadd.s32 $0xFFFFEC00  }
0x70: {  	_ =	swait.ge [sflag:s21], $0x1400  }
0x71: {  	[sflag:s21] =	ssyncset.done $0x0  }
0x72: {  	s26 =	simm.s32 $0x0;
	[sflag:s21] =	ssyncadd.s32 $0xFFFFEC00  }
0x73: {  	v8 =	vld [tilespmem:s26+$0x6300]  }
0x74: {  	v9 =	vld [tilespmem:s26+$0x8B00]  }
0x75: {  	v10 =	vld [tilespmem:s26+$0x6310]  }
0x76: {  	v11 =	vld [tilespmem:s26+$0x8B10]  }
0x77: {  	v12 =	vld [tilespmem:s26+$0x6320]  }
0x78: {  	v13 =	vld [tilespmem:s26+$0x8B20]  }
0x79: {  	v14 =	vld [tilespmem:s26+$0x8B30];
	v8 =	vadd.f32 v9, v8  }
0x7a: {  	v9 =	vld [tilespmem:s26+$0x6330]  }
0x7b: {  	v15 =	vld [tilespmem:s26+$0x6340];
	v10 =	vadd.f32 v11, v10;
	v8 =	vmax.f32 v8, $0.0e+00  }
0x7c: {  	v16 =	vld [tilespmem:s26+$0x8B40];
	v8 =	vmul.f32 v8, v0  }
0x7d: {  	v17 =	vld [tilespmem:s26+$0x6350];
	v11 =	vadd.f32 v13, v12;
	v10 =	vmax.f32 v10, $0.0e+00  }
0x7e: {  	v18 =	vld [tilespmem:s26+$0x8B50];
	v10 =	vmul.f32 v10, v1;
	v12 =	vadd.f32 $0.0e+00, v8  }
0x7f: {  	v11 =	vmax.f32 v11, $0.0e+00;
	v8 =	vld [tilespmem:s26+$0x6360];
	v13 =	vadd.f32 v14, v9  }
0x80: {  	v10 =	vadd.f32 v10, v12;
	v12 =	vmul.f32 v11, v2;
	v11 =	vld [tilespmem:s26+$0x8B60]  }
0x81: {  	v15 =	vadd.f32 v16, v15;
	v9 =	vld [tilespmem:s26+$0x6370];
	v14 =	vmax.f32 v13, $0.0e+00  }
0x82: {  	s28 =	simm.s32 $0x80;
	v14 =	vmul.f32 v14, v3;
	v13 =	vadd.f32 v12, v10;
	v12 =	vld [tilespmem:s26+$0x8B70]  }
0x83: {  	s29 =	simm.s32 $0x400;
	v16 =	vmax.f32 v15, $0.0e+00;
	v15 =	vadd.f32 v18, v17;
	v10 =	vld [tilespmem:s28+$0x6300]  }
.LBB2_5:
0x84: {  	p1 =	sne.s32 s29, $0x4E00;
	v17 =	vld [tilespmem:s28+$0x8B00];
	v13 =	vadd.f32 v14, v13;
	v14 =	vmul.f32 v16, v4  }
0x85: {  	v16 =	vld [tilespmem:s28+$0x6310];
	v15 =	vmax.f32 v15, $0.0e+00;
	v8 =	vadd.f32 v11, v8  }
0x86: {  	v11 =	vld [tilespmem:s28+$0x8B10];
	v13 =	vadd.f32 v14, v13;
	v14 =	vmul.f32 v15, v5  }
0x87: {  	v15 =	vld [tilespmem:s28+$0x6320];
	v8 =	vmax.f32 v8, $0.0e+00;
	v9 =	vadd.f32 v12, v9  }
0x88: {  	v12 =	vld [tilespmem:s28+$0x8B20];
	v13 =	vadd.f32 v14, v13;
	v8 =	vmul.f32 v8, v6  }
0x89: {  	v10 =	vadd.f32 v17, v10;
	v14 =	vld [tilespmem:s28+$0x6330];
	v9 =	vmax.f32 v9, $0.0e+00  }
0x8a: {  	v17 =	vld [tilespmem:s28+$0x8B30];
	v8 =	vadd.f32 v8, v13;
	v9 =	vmul.f32 v9, v7  }
0x8b: {  	v10 =	vmax.f32 v10, $0.0e+00;
	v11 =	vadd.f32 v11, v16;
	v13 =	vld [tilespmem:s28+$0x6340]  }
0x8c: {  	v10 =	vmul.f32 v10, v0;
	v16 =	vld [tilespmem:s28+$0x8B40];
	v8 =	vadd.f32 v9, v8  }
0x8d: {  	v9 =	vmax.f32 v11, $0.0e+00;
	v11 =	vadd.f32 v12, v15;
	v15 =	vld [tilespmem:s28+$0x6350]  }
0x8e: {  	v10 =	vadd.f32 $0.0e+00, v10;
	v9 =	vmul.f32 v9, v1;
	v18 =	vld [tilespmem:s28+$0x8B50];
	[tilespmem:s26+$0xB300] =	vst v8;
	s26 =	smov.u32 s28  }
.Ltmp1:
0x8f: {  	v11 =	vmax.f32 v11, $0.0e+00;
	v12 =	vadd.f32 v17, v14;
	v8 =	vld [tilespmem:s26+$0x6360];
	(pc) =	sbr.rel @p1 .LBB2_5-.Ltmp1, $4  }
0x90: {  	v10 =	vadd.f32 v9, v10;
	v14 =	vmul.f32 v11, v2;
	v11 =	vld [tilespmem:s26+$0x8B60]  }
0x91: {  	v12 =	vmax.f32 v12, $0.0e+00;
	v16 =	vadd.f32 v16, v13;
	v9 =	vld [tilespmem:s26+$0x6370]  }
0x92: {  	s28 =	sshra.s32 s29, $0x2;
	v13 =	vadd.f32 v14, v10;
	v14 =	vmul.f32 v12, v3;
	v12 =	vld [tilespmem:s26+$0x8B70]  }
0x93: {  	s29 =	sadd.s32 $0x200, s29;
	v10 =	vld [tilespmem:s28+$0x6300];
	v16 =	vmax.f32 v16, $0.0e+00;
	v15 =	vadd.f32 v18, v15  }
0x94: {  	v17 =	vld [tilespmem:s28+$0x8B00];
	v13 =	vadd.f32 v14, v13;
	v40 =	vmul.f32 v16, v4  }
0x95: {  	v41 =	vld [tilespmem:s28+$0x6310];
	v15 =	vmax.f32 v15, $0.0e+00;
	v8 =	vadd.f32 v11, v8  }
0x96: {  	v42 =	vld [tilespmem:s28+$0x8B10];
	v13 =	vadd.f32 v40, v13;
	v43 =	vmul.f32 v15, v5  }
0x97: {  	v44 =	vld [tilespmem:s28+$0x6320];
	v8 =	vmax.f32 v8, $0.0e+00;
	v9 =	vadd.f32 v12, v9  }
0x98: {  	v45 =	vld [tilespmem:s28+$0x8B20];
	v13 =	vadd.f32 v43, v13;
	v8 =	vmul.f32 v8, v6  }
0x99: {  	v46 =	vld [tilespmem:s28+$0x6330];
	v10 =	vadd.f32 v17, v10;
	v9 =	vmax.f32 v9, $0.0e+00  }
0x9a: {  	v47 =	vld [tilespmem:s28+$0x8B30];
	v8 =	vadd.f32 v8, v13;
	v9 =	vmul.f32 v9, v7  }
0x9b: {  	v48 =	vld [tilespmem:s28+$0x6340];
	v11 =	vadd.f32 v42, v41;
	v10 =	vmax.f32 v10, $0.0e+00  }
0x9c: {  	v49 =	vld [tilespmem:s28+$0x8B40];
	v10 =	vmul.f32 v10, v0;
	v8 =	vadd.f32 v9, v8  }
0x9d: {  	v50 =	vld [tilespmem:s28+$0x6350];
	v12 =	vadd.f32 v45, v44;
	v11 =	vmax.f32 v11, $0.0e+00  }
0x9e: {  	v51 =	vld [tilespmem:s28+$0x8B50];
	v11 =	vmul.f32 v11, v1;
	v10 =	vadd.f32 $0.0e+00, v10;
	[tilespmem:s26+$0xB300] =	vst v8  }
0x9f: {  	v52 =	vadd.f32 v47, v46;
	v8 =	vmax.f32 v12, $0.0e+00;
	v53 =	vld [tilespmem:s28+$0x6360]  }
0xa0: {  	v8 =	vmul.f32 v8, v2;
	v54 =	vld [tilespmem:s28+$0x8B60];
	v10 =	vadd.f32 v11, v10  }
0xa1: {  	v13 =	vadd.f32 v49, v48;
	v12 =	vmax.f32 v52, $0.0e+00;
	v55 =	vld [tilespmem:s28+$0x6370]  }
0xa2: {  	v56 =	vmul.f32 v12, v3;
	v57 =	vld [tilespmem:s28+$0x8B70];
	v8 =	vadd.f32 v8, v10  }
0xa3: {  	v13 =	vmax.f32 v13, $0.0e+00;
	v9 =	vadd.f32 v51, v50  }
0xa4: {  	v58 =	vmul.f32 v13, v4;
	v8 =	vadd.f32 v56, v8  }
0xa5: {  	v9 =	vmax.f32 v9, $0.0e+00;
	v11 =	vadd.f32 v54, v53  }
0xa6: {  	v9 =	vmul.f32 v9, v5;
	v8 =	vadd.f32 v58, v8  }
0xa7: {  	v60 =	vadd.f32 v57, v55;
	v59 =	vmax.f32 v11, $0.0e+00  }
0xa8: {  	v61 =	vmul.f32 v59, v6;
	v8 =	vadd.f32 v9, v8  }
0xa9: {  	v62 =	vmax.f32 v60, $0.0e+00  }
0xaa: {  	v63 =	vmul.f32 v62, v7;
	v8 =	vadd.f32 v61, v8;
	_ =	sdelay $0x1  }
0xab: {  	v8 =	vadd.f32 v63, v8;
	_ =	sdelay $0x1  }
0xac: {  	s29 =	simm.s32 @!p0 $0x6300;
	s26 =	sadd.s32 @!p0 $0x78, s25;
	[tilespmem:s28+$0xB300] =	vst v8;
	s28 =	simm.s32 @!p0 $0x28  }
0xad: {  	[tilespmem:s29], [sflag:$0x2] =	stream.indirect.gather @!p0 [hbm4b:s5+s28], $0x80, s26, s28, $0xb8;
	[tilespmem:$0xC780] =	vst v63  }
0xae: {  	s26 =	sadd.s32 @!p0 $0x27F8, s25;
	s25 =	simm.s32 @p0 $0x26C0  }
0xaf: {  	s24 =	sadd.s32 $0x1, s24;
	s29 =	simm.s32 @!p0 $0x8B00;
	s25 =	sadd.s32 s4, s25  }
0xb0: {  	[tilespmem:s29], [sflag:$0x2] =	stream.indirect.gather @!p0 [hbm4b:s6+s28], $0x80, s26, s28, $0xb8;
	[tilespmem:$0xC780] =	vst v63  }
0xb1: {  	s25 =	sshll.u32 s25, $0x4;
	p0 =	sne.s32 s24, $0x7D  }
.Ltmp2:
0xb2: {  	s25 =	sadd.s32 s7, s25;
	(pc) =	sbr.rel @p0 .LBB2_2-.Ltmp2, $4  }
0xb3: {  	[hbm4b:s25+s3] =	stream.linear.scatter [tilespmem:s22], [sflag:$0x3], $0x2800, $0x38;
	[tilespmem:$0xC780] =	vst v63  }
0xb4: {  	_ =	swait.ge [sflag:s12], $0x2800  }
0xb5: {  	[sflag:s12] =	ssyncset.done $0x0  }
0xb6: {  	[sflag:s12] =	ssyncadd.s32 $0xFFFFD800  }
0xb7: {  	s23 =	sadd.s32 $0x1, s23  }
0xb8: {  	p0 =	sne.s32 s23, s10  }
.Ltmp3:
0xb9: {  	_ = 	snop;
	(pc) =	sbr.rel @p0 .LBB2_1-.Ltmp3, $1  }
0xba: {  	_ =	sdelay $0x3  }
0xbb: {  	_ =	sfence.sel $0x180000  }
0xbc: {  	[bflag:$0x0] =	sbarrier.arrive $0xFFFF  }
0xbd: {  	p0 =	sne.s32 s0, $0x0;
	_ =	strace $0x90000050  }
0xbe: {  	s0 =	sadd.s32 @!p0 $0x100000, s1;
	[bflag:$0x2] =	sbarrier.arrive $0xFFFF  }
0xbf: {  	[sflag:s0] =	ssyncadd.tile.s32 @!p0 $0x1;
	_ =	shalt  }
.Lfunc_end2:
_tile_overlayer_lowered:
.L_overlay_start_2:
0xc0: {  	(tag) =	ssettag $0x2  }
0xc1: {  	s0 =	rddreg [dreg:$0x0];
	s2 =	stileid.u32  }
0xc2: {  	s1 =	rddreg [dreg:$0x1];
	p0 =	sne.s32 s2, $0x0  }
0xc3: {  	s3 =	rddreg [dreg:$0x2];
	[bflag:$0x3] =	sbarrier.arrive $0xFFFF;
	s2 =	simm.s32 @!p0 $0x1C03  }
0xc4: {  	[timem:s3], [sflag:s2] =	dma.local @!p0 [hbm:s0], s1  }
0xc5: {  	s0 =	simm.s32 @!p0 $0x3  }
0xc6: {  	_ =	swait.ge @!p0 [sflag:s0], s1  }
0xc7: {  	s1 =	ssub.s32 @!p0 $0x0, s1;
	[sflag:s0] =	ssyncset.done @!p0 $0x0  }
0xc8: {  	[sflag:s0] =	ssyncadd.s32 @!p0 s1  }
0xc9: {  	[bflag:$0x3] =	sbarrier.arrive $0xFFFF  }
0xca: {  	_ =	shalt  }

</sc_bundles>
